<compile_context>
chip_gen: v7x
topology: tpu7x:2x2x1
jax: 0.10.2.dev20260603
libtpu: 0.0.44.dev20260713+nightly
codegen_flags: <defaults>
</compile_context>

<pallas_src>
import functools

import jax
import jax.numpy as jnp
from jax import lax
from jax.experimental import pallas as pl
from jax.experimental.pallas import tpu as pltpu
from jax.experimental.pallas import tpu_sc as plsc

B, N, D, H, C = 8, 4096, 1024, 512, 2
K = 2867
KPAD = 2896
NC, NS = 2, 16
NT = 512

GQ = 720
GREM = K - 3 * GQ
CH = 48
NFULL_Q = GQ // CH
NFULL_R = GREM // CH
REM = GREM - NFULL_R * CH


def _mlp_body(x_ref, w1_ref, b1_ref, wa_ref, ba_ref, out_ref):
    x = x_ref[0]
    h = lax.dot_general(x, w1_ref[...], (((1,), (1,)), ((), ())),
                        preferred_element_type=jnp.float32,
                        precision=lax.Precision.DEFAULT)
    h = jnp.maximum(h + b1_ref[...], 0.0)
    a = lax.dot_general(wa_ref[...], h, (((1,), (1,)), ((), ())),
                        preferred_element_type=jnp.float32,
                        precision=lax.Precision.DEFAULT)
    out_ref[0] = a + ba_ref[...]


def _mlp(features, W1, b1, Wa, ba):
    return pl.pallas_call(
        _mlp_body,
        grid=(B, N // NT),
        in_specs=[
            pl.BlockSpec((1, NT, D), lambda b, n: (b, n, 0)),
            pl.BlockSpec((H, D), lambda b, n: (0, 0)),
            pl.BlockSpec((1, H), lambda b, n: (0, 0)),
            pl.BlockSpec((C, H), lambda b, n: (0, 0)),
            pl.BlockSpec((C, 1), lambda b, n: (0, 0)),
        ],
        out_specs=pl.BlockSpec((1, C, NT), lambda b, n: (b, 0, n)),
        out_shape=jax.ShapeDtypeStruct((B, C, N), jnp.float32),
    )(features, W1, b1.reshape(1, H), Wa, ba.reshape(C, 1))


def _softmax_select_body(a_ref, comb_ref, thr_ref, need_ref):
    a = a_ref[...]
    m = jnp.max(a, axis=2, keepdims=True)
    e = jnp.exp(a - m)
    s = jnp.sum(e, axis=2, keepdims=True)
    comb = jnp.mean(e / s, axis=1)
    comb_ref[...] = comb

    lo = jnp.zeros((B, 1), jnp.int32)
    hi = jnp.full((B, 1), 0x7F000000, jnp.int32)

    def it(_, lh):
        lo, hi = lh
        mid = lo + (hi - lo) // 2
        midf = lax.bitcast_convert_type(mid, jnp.float32)
        cnt = jnp.sum((comb > midf).astype(jnp.int32), axis=1,
                      keepdims=True)
        ge = cnt >= K
        return jnp.where(ge, mid, lo), jnp.where(ge, hi, mid)

    _, hi = lax.fori_loop(0, 31, it, (lo, hi))
    thr = lax.bitcast_convert_type(hi, jnp.float32)
    cgt = jnp.sum((comb > thr).astype(jnp.int32), axis=1, keepdims=True)
    thr_ref[...] = jnp.broadcast_to(thr, (B, 16))
    need_ref[...] = jnp.broadcast_to(K - cgt, (B, 16))


def _softmax_select(a_t):
    return pl.pallas_call(
        _softmax_select_body,
        out_shape=(
            jax.ShapeDtypeStruct((B, N), jnp.float32),
            jax.ShapeDtypeStruct((B, 16), jnp.float32),
            jax.ShapeDtypeStruct((B, 16), jnp.int32),
        ),
    )(a_t)


def _topk_idx_body(comb_hbm, thr_hbm, need_hbm, idx_hbm, idxg_hbm,
                   comb_v, thr_v, need_v, idx_v, idxg_v):
    wid = lax.axis_index("s") * NC + lax.axis_index("c")

    @pl.when(wid < B)
    def _():
        b = wid
        pltpu.sync_copy(comb_hbm.at[b], comb_v)
        pltpu.sync_copy(thr_hbm.at[b], thr_v)
        pltpu.sync_copy(need_hbm.at[b], need_v)
        thr = thr_v[...]
        need = need_v[...]
        idx_v[pl.ds(KPAD - 16, 16)] = jnp.zeros((16,), jnp.int32)
        idx_v[pl.ds(KPAD - 32, 16)] = jnp.zeros((16,), jnp.int32)
        idxg_v[pl.ds(KPAD - 16, 16)] = jnp.zeros((16,), jnp.int32) + b * N
        idxg_v[pl.ds(KPAD - 32, 16)] = jnp.zeros((16,), jnp.int32) + b * N

        def chunk(i, carry):
            o, neq = carry
            v = comb_v[pl.ds(i * 16, 16)]
            gt = v > thr
            eq = v == thr
            eqc = jnp.where(eq, 1, 0)
            excl = plsc.cumsum(eqc) - eqc
            take = eq & ((neq + excl) < need)
            sel = gt | take
            ids = lax.iota(jnp.int32, 16) + i * 16
            plsc.store_compressed(idx_v.at[pl.ds(o, 16)], ids, mask=sel)
            plsc.store_compressed(idxg_v.at[pl.ds(o, 16)], ids + b * N,
                                  mask=sel)
            return (o + jnp.sum(jnp.where(sel, 1, 0)),
                    neq + jnp.sum(eqc))

        lax.fori_loop(0, N // 16, chunk, (0, 0))
        pltpu.sync_copy(idx_v, idx_hbm.at[b])
        pltpu.sync_copy(idxg_v, idxg_hbm.at[b])


def _topk_idx(combined, thrb, needb):
    mesh = plsc.VectorSubcoreMesh(core_axis_name="c", subcore_axis_name="s")
    call = pl.kernel(
        _topk_idx_body,
        out_type=(jax.ShapeDtypeStruct((B, KPAD), jnp.int32),
                  jax.ShapeDtypeStruct((B, KPAD), jnp.int32)),
        mesh=mesh,
        compiler_params=pltpu.CompilerParams(needs_layout_passes=False),
        scratch_types=[
            pltpu.VMEM((N,), jnp.float32),
            pltpu.VMEM((16,), jnp.float32),
            pltpu.VMEM((16,), jnp.int32),
            pltpu.VMEM((KPAD,), jnp.int32),
            pltpu.VMEM((KPAD,), jnp.int32),
        ],
    )
    return call(combined, thrb, needb)


NCHW = 15
KOUT = 2880


def _gather_body(feat_hbm, idxgf_hbm, out_hbm, idxc_v, rows_v, sem, sem2):
    wid = lax.axis_index("s") * NC + lax.axis_index("c")
    b = wid // 4
    q = wid % 4
    base = q * (KOUT // 4)

    hs = []
    for i in range(NCHW):
        if i >= 2:
            hs[i - 2].wait()
        start = pl.multiple_of(base + i * CH, 8)
        buf = rows_v.at[pl.ds((i % 2) * CH, CH)]
        pltpu.sync_copy(idxgf_hbm.at[pl.ds(b * KPAD + start, CH)], idxc_v)
        pltpu.async_copy(feat_hbm.at[idxc_v], buf, sem).wait()
        hs.append(pltpu.async_copy(buf, out_hbm.at[b, pl.ds(start, CH)],
                                   sem2))
    hs[-2].wait()
    hs[-1].wait()


def _gather(feat_flat, idxg):
    mesh = plsc.VectorSubcoreMesh(core_axis_name="c", subcore_axis_name="s")
    call = pl.kernel(
        _gather_body,
        out_type=jax.ShapeDtypeStruct((B, KOUT, D), jnp.float32),
        mesh=mesh,
        compiler_params=pltpu.CompilerParams(needs_layout_passes=False),
        scratch_types=[
            pltpu.VMEM((CH,), jnp.int32),
            pltpu.VMEM((2 * CH, D), jnp.float32),
            pltpu.SemaphoreType.DMA,
            pltpu.SemaphoreType.DMA,
        ],
    )
    return call(feat_flat, idxg.reshape(B * KPAD))


def kernel(features, W1, b1, Wa, ba):
    a_t = _mlp(features, W1, b1, Wa, ba)
    combined, thrb, needb = _softmax_select(a_t)
    idxp, idxg = _topk_idx(combined, thrb, needb)
    selected = _gather(features.reshape(B * N, D), idxg)
    return (selected[:, :K], combined, idxp[:, :K])

# --- scband reference (transcript-rebuilt; emitter-appended) ---
"""Pipeline reference for scband-clamselector-76493367542296 (READ-ONLY COPY).

The authoritative reference and input builder live on the scoring server;
editing this copy changes nothing except your own understanding.
"""

import jax, jax.numpy as jnp
import numpy as np


def setup_inputs(seed: int = 0) -> dict:
    key = jax.random.key(seed)
    k1, k2, k3 = jax.random.split(key, 3)
    B, N, D, H, C = 8, 4096, 1024, 512, 2
    features = jax.random.normal(k1, (B, N, D), dtype=jnp.float32)
    W1 = jax.random.normal(k2, (H, D), dtype=jnp.float32) * 0.02
    b1 = jnp.zeros((H,), dtype=jnp.float32)
    Wa = jax.random.normal(k3, (C, H), dtype=jnp.float32) * 0.02
    ba = jnp.zeros((C,), dtype=jnp.float32)
    return {"features": features, "W1": W1, "b1": b1, "Wa": Wa, "ba": ba}


def reference(features, W1, b1, Wa, ba):
    # attention_net (dropout is identity in eval): Linear -> ReLU
    B, N, D = features.shape
    h = jax.nn.relu(jnp.einsum('bnd,hd->bnh', features, W1) + b1)  # [B,N,H]
    # per-class attention branches: Linear(H,1) per class, stacked
    a = jnp.einsum('bnh,ch->bnc', h, Wa) + ba  # [B,N,C]
    attn_all = jax.nn.softmax(jnp.transpose(a, (0, 2, 1)), axis=-1)  # [B,C,N]
    combined = attn_all.mean(axis=1)  # [B,N]
    # _compute_k: top_k is None -> min(max(int(N*top_ratio), min_patches), N)
    k = min(max(int(N * 0.7), 128), N)
    _, idx = jax.lax.top_k(combined, k)  # [B,k]
    idx = jnp.sort(idx, axis=-1)
    selected = jnp.take_along_axis(features, idx[:, :, None], axis=1)  # [B,k,D]
    return (selected, combined, idx)

if __name__ == "__main__":
    import jax
    _d = setup_inputs()
    print(jax.jit(kernel)(*tuple(_d.values())))

</pallas_src>

<mosaic_0001>
#map = affine_map<(d0, d1) -> (0, 0)>
#map1 = affine_map<(d0, d1) -> (0)>
#map2 = affine_map<(d0, d1) -> (0, 0, 0)>
module attributes {stable_mosaic.version = 14 : i64} {
  func.func @_gather_body(%arg0: i32, %arg1: i32, %arg2: memref<32768x1024xf32, #tpu.memory_space<hbm>>, %arg3: memref<23168xi32, #tpu.memory_space<hbm>>, %arg4: memref<8x2880x1024xf32, #tpu.memory_space<hbm>>, %arg5: memref<48xi32, #tpu.memory_space<vmem>>, %arg6: memref<96x1024xf32, #tpu.memory_space<vmem>>, %arg7: memref<!tpu.dma_semaphore, #tpu.memory_space<semaphore_mem>>, %arg8: memref<!tpu.dma_semaphore, #tpu.memory_space<semaphore_mem>>) attributes {dimension_semantics = [#tpu.dimension_semantics<core_parallel>, #tpu.dimension_semantics<subcore_parallel>], iteration_bounds = array<i64: 2, 16>, scalar_prefetch = 0 : i64, scratch_operands = 4 : i64, tpu.core_type = #tpu.core_type<sc_vector_subcore>, window_params = [{transform_indices = #map}, {transform_indices = #map1}, {transform_indices = #map2}]} {
    %mul3A = arith.constant 2 : i32
    %mul3A_0 = arith.muli %arg1, %mul3A : i32
    %add3A = arith.addi %mul3A_0, %arg0 : i32
    %jit3A = arith.constant 4 : i32
    %div3A = arith.divsi %add3A, %jit3A : i32
    %sign3A = arith.constant 0 : i32
    %sign3A_1 = arith.cmpi sgt, %add3A, %sign3A : i32
    %sign3A_2 = arith.extui %sign3A_1 : i1 to i32
    %sign3A_3 = arith.constant 0 : i32
    %sign3A_4 = arith.cmpi slt, %add3A, %sign3A_3 : i32
    %sign3A_5 = arith.extui %sign3A_4 : i1 to i32
    %sign3A_6 = arith.subi %sign3A_2, %sign3A_5 : i32
    %sign3A_7 = arith.constant 0 : i32
    %sign3A_8 = arith.cmpi sgt, %jit3A, %sign3A_7 : i32
    %sign3A_9 = arith.extui %sign3A_8 : i1 to i32
    %sign3A_10 = arith.constant 0 : i32
    %sign3A_11 = arith.cmpi slt, %jit3A, %sign3A_10 : i32
    %sign3A_12 = arith.extui %sign3A_11 : i1 to i32
    %sign3A_13 = arith.subi %sign3A_9, %sign3A_12 : i32
    %ne3A = arith.cmpi ne, %sign3A_6, %sign3A_13 : i32
    %rem3A = arith.remsi %add3A, %jit3A : i32
    %ne3A_14 = arith.constant 0 : i32
    %ne3A_15 = arith.cmpi ne, %rem3A, %ne3A_14 : i32
    %and3A = arith.andi %ne3A, %ne3A_15 : i1
    %sub3A = arith.constant 1 : i32
    %sub3A_16 = arith.subi %div3A, %sub3A : i32
    %select_n3A = arith.select %and3A, %sub3A_16, %div3A : i32
    %jit3A_17 = arith.constant 4 : i32
    %eq3A = arith.constant 0 : i32
    %eq3A_18 = arith.cmpi eq, %jit3A_17, %eq3A : i32
    %jit3A_19 = arith.constant 1 : i32
    %select_n3A_20 = arith.select %eq3A_18, %jit3A_19, %jit3A_17 : i32
    %rem3A_21 = arith.remsi %add3A, %select_n3A_20 : i32
    %ne3A_22 = arith.constant 0 : i32
    %ne3A_23 = arith.cmpi ne, %rem3A_21, %ne3A_22 : i32
    %lt3A = arith.constant 0 : i32
    %lt3A_24 = arith.cmpi slt, %rem3A_21, %lt3A : i32
    %lt3A_25 = arith.constant 0 : i32
    %lt3A_26 = arith.cmpi slt, %select_n3A_20, %lt3A_25 : i32
    %ne3A_27 = arith.xori %lt3A_24, %lt3A_26 : i1
    %and3A_28 = arith.andi %ne3A_27, %ne3A_23 : i1
    %add3A_29 = arith.addi %rem3A_21, %select_n3A_20 : i32
    %select_n3A_30 = arith.select %and3A_28, %add3A_29, %rem3A_21 : i32
    %mul3A_31 = arith.constant 720 : i32
    %mul3A_32 = arith.muli %select_n3A_30, %mul3A_31 : i32
    %add3A_33 = arith.constant 0 : i32
    %add3A_34 = arith.addi %mul3A_32, %add3A_33 : i32
    %multiple_of3A = tpu.assume_multiple %add3A_34, 8 : i32
    %mul3A_35 = arith.constant 2896 : i32
    %mul3A_36 = arith.muli %select_n3A, %mul3A_35 : i32
    %add3A_37 = arith.addi %mul3A_36, %multiple_of3A : i32
    "tpu.region"() ({
      %run_scoped3A = tpu.sem_alloc : memref<!tpu.dma_semaphore, #tpu.memory_space<semaphore_mem>>
      %dma_start3A_660 = tpu.memref_slice %arg3[%add3A_37] : memref<23168xi32, #tpu.memory_space<hbm>> -> memref<48xi32, #tpu.memory_space<hbm>>
      %dma_start3A_661 = tpu.memref_slice %arg3[%add3A_37] : memref<23168xi32, #tpu.memory_space<hbm>> -> memref<48xi32, #tpu.memory_space<hbm>>
      tpu.enqueue_dma source(%dma_start3A_661 : memref<48xi32, #tpu.memory_space<hbm>>) target(%arg5 : memref<48xi32, #tpu.memory_space<vmem>>) target_semaphore(%run_scoped3A : memref<!tpu.dma_semaphore, #tpu.memory_space<semaphore_mem>>)
      %dma_wait3A_662 = tpu.memref_slice %arg3[%add3A_37] : memref<23168xi32, #tpu.memory_space<hbm>> -> memref<48xi32, #tpu.memory_space<hbm>>
      %dma_wait3A_663 = tpu.memref_slice %arg3[%add3A_37] : memref<23168xi32, #tpu.memory_space<hbm>> -> memref<48xi32, #tpu.memory_space<hbm>>
      tpu.wait_dma2 semaphore(%run_scoped3A : memref<!tpu.dma_semaphore, #tpu.memory_space<semaphore_mem>>) src(%dma_wait3A_663 : memref<48xi32, #tpu.memory_space<hbm>>) dst(%arg5 : memref<48xi32, #tpu.memory_space<vmem>>)
      tpu.yield
    }) : () -> ()
    %dma_start3A = arith.constant 0 : i32
    %dma_start3A_38 = arith.constant 0 : i32
    %dma_start3A_39 = tpu.memref_slice %arg6[%dma_start3A, %dma_start3A_38] : memref<96x1024xf32, #tpu.memory_space<vmem>> -> memref<48x1024xf32, #tpu.memory_space<vmem>>
    %dma_start3A_40 = arith.constant 0 : i32
    %dma_start3A_41 = arith.constant 0 : i32
    %dma_start3A_42 = tpu.memref_slice %arg2[%dma_start3A_40, %dma_start3A_41] : memref<32768x1024xf32, #tpu.memory_space<hbm>> -> memref<32768x1024xf32, #tpu.memory_space<hbm>>
    tpu.enqueue_indirect_dma source(%dma_start3A_42 : memref<32768x1024xf32, #tpu.memory_space<hbm>>) target(%dma_start3A_39 : memref<48x1024xf32, #tpu.memory_space<vmem>>) offsets(%arg5 : memref<48xi32, #tpu.memory_space<vmem>>) semaphore(%arg7 : memref<!tpu.dma_semaphore, #tpu.memory_space<semaphore_mem>>)
    %dma_wait3A = arith.constant 0 : i32
    %dma_wait3A_43 = arith.constant 0 : i32
    %dma_wait3A_44 = tpu.memref_slice %arg6[%dma_wait3A, %dma_wait3A_43] : memref<96x1024xf32, #tpu.memory_space<vmem>> -> memref<48x1024xf32, #tpu.memory_space<vmem>>
    %dma_wait3A_45 = arith.constant 0 : i32
    %dma_wait3A_46 = arith.constant 0 : i32
    %dma_wait3A_47 = tpu.memref_slice %arg2[%dma_wait3A_45, %dma_wait3A_46] : memref<32768x1024xf32, #tpu.memory_space<hbm>> -> memref<32768x1024xf32, #tpu.memory_space<hbm>>
    tpu.wait_indirect_dma semaphore(%arg7 : memref<!tpu.dma_semaphore, #tpu.memory_space<semaphore_mem>>) src(%dma_wait3A_47 : memref<32768x1024xf32, #tpu.memory_space<hbm>>) dst(%dma_wait3A_44 : memref<48x1024xf32, #tpu.memory_space<vmem>>)
    %dma_start3A_48 = arith.constant 0 : i32
    %dma_start3A_49 = arith.constant 0 : i32
    %dma_start3A_50 = tpu.memref_slice %arg6[%dma_start3A_48, %dma_start3A_49] : memref<96x1024xf32, #tpu.memory_space<vmem>> -> memref<48x1024xf32, #tpu.memory_space<vmem>>
    %dma_start3A_51 = arith.constant 0 : i32
    %dma_start3A_52 = tpu.memref_slice %arg4[%select_n3A, %multiple_of3A, %dma_start3A_51] : memref<8x2880x1024xf32, #tpu.memory_space<hbm>> -> memref<1x48x1024xf32, #tpu.memory_space<hbm>>
    %dma_start3A_53 = tpu.memref_squeeze %dma_start3A_52 : memref<1x48x1024xf32, #tpu.memory_space<hbm>> -> memref<48x1024xf32, #tpu.memory_space<hbm>>
    %dma_start3A_54 = arith.constant 0 : i32
    %dma_start3A_55 = tpu.memref_slice %arg4[%select_n3A, %multiple_of3A, %dma_start3A_54] : memref<8x2880x1024xf32, #tpu.memory_space<hbm>> -> memref<1x48x1024xf32, #tpu.memory_space<hbm>>
    %dma_start3A_56 = tpu.memref_squeeze %dma_start3A_55 : memref<1x48x1024xf32, #tpu.memory_space<hbm>> -> memref<48x1024xf32, #tpu.memory_space<hbm>>
    %dma_start3A_57 = arith.constant 0 : i32
    %dma_start3A_58 = arith.constant 0 : i32
    %dma_start3A_59 = tpu.memref_slice %arg6[%dma_start3A_57, %dma_start3A_58] : memref<96x1024xf32, #tpu.memory_space<vmem>> -> memref<48x1024xf32, #tpu.memory_space<vmem>>
    tpu.enqueue_dma source(%dma_start3A_59 : memref<48x1024xf32, #tpu.memory_space<vmem>>) target(%dma_start3A_56 : memref<48x1024xf32, #tpu.memory_space<hbm>>) target_semaphore(%arg8 : memref<!tpu.dma_semaphore, #tpu.memory_space<semaphore_mem>>)
    %add3A_60 = arith.constant 48 : i32
    %add3A_61 = arith.addi %mul3A_32, %add3A_60 : i32
    %multiple_of3A_62 = tpu.assume_multiple %add3A_61, 8 : i32
    %mul3A_63 = arith.constant 2896 : i32
    %mul3A_64 = arith.muli %select_n3A, %mul3A_63 : i32
    %add3A_65 = arith.addi %mul3A_64, %multiple_of3A_62 : i32
    "tpu.region"() ({
      %run_scoped3A = tpu.sem_alloc : memref<!tpu.dma_semaphore, #tpu.memory_space<semaphore_mem>>
      %dma_start3A_660 = tpu.memref_slice %arg3[%add3A_65] : memref<23168xi32, #tpu.memory_space<hbm>> -> memref<48xi32, #tpu.memory_space<hbm>>
      %dma_start3A_661 = tpu.memref_slice %arg3[%add3A_65] : memref<23168xi32, #tpu.memory_space<hbm>> -> memref<48xi32, #tpu.memory_space<hbm>>
      tpu.enqueue_dma source(%dma_start3A_661 : memref<48xi32, #tpu.memory_space<hbm>>) target(%arg5 : memref<48xi32, #tpu.memory_space<vmem>>) target_semaphore(%run_scoped3A : memref<!tpu.dma_semaphore, #tpu.memory_space<semaphore_mem>>)
      %dma_wait3A_662 = tpu.memref_slice %arg3[%add3A_65] : memref<23168xi32, #tpu.memory_space<hbm>> -> memref<48xi32, #tpu.memory_space<hbm>>
      %dma_wait3A_663 = tpu.memref_slice %arg3[%add3A_65] : memref<23168xi32, #tpu.memory_space<hbm>> -> memref<48xi32, #tpu.memory_space<hbm>>
      tpu.wait_dma2 semaphore(%run_scoped3A : memref<!tpu.dma_semaphore, #tpu.memory_space<semaphore_mem>>) src(%dma_wait3A_663 : memref<48xi32, #tpu.memory_space<hbm>>) dst(%arg5 : memref<48xi32, #tpu.memory_space<vmem>>)
      tpu.yield
    }) : () -> ()
    %dma_start3A_66 = arith.constant 48 : i32
    %dma_start3A_67 = arith.constant 0 : i32
    %dma_start3A_68 = tpu.memref_slice %arg6[%dma_start3A_66, %dma_start3A_67] : memref<96x1024xf32, #tpu.memory_space<vmem>> -> memref<48x1024xf32, #tpu.memory_space<vmem>>
    %dma_start3A_69 = arith.constant 0 : i32
    %dma_start3A_70 = arith.constant 0 : i32
    %dma_start3A_71 = tpu.memref_slice %arg2[%dma_start3A_69, %dma_start3A_70] : memref<32768x1024xf32, #tpu.memory_space<hbm>> -> memref<32768x1024xf32, #tpu.memory_space<hbm>>
    tpu.enqueue_indirect_dma source(%dma_start3A_71 : memref<32768x1024xf32, #tpu.memory_space<hbm>>) target(%dma_start3A_68 : memref<48x1024xf32, #tpu.memory_space<vmem>>) offsets(%arg5 : memref<48xi32, #tpu.memory_space<vmem>>) semaphore(%arg7 : memref<!tpu.dma_semaphore, #tpu.memory_space<semaphore_mem>>)
    %dma_wait3A_72 = arith.constant 48 : i32
    %dma_wait3A_73 = arith.constant 0 : i32
    %dma_wait3A_74 = tpu.memref_slice %arg6[%dma_wait3A_72, %dma_wait3A_73] : memref<96x1024xf32, #tpu.memory_space<vmem>> -> memref<48x1024xf32, #tpu.memory_space<vmem>>
    %dma_wait3A_75 = arith.constant 0 : i32
    %dma_wait3A_76 = arith.constant 0 : i32
    %dma_wait3A_77 = tpu.memref_slice %arg2[%dma_wait3A_75, %dma_wait3A_76] : memref<32768x1024xf32, #tpu.memory_space<hbm>> -> memref<32768x1024xf32, #tpu.memory_space<hbm>>
    tpu.wait_indirect_dma semaphore(%arg7 : memref<!tpu.dma_semaphore, #tpu.memory_space<semaphore_mem>>) src(%dma_wait3A_77 : memref<32768x1024xf32, #tpu.memory_space<hbm>>) dst(%dma_wait3A_74 : memref<48x1024xf32, #tpu.memory_space<vmem>>)
    %dma_start3A_78 = arith.constant 48 : i32
    %dma_start3A_79 = arith.constant 0 : i32
    %dma_start3A_80 = tpu.memref_slice %arg6[%dma_start3A_78, %dma_start3A_79] : memref<96x1024xf32, #tpu.memory_space<vmem>> -> memref<48x1024xf32, #tpu.memory_space<vmem>>
    %dma_start3A_81 = arith.constant 0 : i32
    %dma_start3A_82 = tpu.memref_slice %arg4[%select_n3A, %multiple_of3A_62, %dma_start3A_81] : memref<8x2880x1024xf32, #tpu.memory_space<hbm>> -> memref<1x48x1024xf32, #tpu.memory_space<hbm>>
    %dma_start3A_83 = tpu.memref_squeeze %dma_start3A_82 : memref<1x48x1024xf32, #tpu.memory_space<hbm>> -> memref<48x1024xf32, #tpu.memory_space<hbm>>
    %dma_start3A_84 = arith.constant 0 : i32
    %dma_start3A_85 = tpu.memref_slice %arg4[%select_n3A, %multiple_of3A_62, %dma_start3A_84] : memref<8x2880x1024xf32, #tpu.memory_space<hbm>> -> memref<1x48x1024xf32, #tpu.memory_space<hbm>>
    %dma_start3A_86 = tpu.memref_squeeze %dma_start3A_85 : memref<1x48x1024xf32, #tpu.memory_space<hbm>> -> memref<48x1024xf32, #tpu.memory_space<hbm>>
    %dma_start3A_87 = arith.constant 48 : i32
    %dma_start3A_88 = arith.constant 0 : i32
    %dma_start3A_89 = tpu.memref_slice %arg6[%dma_start3A_87, %dma_start3A_88] : memref<96x1024xf32, #tpu.memory_space<vmem>> -> memref<48x1024xf32, #tpu.memory_space<vmem>>
    tpu.enqueue_dma source(%dma_start3A_89 : memref<48x1024xf32, #tpu.memory_space<vmem>>) target(%dma_start3A_86 : memref<48x1024xf32, #tpu.memory_space<hbm>>) target_semaphore(%arg8 : memref<!tpu.dma_semaphore, #tpu.memory_space<semaphore_mem>>)
    %dma_wait3A_90 = arith.constant 0 : i32
    %dma_wait3A_91 = arith.constant 0 : i32
    %dma_wait3A_92 = tpu.memref_slice %arg6[%dma_wait3A_90, %dma_wait3A_91] : memref<96x1024xf32, #tpu.memory_space<vmem>> -> memref<48x1024xf32, #tpu.memory_space<vmem>>
    %dma_wait3A_93 = arith.constant 0 : i32
    %dma_wait3A_94 = tpu.memref_slice %arg4[%select_n3A, %multiple_of3A, %dma_wait3A_93] : memref<8x2880x1024xf32, #tpu.memory_space<hbm>> -> memref<1x48x1024xf32, #tpu.memory_space<hbm>>
    %dma_wait3A_95 = tpu.memref_squeeze %dma_wait3A_94 : memref<1x48x1024xf32, #tpu.memory_space<hbm>> -> memref<48x1024xf32, #tpu.memory_space<hbm>>
    %dma_wait3A_96 = arith.constant 0 : i32
    %dma_wait3A_97 = tpu.memref_slice %arg4[%select_n3A, %multiple_of3A, %dma_wait3A_96] : memref<8x2880x1024xf32, #tpu.memory_space<hbm>> -> memref<1x48x1024xf32, #tpu.memory_space<hbm>>
    %dma_wait3A_98 = tpu.memref_squeeze %dma_wait3A_97 : memref<1x48x1024xf32, #tpu.memory_space<hbm>> -> memref<48x1024xf32, #tpu.memory_space<hbm>>
    %dma_wait3A_99 = arith.constant 0 : i32
    %dma_wait3A_100 = arith.constant 0 : i32
    %dma_wait3A_101 = tpu.memref_slice %arg6[%dma_wait3A_99, %dma_wait3A_100] : memref<96x1024xf32, #tpu.memory_space<vmem>> -> memref<48x1024xf32, #tpu.memory_space<vmem>>
    tpu.wait_dma2 semaphore(%arg8 : memref<!tpu.dma_semaphore, #tpu.memory_space<semaphore_mem>>) src(%dma_wait3A_101 : memref<48x1024xf32, #tpu.memory_space<vmem>>) dst(%dma_wait3A_98 : memref<48x1024xf32, #tpu.memory_space<hbm>>)
    %add3A_102 = arith.constant 96 : i32
    %add3A_103 = arith.addi %mul3A_32, %add3A_102 : i32
    %multiple_of3A_104 = tpu.assume_multiple %add3A_103, 8 : i32
    %mul3A_105 = arith.constant 2896 : i32
    %mul3A_106 = arith.muli %select_n3A, %mul3A_105 : i32
    %add3A_107 = arith.addi %mul3A_106, %multiple_of3A_104 : i32
    "tpu.region"() ({
      %run_scoped3A = tpu.sem_alloc : memref<!tpu.dma_semaphore, #tpu.memory_space<semaphore_mem>>
      %dma_start3A_660 = tpu.memref_slice %arg3[%add3A_107] : memref<23168xi32, #tpu.memory_space<hbm>> -> memref<48xi32, #tpu.memory_space<hbm>>
      %dma_start3A_661 = tpu.memref_slice %arg3[%add3A_107] : memref<23168xi32, #tpu.memory_space<hbm>> -> memref<48xi32, #tpu.memory_space<hbm>>
      tpu.enqueue_dma source(%dma_start3A_661 : memref<48xi32, #tpu.memory_space<hbm>>) target(%arg5 : memref<48xi32, #tpu.memory_space<vmem>>) target_semaphore(%run_scoped3A : memref<!tpu.dma_semaphore, #tpu.memory_space<semaphore_mem>>)
      %dma_wait3A_662 = tpu.memref_slice %arg3[%add3A_107] : memref<23168xi32, #tpu.memory_space<hbm>> -> memref<48xi32, #tpu.memory_space<hbm>>
      %dma_wait3A_663 = tpu.memref_slice %arg3[%add3A_107] : memref<23168xi32, #tpu.memory_space<hbm>> -> memref<48xi32, #tpu.memory_space<hbm>>
      tpu.wait_dma2 semaphore(%run_scoped3A : memref<!tpu.dma_semaphore, #tpu.memory_space<semaphore_mem>>) src(%dma_wait3A_663 : memref<48xi32, #tpu.memory_space<hbm>>) dst(%arg5 : memref<48xi32, #tpu.memory_space<vmem>>)
      tpu.yield
    }) : () -> ()
    %dma_start3A_108 = arith.constant 0 : i32
    %dma_start3A_109 = arith.constant 0 : i32
    %dma_start3A_110 = tpu.memref_slice %arg6[%dma_start3A_108, %dma_start3A_109] : memref<96x1024xf32, #tpu.memory_space<vmem>> -> memref<48x1024xf32, #tpu.memory_space<vmem>>
    %dma_start3A_111 = arith.constant 0 : i32
    %dma_start3A_112 = arith.constant 0 : i32
    %dma_start3A_113 = tpu.memref_slice %arg2[%dma_start3A_111, %dma_start3A_112] : memref<32768x1024xf32, #tpu.memory_space<hbm>> -> memref<32768x1024xf32, #tpu.memory_space<hbm>>
    tpu.enqueue_indirect_dma source(%dma_start3A_113 : memref<32768x1024xf32, #tpu.memory_space<hbm>>) target(%dma_start3A_110 : memref<48x1024xf32, #tpu.memory_space<vmem>>) offsets(%arg5 : memref<48xi32, #tpu.memory_space<vmem>>) semaphore(%arg7 : memref<!tpu.dma_semaphore, #tpu.memory_space<semaphore_mem>>)
    %dma_wait3A_114 = arith.constant 0 : i32
    %dma_wait3A_115 = arith.constant 0 : i32
    %dma_wait3A_116 = tpu.memref_slice %arg6[%dma_wait3A_114, %dma_wait3A_115] : memref<96x1024xf32, #tpu.memory_space<vmem>> -> memref<48x1024xf32, #tpu.memory_space<vmem>>
    %dma_wait3A_117 = arith.constant 0 : i32
    %dma_wait3A_118 = arith.constant 0 : i32
    %dma_wait3A_119 = tpu.memref_slice %arg2[%dma_wait3A_117, %dma_wait3A_118] : memref<32768x1024xf32, #tpu.memory_space<hbm>> -> memref<32768x1024xf32, #tpu.memory_space<hbm>>
    tpu.wait_indirect_dma semaphore(%arg7 : memref<!tpu.dma_semaphore, #tpu.memory_space<semaphore_mem>>) src(%dma_wait3A_119 : memref<32768x1024xf32, #tpu.memory_space<hbm>>) dst(%dma_wait3A_116 : memref<48x1024xf32, #tpu.memory_space<vmem>>)
    %dma_start3A_120 = arith.constant 0 : i32
    %dma_start3A_121 = arith.constant 0 : i32
    %dma_start3A_122 = tpu.memref_slice %arg6[%dma_start3A_120, %dma_start3A_121] : memref<96x1024xf32, #tpu.memory_space<vmem>> -> memref<48x1024xf32, #tpu.memory_space<vmem>>
    %dma_start3A_123 = arith.constant 0 : i32
    %dma_start3A_124 = tpu.memref_slice %arg4[%select_n3A, %multiple_of3A_104, %dma_start3A_123] : memref<8x2880x1024xf32, #tpu.memory_space<hbm>> -> memref<1x48x1024xf32, #tpu.memory_space<hbm>>
    %dma_start3A_125 = tpu.memref_squeeze %dma_start3A_124 : memref<1x48x1024xf32, #tpu.memory_space<hbm>> -> memref<48x1024xf32, #tpu.memory_space<hbm>>
    %dma_start3A_126 = arith.constant 0 : i32
    %dma_start3A_127 = tpu.memref_slice %arg4[%select_n3A, %multiple_of3A_104, %dma_start3A_126] : memref<8x2880x1024xf32, #tpu.memory_space<hbm>> -> memref<1x48x1024xf32, #tpu.memory_space<hbm>>
    %dma_start3A_128 = tpu.memref_squeeze %dma_start3A_127 : memref<1x48x1024xf32, #tpu.memory_space<hbm>> -> memref<48x1024xf32, #tpu.memory_space<hbm>>
    %dma_start3A_129 = arith.constant 0 : i32
    %dma_start3A_130 = arith.constant 0 : i32
    %dma_start3A_131 = tpu.memref_slice %arg6[%dma_start3A_129, %dma_start3A_130] : memref<96x1024xf32, #tpu.memory_space<vmem>> -> memref<48x1024xf32, #tpu.memory_space<vmem>>
    tpu.enqueue_dma source(%dma_start3A_131 : memref<48x1024xf32, #tpu.memory_space<vmem>>) target(%dma_start3A_128 : memref<48x1024xf32, #tpu.memory_space<hbm>>) target_semaphore(%arg8 : memref<!tpu.dma_semaphore, #tpu.memory_space<semaphore_mem>>)
    %dma_wait3A_132 = arith.constant 48 : i32
    %dma_wait3A_133 = arith.constant 0 : i32
    %dma_wait3A_134 = tpu.memref_slice %arg6[%dma_wait3A_132, %dma_wait3A_133] : memref<96x1024xf32, #tpu.memory_space<vmem>> -> memref<48x1024xf32, #tpu.memory_space<vmem>>
    %dma_wait3A_135 = arith.constant 0 : i32
    %dma_wait3A_136 = tpu.memref_slice %arg4[%select_n3A, %multiple_of3A_62, %dma_wait3A_135] : memref<8x2880x1024xf32, #tpu.memory_space<hbm>> -> memref<1x48x1024xf32, #tpu.memory_space<hbm>>
    %dma_wait3A_137 = tpu.memref_squeeze %dma_wait3A_136 : memref<1x48x1024xf32, #tpu.memory_space<hbm>> -> memref<48x1024xf32, #tpu.memory_space<hbm>>
    %dma_wait3A_138 = arith.constant 0 : i32
    %dma_wait3A_139 = tpu.memref_slice %arg4[%select_n3A, %multiple_of3A_62, %dma_wait3A_138] : memref<8x2880x1024xf32, #tpu.memory_space<hbm>> -> memref<1x48x1024xf32, #tpu.memory_space<hbm>>
    %dma_wait3A_140 = tpu.memref_squeeze %dma_wait3A_139 : memref<1x48x1024xf32, #tpu.memory_space<hbm>> -> memref<48x1024xf32, #tpu.memory_space<hbm>>
    %dma_wait3A_141 = arith.constant 48 : i32
    %dma_wait3A_142 = arith.constant 0 : i32
    %dma_wait3A_143 = tpu.memref_slice %arg6[%dma_wait3A_141, %dma_wait3A_142] : memref<96x1024xf32, #tpu.memory_space<vmem>> -> memref<48x1024xf32, #tpu.memory_space<vmem>>
    tpu.wait_dma2 semaphore(%arg8 : memref<!tpu.dma_semaphore, #tpu.memory_space<semaphore_mem>>) src(%dma_wait3A_143 : memref<48x1024xf32, #tpu.memory_space<vmem>>) dst(%dma_wait3A_140 : memref<48x1024xf32, #tpu.memory_space<hbm>>)
    %add3A_144 = arith.constant 144 : i32
    %add3A_145 = arith.addi %mul3A_32, %add3A_144 : i32
    %multiple_of3A_146 = tpu.assume_multiple %add3A_145, 8 : i32
    %mul3A_147 = arith.constant 2896 : i32
    %mul3A_148 = arith.muli %select_n3A, %mul3A_147 : i32
    %add3A_149 = arith.addi %mul3A_148, %multiple_of3A_146 : i32
    "tpu.region"() ({
      %run_scoped3A = tpu.sem_alloc : memref<!tpu.dma_semaphore, #tpu.memory_space<semaphore_mem>>
      %dma_start3A_660 = tpu.memref_slice %arg3[%add3A_149] : memref<23168xi32, #tpu.memory_space<hbm>> -> memref<48xi32, #tpu.memory_space<hbm>>
      %dma_start3A_661 = tpu.memref_slice %arg3[%add3A_149] : memref<23168xi32, #tpu.memory_space<hbm>> -> memref<48xi32, #tpu.memory_space<hbm>>
      tpu.enqueue_dma source(%dma_start3A_661 : memref<48xi32, #tpu.memory_space<hbm>>) target(%arg5 : memref<48xi32, #tpu.memory_space<vmem>>) target_semaphore(%run_scoped3A : memref<!tpu.dma_semaphore, #tpu.memory_space<semaphore_mem>>)
      %dma_wait3A_662 = tpu.memref_slice %arg3[%add3A_149] : memref<23168xi32, #tpu.memory_space<hbm>> -> memref<48xi32, #tpu.memory_space<hbm>>
      %dma_wait3A_663 = tpu.memref_slice %arg3[%add3A_149] : memref<23168xi32, #tpu.memory_space<hbm>> -> memref<48xi32, #tpu.memory_space<hbm>>
      tpu.wait_dma2 semaphore(%run_scoped3A : memref<!tpu.dma_semaphore, #tpu.memory_space<semaphore_mem>>) src(%dma_wait3A_663 : memref<48xi32, #tpu.memory_space<hbm>>) dst(%arg5 : memref<48xi32, #tpu.memory_space<vmem>>)
      tpu.yield
    }) : () -> ()
    %dma_start3A_150 = arith.constant 48 : i32
    %dma_start3A_151 = arith.constant 0 : i32
    %dma_start3A_152 = tpu.memref_slice %arg6[%dma_start3A_150, %dma_start3A_151] : memref<96x1024xf32, #tpu.memory_space<vmem>> -> memref<48x1024xf32, #tpu.memory_space<vmem>>
    %dma_start3A_153 = arith.constant 0 : i32
    %dma_start3A_154 = arith.constant 0 : i32
    %dma_start3A_155 = tpu.memref_slice %arg2[%dma_start3A_153, %dma_start3A_154] : memref<32768x1024xf32, #tpu.memory_space<hbm>> -> memref<32768x1024xf32, #tpu.memory_space<hbm>>
    tpu.enqueue_indirect_dma source(%dma_start3A_155 : memref<32768x1024xf32, #tpu.memory_space<hbm>>) target(%dma_start3A_152 : memref<48x1024xf32, #tpu.memory_space<vmem>>) offsets(%arg5 : memref<48xi32, #tpu.memory_space<vmem>>) semaphore(%arg7 : memref<!tpu.dma_semaphore, #tpu.memory_space<semaphore_mem>>)
    %dma_wait3A_156 = arith.constant 48 : i32
    %dma_wait3A_157 = arith.constant 0 : i32
    %dma_wait3A_158 = tpu.memref_slice %arg6[%dma_wait3A_156, %dma_wait3A_157] : memref<96x1024xf32, #tpu.memory_space<vmem>> -> memref<48x1024xf32, #tpu.memory_space<vmem>>
    %dma_wait3A_159 = arith.constant 0 : i32
    %dma_wait3A_160 = arith.constant 0 : i32
    %dma_wait3A_161 = tpu.memref_slice %arg2[%dma_wait3A_159, %dma_wait3A_160] : memref<32768x1024xf32, #tpu.memory_space<hbm>> -> memref<32768x1024xf32, #tpu.memory_space<hbm>>
    tpu.wait_indirect_dma semaphore(%arg7 : memref<!tpu.dma_semaphore, #tpu.memory_space<semaphore_mem>>) src(%dma_wait3A_161 : memref<32768x1024xf32, #tpu.memory_space<hbm>>) dst(%dma_wait3A_158 : memref<48x1024xf32, #tpu.memory_space<vmem>>)
    %dma_start3A_162 = arith.constant 48 : i32
    %dma_start3A_163 = arith.constant 0 : i32
    %dma_start3A_164 = tpu.memref_slice %arg6[%dma_start3A_162, %dma_start3A_163] : memref<96x1024xf32, #tpu.memory_space<vmem>> -> memref<48x1024xf32, #tpu.memory_space<vmem>>
    %dma_start3A_165 = arith.constant 0 : i32
    %dma_start3A_166 = tpu.memref_slice %arg4[%select_n3A, %multiple_of3A_146, %dma_start3A_165] : memref<8x2880x1024xf32, #tpu.memory_space<hbm>> -> memref<1x48x1024xf32, #tpu.memory_space<hbm>>
    %dma_start3A_167 = tpu.memref_squeeze %dma_start3A_166 : memref<1x48x1024xf32, #tpu.memory_space<hbm>> -> memref<48x1024xf32, #tpu.memory_space<hbm>>
    %dma_start3A_168 = arith.constant 0 : i32
    %dma_start3A_169 = tpu.memref_slice %arg4[%select_n3A, %multiple_of3A_146, %dma_start3A_168] : memref<8x2880x1024xf32, #tpu.memory_space<hbm>> -> memref<1x48x1024xf32, #tpu.memory_space<hbm>>
    %dma_start3A_170 = tpu.memref_squeeze %dma_start3A_169 : memref<1x48x1024xf32, #tpu.memory_space<hbm>> -> memref<48x1024xf32, #tpu.memory_space<hbm>>
    %dma_start3A_171 = arith.constant 48 : i32
    %dma_start3A_172 = arith.constant 0 : i32
    %dma_start3A_173 = tpu.memref_slice %arg6[%dma_start3A_171, %dma_start3A_172] : memref<96x1024xf32, #tpu.memory_space<vmem>> -> memref<48x1024xf32, #tpu.memory_space<vmem>>
    tpu.enqueue_dma source(%dma_start3A_173 : memref<48x1024xf32, #tpu.memory_space<vmem>>) target(%dma_start3A_170 : memref<48x1024xf32, #tpu.memory_space<hbm>>) target_semaphore(%arg8 : memref<!tpu.dma_semaphore, #tpu.memory_space<semaphore_mem>>)
    %dma_wait3A_174 = arith.constant 0 : i32
    %dma_wait3A_175 = arith.constant 0 : i32
    %dma_wait3A_176 = tpu.memref_slice %arg6[%dma_wait3A_174, %dma_wait3A_175] : memref<96x1024xf32, #tpu.memory_space<vmem>> -> memref<48x1024xf32, #tpu.memory_space<vmem>>
    %dma_wait3A_177 = arith.constant 0 : i32
    %dma_wait3A_178 = tpu.memref_slice %arg4[%select_n3A, %multiple_of3A_104, %dma_wait3A_177] : memref<8x2880x1024xf32, #tpu.memory_space<hbm>> -> memref<1x48x1024xf32, #tpu.memory_space<hbm>>
    %dma_wait3A_179 = tpu.memref_squeeze %dma_wait3A_178 : memref<1x48x1024xf32, #tpu.memory_space<hbm>> -> memref<48x1024xf32, #tpu.memory_space<hbm>>
    %dma_wait3A_180 = arith.constant 0 : i32
    %dma_wait3A_181 = tpu.memref_slice %arg4[%select_n3A, %multiple_of3A_104, %dma_wait3A_180] : memref<8x2880x1024xf32, #tpu.memory_space<hbm>> -> memref<1x48x1024xf32, #tpu.memory_space<hbm>>
    %dma_wait3A_182 = tpu.memref_squeeze %dma_wait3A_181 : memref<1x48x1024xf32, #tpu.memory_space<hbm>> -> memref<48x1024xf32, #tpu.memory_space<hbm>>
    %dma_wait3A_183 = arith.constant 0 : i32
    %dma_wait3A_184 = arith.constant 0 : i32
    %dma_wait3A_185 = tpu.memref_slice %arg6[%dma_wait3A_183, %dma_wait3A_184] : memref<96x1024xf32, #tpu.memory_space<vmem>> -> memref<48x1024xf32, #tpu.memory_space<vmem>>
    tpu.wait_dma2 semaphore(%arg8 : memref<!tpu.dma_semaphore, #tpu.memory_space<semaphore_mem>>) src(%dma_wait3A_185 : memref<48x1024xf32, #tpu.memory_space<vmem>>) dst(%dma_wait3A_182 : memref<48x1024xf32, #tpu.memory_space<hbm>>)
    %add3A_186 = arith.constant 192 : i32
    %add3A_187 = arith.addi %mul3A_32, %add3A_186 : i32
    %multiple_of3A_188 = tpu.assume_multiple %add3A_187, 8 : i32
    %mul3A_189 = arith.constant 2896 : i32
    %mul3A_190 = arith.muli %select_n3A, %mul3A_189 : i32
    %add3A_191 = arith.addi %mul3A_190, %multiple_of3A_188 : i32
    "tpu.region"() ({
      %run_scoped3A = tpu.sem_alloc : memref<!tpu.dma_semaphore, #tpu.memory_space<semaphore_mem>>
      %dma_start3A_660 = tpu.memref_slice %arg3[%add3A_191] : memref<23168xi32, #tpu.memory_space<hbm>> -> memref<48xi32, #tpu.memory_space<hbm>>
      %dma_start3A_661 = tpu.memref_slice %arg3[%add3A_191] : memref<23168xi32, #tpu.memory_space<hbm>> -> memref<48xi32, #tpu.memory_space<hbm>>
      tpu.enqueue_dma source(%dma_start3A_661 : memref<48xi32, #tpu.memory_space<hbm>>) target(%arg5 : memref<48xi32, #tpu.memory_space<vmem>>) target_semaphore(%run_scoped3A : memref<!tpu.dma_semaphore, #tpu.memory_space<semaphore_mem>>)
      %dma_wait3A_662 = tpu.memref_slice %arg3[%add3A_191] : memref<23168xi32, #tpu.memory_space<hbm>> -> memref<48xi32, #tpu.memory_space<hbm>>
      %dma_wait3A_663 = tpu.memref_slice %arg3[%add3A_191] : memref<23168xi32, #tpu.memory_space<hbm>> -> memref<48xi32, #tpu.memory_space<hbm>>
      tpu.wait_dma2 semaphore(%run_scoped3A : memref<!tpu.dma_semaphore, #tpu.memory_space<semaphore_mem>>) src(%dma_wait3A_663 : memref<48xi32, #tpu.memory_space<hbm>>) dst(%arg5 : memref<48xi32, #tpu.memory_space<vmem>>)
      tpu.yield
    }) : () -> ()
    %dma_start3A_192 = arith.constant 0 : i32
    %dma_start3A_193 = arith.constant 0 : i32
    %dma_start3A_194 = tpu.memref_slice %arg6[%dma_start3A_192, %dma_start3A_193] : memref<96x1024xf32, #tpu.memory_space<vmem>> -> memref<48x1024xf32, #tpu.memory_space<vmem>>
    %dma_start3A_195 = arith.constant 0 : i32
    %dma_start3A_196 = arith.constant 0 : i32
    %dma_start3A_197 = tpu.memref_slice %arg2[%dma_start3A_195, %dma_start3A_196] : memref<32768x1024xf32, #tpu.memory_space<hbm>> -> memref<32768x1024xf32, #tpu.memory_space<hbm>>
    tpu.enqueue_indirect_dma source(%dma_start3A_197 : memref<32768x1024xf32, #tpu.memory_space<hbm>>) target(%dma_start3A_194 : memref<48x1024xf32, #tpu.memory_space<vmem>>) offsets(%arg5 : memref<48xi32, #tpu.memory_space<vmem>>) semaphore(%arg7 : memref<!tpu.dma_semaphore, #tpu.memory_space<semaphore_mem>>)
    %dma_wait3A_198 = arith.constant 0 : i32
    %dma_wait3A_199 = arith.constant 0 : i32
    %dma_wait3A_200 = tpu.memref_slice %arg6[%dma_wait3A_198, %dma_wait3A_199] : memref<96x1024xf32, #tpu.memory_space<vmem>> -> memref<48x1024xf32, #tpu.memory_space<vmem>>
    %dma_wait3A_201 = arith.constant 0 : i32
    %dma_wait3A_202 = arith.constant 0 : i32
    %dma_wait3A_203 = tpu.memref_slice %arg2[%dma_wait3A_201, %dma_wait3A_202] : memref<32768x1024xf32, #tpu.memory_space<hbm>> -> memref<32768x1024xf32, #tpu.memory_space<hbm>>
    tpu.wait_indirect_dma semaphore(%arg7 : memref<!tpu.dma_semaphore, #tpu.memory_space<semaphore_mem>>) src(%dma_wait3A_203 : memref<32768x1024xf32, #tpu.memory_space<hbm>>) dst(%dma_wait3A_200 : memref<48x1024xf32, #tpu.memory_space<vmem>>)
    %dma_start3A_204 = arith.constant 0 : i32
    %dma_start3A_205 = arith.constant 0 : i32
    %dma_start3A_206 = tpu.memref_slice %arg6[%dma_start3A_204, %dma_start3A_205] : memref<96x1024xf32, #tpu.memory_space<vmem>> -> memref<48x1024xf32, #tpu.memory_space<vmem>>
    %dma_start3A_207 = arith.constant 0 : i32
    %dma_start3A_208 = tpu.memref_slice %arg4[%select_n3A, %multiple_of3A_188, %dma_start3A_207] : memref<8x2880x1024xf32, #tpu.memory_space<hbm>> -> memref<1x48x1024xf32, #tpu.memory_space<hbm>>
    %dma_start3A_209 = tpu.memref_squeeze %dma_start3A_208 : memref<1x48x1024xf32, #tpu.memory_space<hbm>> -> memref<48x1024xf32, #tpu.memory_space<hbm>>
    %dma_start3A_210 = arith.constant 0 : i32
    %dma_start3A_211 = tpu.memref_slice %arg4[%select_n3A, %multiple_of3A_188, %dma_start3A_210] : memref<8x2880x1024xf32, #tpu.memory_space<hbm>> -> memref<1x48x1024xf32, #tpu.memory_space<hbm>>
    %dma_start3A_212 = tpu.memref_squeeze %dma_start3A_211 : memref<1x48x1024xf32, #tpu.memory_space<hbm>> -> memref<48x1024xf32, #tpu.memory_space<hbm>>
    %dma_start3A_213 = arith.constant 0 : i32
    %dma_start3A_214 = arith.constant 0 : i32
    %dma_start3A_215 = tpu.memref_slice %arg6[%dma_start3A_213, %dma_start3A_214] : memref<96x1024xf32, #tpu.memory_space<vmem>> -> memref<48x1024xf32, #tpu.memory_space<vmem>>
    tpu.enqueue_dma source(%dma_start3A_215 : memref<48x1024xf32, #tpu.memory_space<vmem>>) target(%dma_start3A_212 : memref<48x1024xf32, #tpu.memory_space<hbm>>) target_semaphore(%arg8 : memref<!tpu.dma_semaphore, #tpu.memory_space<semaphore_mem>>)
    %dma_wait3A_216 = arith.constant 48 : i32
    %dma_wait3A_217 = arith.constant 0 : i32
    %dma_wait3A_218 = tpu.memref_slice %arg6[%dma_wait3A_216, %dma_wait3A_217] : memref<96x1024xf32, #tpu.memory_space<vmem>> -> memref<48x1024xf32, #tpu.memory_space<vmem>>
    %dma_wait3A_219 = arith.constant 0 : i32
    %dma_wait3A_220 = tpu.memref_slice %arg4[%select_n3A, %multiple_of3A_146, %dma_wait3A_219] : memref<8x2880x1024xf32, #tpu.memory_space<hbm>> -> memref<1x48x1024xf32, #tpu.memory_space<hbm>>
    %dma_wait3A_221 = tpu.memref_squeeze %dma_wait3A_220 : memref<1x48x1024xf32, #tpu.memory_space<hbm>> -> memref<48x1024xf32, #tpu.memory_space<hbm>>
    %dma_wait3A_222 = arith.constant 0 : i32
    %dma_wait3A_223 = tpu.memref_slice %arg4[%select_n3A, %multiple_of3A_146, %dma_wait3A_222] : memref<8x2880x1024xf32, #tpu.memory_space<hbm>> -> memref<1x48x1024xf32, #tpu.memory_space<hbm>>
    %dma_wait3A_224 = tpu.memref_squeeze %dma_wait3A_223 : memref<1x48x1024xf32, #tpu.memory_space<hbm>> -> memref<48x1024xf32, #tpu.memory_space<hbm>>
    %dma_wait3A_225 = arith.constant 48 : i32
    %dma_wait3A_226 = arith.constant 0 : i32
    %dma_wait3A_227 = tpu.memref_slice %arg6[%dma_wait3A_225, %dma_wait3A_226] : memref<96x1024xf32, #tpu.memory_space<vmem>> -> memref<48x1024xf32, #tpu.memory_space<vmem>>
    tpu.wait_dma2 semaphore(%arg8 : memref<!tpu.dma_semaphore, #tpu.memory_space<semaphore_mem>>) src(%dma_wait3A_227 : memref<48x1024xf32, #tpu.memory_space<vmem>>) dst(%dma_wait3A_224 : memref<48x1024xf32, #tpu.memory_space<hbm>>)
    %add3A_228 = arith.constant 240 : i32
    %add3A_229 = arith.addi %mul3A_32, %add3A_228 : i32
    %multiple_of3A_230 = tpu.assume_multiple %add3A_229, 8 : i32
    %mul3A_231 = arith.constant 2896 : i32
    %mul3A_232 = arith.muli %select_n3A, %mul3A_231 : i32
    %add3A_233 = arith.addi %mul3A_232, %multiple_of3A_230 : i32
    "tpu.region"() ({
      %run_scoped3A = tpu.sem_alloc : memref<!tpu.dma_semaphore, #tpu.memory_space<semaphore_mem>>
      %dma_start3A_660 = tpu.memref_slice %arg3[%add3A_233] : memref<23168xi32, #tpu.memory_space<hbm>> -> memref<48xi32, #tpu.memory_space<hbm>>
      %dma_start3A_661 = tpu.memref_slice %arg3[%add3A_233] : memref<23168xi32, #tpu.memory_space<hbm>> -> memref<48xi32, #tpu.memory_space<hbm>>
      tpu.enqueue_dma source(%dma_start3A_661 : memref<48xi32, #tpu.memory_space<hbm>>) target(%arg5 : memref<48xi32, #tpu.memory_space<vmem>>) target_semaphore(%run_scoped3A : memref<!tpu.dma_semaphore, #tpu.memory_space<semaphore_mem>>)
      %dma_wait3A_662 = tpu.memref_slice %arg3[%add3A_233] : memref<23168xi32, #tpu.memory_space<hbm>> -> memref<48xi32, #tpu.memory_space<hbm>>
      %dma_wait3A_663 = tpu.memref_slice %arg3[%add3A_233] : memref<23168xi32, #tpu.memory_space<hbm>> -> memref<48xi32, #tpu.memory_space<hbm>>
      tpu.wait_dma2 semaphore(%run_scoped3A : memref<!tpu.dma_semaphore, #tpu.memory_space<semaphore_mem>>) src(%dma_wait3A_663 : memref<48xi32, #tpu.memory_space<hbm>>) dst(%arg5 : memref<48xi32, #tpu.memory_space<vmem>>)
      tpu.yield
    }) : () -> ()
    %dma_start3A_234 = arith.constant 48 : i32
    %dma_start3A_235 = arith.constant 0 : i32
    %dma_start3A_236 = tpu.memref_slice %arg6[%dma_start3A_234, %dma_start3A_235] : memref<96x1024xf32, #tpu.memory_space<vmem>> -> memref<48x1024xf32, #tpu.memory_space<vmem>>
    %dma_start3A_237 = arith.constant 0 : i32
    %dma_start3A_238 = arith.constant 0 : i32
    %dma_start3A_239 = tpu.memref_slice %arg2[%dma_start3A_237, %dma_start3A_238] : memref<32768x1024xf32, #tpu.memory_space<hbm>> -> memref<32768x1024xf32, #tpu.memory_space<hbm>>
    tpu.enqueue_indirect_dma source(%dma_start3A_239 : memref<32768x1024xf32, #tpu.memory_space<hbm>>) target(%dma_start3A_236 : memref<48x1024xf32, #tpu.memory_space<vmem>>) offsets(%arg5 : memref<48xi32, #tpu.memory_space<vmem>>) semaphore(%arg7 : memref<!tpu.dma_semaphore, #tpu.memory_space<semaphore_mem>>)
    %dma_wait3A_240 = arith.constant 48 : i32
    %dma_wait3A_241 = arith.constant 0 : i32
    %dma_wait3A_242 = tpu.memref_slice %arg6[%dma_wait3A_240, %dma_wait3A_241] : memref<96x1024xf32, #tpu.memory_space<vmem>> -> memref<48x1024xf32, #tpu.memory_space<vmem>>
    %dma_wait3A_243 = arith.constant 0 : i32
    %dma_wait3A_244 = arith.constant 0 : i32
    %dma_wait3A_245 = tpu.memref_slice %arg2[%dma_wait3A_243, %dma_wait3A_244] : memref<32768x1024xf32, #tpu.memory_space<hbm>> -> memref<32768x1024xf32, #tpu.memory_space<hbm>>
    tpu.wait_indirect_dma semaphore(%arg7 : memref<!tpu.dma_semaphore, #tpu.memory_space<semaphore_mem>>) src(%dma_wait3A_245 : memref<32768x1024xf32, #tpu.memory_space<hbm>>) dst(%dma_wait3A_242 : memref<48x1024xf32, #tpu.memory_space<vmem>>)
    %dma_start3A_246 = arith.constant 48 : i32
    %dma_start3A_247 = arith.constant 0 : i32
    %dma_start3A_248 = tpu.memref_slice %arg6[%dma_start3A_246, %dma_start3A_247] : memref<96x1024xf32, #tpu.memory_space<vmem>> -> memref<48x1024xf32, #tpu.memory_space<vmem>>
    %dma_start3A_249 = arith.constant 0 : i32
    %dma_start3A_250 = tpu.memref_slice %arg4[%select_n3A, %multiple_of3A_230, %dma_start3A_249] : memref<8x2880x1024xf32, #tpu.memory_space<hbm>> -> memref<1x48x1024xf32, #tpu.memory_space<hbm>>
    %dma_start3A_251 = tpu.memref_squeeze %dma_start3A_250 : memref<1x48x1024xf32, #tpu.memory_space<hbm>> -> memref<48x1024xf32, #tpu.memory_space<hbm>>
    %dma_start3A_252 = arith.constant 0 : i32
    %dma_start3A_253 = tpu.memref_slice %arg4[%select_n3A, %multiple_of3A_230, %dma_start3A_252] : memref<8x2880x1024xf32, #tpu.memory_space<hbm>> -> memref<1x48x1024xf32, #tpu.memory_space<hbm>>
    %dma_start3A_254 = tpu.memref_squeeze %dma_start3A_253 : memref<1x48x1024xf32, #tpu.memory_space<hbm>> -> memref<48x1024xf32, #tpu.memory_space<hbm>>
    %dma_start3A_255 = arith.constant 48 : i32
    %dma_start3A_256 = arith.constant 0 : i32
    %dma_start3A_257 = tpu.memref_slice %arg6[%dma_start3A_255, %dma_start3A_256] : memref<96x1024xf32, #tpu.memory_space<vmem>> -> memref<48x1024xf32, #tpu.memory_space<vmem>>
    tpu.enqueue_dma source(%dma_start3A_257 : memref<48x1024xf32, #tpu.memory_space<vmem>>) target(%dma_start3A_254 : memref<48x1024xf32, #tpu.memory_space<hbm>>) target_semaphore(%arg8 : memref<!tpu.dma_semaphore, #tpu.memory_space<semaphore_mem>>)
    %dma_wait3A_258 = arith.constant 0 : i32
    %dma_wait3A_259 = arith.constant 0 : i32
    %dma_wait3A_260 = tpu.memref_slice %arg6[%dma_wait3A_258, %dma_wait3A_259] : memref<96x1024xf32, #tpu.memory_space<vmem>> -> memref<48x1024xf32, #tpu.memory_space<vmem>>
    %dma_wait3A_261 = arith.constant 0 : i32
    %dma_wait3A_262 = tpu.memref_slice %arg4[%select_n3A, %multiple_of3A_188, %dma_wait3A_261] : memref<8x2880x1024xf32, #tpu.memory_space<hbm>> -> memref<1x48x1024xf32, #tpu.memory_space<hbm>>
    %dma_wait3A_263 = tpu.memref_squeeze %dma_wait3A_262 : memref<1x48x1024xf32, #tpu.memory_space<hbm>> -> memref<48x1024xf32, #tpu.memory_space<hbm>>
    %dma_wait3A_264 = arith.constant 0 : i32
    %dma_wait3A_265 = tpu.memref_slice %arg4[%select_n3A, %multiple_of3A_188, %dma_wait3A_264] : memref<8x2880x1024xf32, #tpu.memory_space<hbm>> -> memref<1x48x1024xf32, #tpu.memory_space<hbm>>
    %dma_wait3A_266 = tpu.memref_squeeze %dma_wait3A_265 : memref<1x48x1024xf32, #tpu.memory_space<hbm>> -> memref<48x1024xf32, #tpu.memory_space<hbm>>
    %dma_wait3A_267 = arith.constant 0 : i32
    %dma_wait3A_268 = arith.constant 0 : i32
    %dma_wait3A_269 = tpu.memref_slice %arg6[%dma_wait3A_267, %dma_wait3A_268] : memref<96x1024xf32, #tpu.memory_space<vmem>> -> memref<48x1024xf32, #tpu.memory_space<vmem>>
    tpu.wait_dma2 semaphore(%arg8 : memref<!tpu.dma_semaphore, #tpu.memory_space<semaphore_mem>>) src(%dma_wait3A_269 : memref<48x1024xf32, #tpu.memory_space<vmem>>) dst(%dma_wait3A_266 : memref<48x1024xf32, #tpu.memory_space<hbm>>)
    %add3A_270 = arith.constant 288 : i32
    %add3A_271 = arith.addi %mul3A_32, %add3A_270 : i32
    %multiple_of3A_272 = tpu.assume_multiple %add3A_271, 8 : i32
    %mul3A_273 = arith.constant 2896 : i32
    %mul3A_274 = arith.muli %select_n3A, %mul3A_273 : i32
    %add3A_275 = arith.addi %mul3A_274, %multiple_of3A_272 : i32
    "tpu.region"() ({
      %run_scoped3A = tpu.sem_alloc : memref<!tpu.dma_semaphore, #tpu.memory_space<semaphore_mem>>
      %dma_start3A_660 = tpu.memref_slice %arg3[%add3A_275] : memref<23168xi32, #tpu.memory_space<hbm>> -> memref<48xi32, #tpu.memory_space<hbm>>
      %dma_start3A_661 = tpu.memref_slice %arg3[%add3A_275] : memref<23168xi32, #tpu.memory_space<hbm>> -> memref<48xi32, #tpu.memory_space<hbm>>
      tpu.enqueue_dma source(%dma_start3A_661 : memref<48xi32, #tpu.memory_space<hbm>>) target(%arg5 : memref<48xi32, #tpu.memory_space<vmem>>) target_semaphore(%run_scoped3A : memref<!tpu.dma_semaphore, #tpu.memory_space<semaphore_mem>>)
      %dma_wait3A_662 = tpu.memref_slice %arg3[%add3A_275] : memref<23168xi32, #tpu.memory_space<hbm>> -> memref<48xi32, #tpu.memory_space<hbm>>
      %dma_wait3A_663 = tpu.memref_slice %arg3[%add3A_275] : memref<23168xi32, #tpu.memory_space<hbm>> -> memref<48xi32, #tpu.memory_space<hbm>>
      tpu.wait_dma2 semaphore(%run_scoped3A : memref<!tpu.dma_semaphore, #tpu.memory_space<semaphore_mem>>) src(%dma_wait3A_663 : memref<48xi32, #tpu.memory_space<hbm>>) dst(%arg5 : memref<48xi32, #tpu.memory_space<vmem>>)
      tpu.yield
    }) : () -> ()
    %dma_start3A_276 = arith.constant 0 : i32
    %dma_start3A_277 = arith.constant 0 : i32
    %dma_start3A_278 = tpu.memref_slice %arg6[%dma_start3A_276, %dma_start3A_277] : memref<96x1024xf32, #tpu.memory_space<vmem>> -> memref<48x1024xf32, #tpu.memory_space<vmem>>
    %dma_start3A_279 = arith.constant 0 : i32
    %dma_start3A_280 = arith.constant 0 : i32
    %dma_start3A_281 = tpu.memref_slice %arg2[%dma_start3A_279, %dma_start3A_280] : memref<32768x1024xf32, #tpu.memory_space<hbm>> -> memref<32768x1024xf32, #tpu.memory_space<hbm>>
    tpu.enqueue_indirect_dma source(%dma_start3A_281 : memref<32768x1024xf32, #tpu.memory_space<hbm>>) target(%dma_start3A_278 : memref<48x1024xf32, #tpu.memory_space<vmem>>) offsets(%arg5 : memref<48xi32, #tpu.memory_space<vmem>>) semaphore(%arg7 : memref<!tpu.dma_semaphore, #tpu.memory_space<semaphore_mem>>)
    %dma_wait3A_282 = arith.constant 0 : i32
    %dma_wait3A_283 = arith.constant 0 : i32
    %dma_wait3A_284 = tpu.memref_slice %arg6[%dma_wait3A_282, %dma_wait3A_283] : memref<96x1024xf32, #tpu.memory_space<vmem>> -> memref<48x1024xf32, #tpu.memory_space<vmem>>
    %dma_wait3A_285 = arith.constant 0 : i32
    %dma_wait3A_286 = arith.constant 0 : i32
    %dma_wait3A_287 = tpu.memref_slice %arg2[%dma_wait3A_285, %dma_wait3A_286] : memref<32768x1024xf32, #tpu.memory_space<hbm>> -> memref<32768x1024xf32, #tpu.memory_space<hbm>>
    tpu.wait_indirect_dma semaphore(%arg7 : memref<!tpu.dma_semaphore, #tpu.memory_space<semaphore_mem>>) src(%dma_wait3A_287 : memref<32768x1024xf32, #tpu.memory_space<hbm>>) dst(%dma_wait3A_284 : memref<48x1024xf32, #tpu.memory_space<vmem>>)
    %dma_start3A_288 = arith.constant 0 : i32
    %dma_start3A_289 = arith.constant 0 : i32
    %dma_start3A_290 = tpu.memref_slice %arg6[%dma_start3A_288, %dma_start3A_289] : memref<96x1024xf32, #tpu.memory_space<vmem>> -> memref<48x1024xf32, #tpu.memory_space<vmem>>
    %dma_start3A_291 = arith.constant 0 : i32
    %dma_start3A_292 = tpu.memref_slice %arg4[%select_n3A, %multiple_of3A_272, %dma_start3A_291] : memref<8x2880x1024xf32, #tpu.memory_space<hbm>> -> memref<1x48x1024xf32, #tpu.memory_space<hbm>>
    %dma_start3A_293 = tpu.memref_squeeze %dma_start3A_292 : memref<1x48x1024xf32, #tpu.memory_space<hbm>> -> memref<48x1024xf32, #tpu.memory_space<hbm>>
    %dma_start3A_294 = arith.constant 0 : i32
    %dma_start3A_295 = tpu.memref_slice %arg4[%select_n3A, %multiple_of3A_272, %dma_start3A_294] : memref<8x2880x1024xf32, #tpu.memory_space<hbm>> -> memref<1x48x1024xf32, #tpu.memory_space<hbm>>
    %dma_start3A_296 = tpu.memref_squeeze %dma_start3A_295 : memref<1x48x1024xf32, #tpu.memory_space<hbm>> -> memref<48x1024xf32, #tpu.memory_space<hbm>>
    %dma_start3A_297 = arith.constant 0 : i32
    %dma_start3A_298 = arith.constant 0 : i32
    %dma_start3A_299 = tpu.memref_slice %arg6[%dma_start3A_297, %dma_start3A_298] : memref<96x1024xf32, #tpu.memory_space<vmem>> -> memref<48x1024xf32, #tpu.memory_space<vmem>>
    tpu.enqueue_dma source(%dma_start3A_299 : memref<48x1024xf32, #tpu.memory_space<vmem>>) target(%dma_start3A_296 : memref<48x1024xf32, #tpu.memory_space<hbm>>) target_semaphore(%arg8 : memref<!tpu.dma_semaphore, #tpu.memory_space<semaphore_mem>>)
    %dma_wait3A_300 = arith.constant 48 : i32
    %dma_wait3A_301 = arith.constant 0 : i32
    %dma_wait3A_302 = tpu.memref_slice %arg6[%dma_wait3A_300, %dma_wait3A_301] : memref<96x1024xf32, #tpu.memory_space<vmem>> -> memref<48x1024xf32, #tpu.memory_space<vmem>>
    %dma_wait3A_303 = arith.constant 0 : i32
    %dma_wait3A_304 = tpu.memref_slice %arg4[%select_n3A, %multiple_of3A_230, %dma_wait3A_303] : memref<8x2880x1024xf32, #tpu.memory_space<hbm>> -> memref<1x48x1024xf32, #tpu.memory_space<hbm>>
    %dma_wait3A_305 = tpu.memref_squeeze %dma_wait3A_304 : memref<1x48x1024xf32, #tpu.memory_space<hbm>> -> memref<48x1024xf32, #tpu.memory_space<hbm>>
    %dma_wait3A_306 = arith.constant 0 : i32
    %dma_wait3A_307 = tpu.memref_slice %arg4[%select_n3A, %multiple_of3A_230, %dma_wait3A_306] : memref<8x2880x1024xf32, #tpu.memory_space<hbm>> -> memref<1x48x1024xf32, #tpu.memory_space<hbm>>
    %dma_wait3A_308 = tpu.memref_squeeze %dma_wait3A_307 : memref<1x48x1024xf32, #tpu.memory_space<hbm>> -> memref<48x1024xf32, #tpu.memory_space<hbm>>
    %dma_wait3A_309 = arith.constant 48 : i32
    %dma_wait3A_310 = arith.constant 0 : i32
    %dma_wait3A_311 = tpu.memref_slice %arg6[%dma_wait3A_309, %dma_wait3A_310] : memref<96x1024xf32, #tpu.memory_space<vmem>> -> memref<48x1024xf32, #tpu.memory_space<vmem>>
    tpu.wait_dma2 semaphore(%arg8 : memref<!tpu.dma_semaphore, #tpu.memory_space<semaphore_mem>>) src(%dma_wait3A_311 : memref<48x1024xf32, #tpu.memory_space<vmem>>) dst(%dma_wait3A_308 : memref<48x1024xf32, #tpu.memory_space<hbm>>)
    %add3A_312 = arith.constant 336 : i32
    %add3A_313 = arith.addi %mul3A_32, %add3A_312 : i32
    %multiple_of3A_314 = tpu.assume_multiple %add3A_313, 8 : i32
    %mul3A_315 = arith.constant 2896 : i32
    %mul3A_316 = arith.muli %select_n3A, %mul3A_315 : i32
    %add3A_317 = arith.addi %mul3A_316, %multiple_of3A_314 : i32
    "tpu.region"() ({
      %run_scoped3A = tpu.sem_alloc : memref<!tpu.dma_semaphore, #tpu.memory_space<semaphore_mem>>
      %dma_start3A_660 = tpu.memref_slice %arg3[%add3A_317] : memref<23168xi32, #tpu.memory_space<hbm>> -> memref<48xi32, #tpu.memory_space<hbm>>
      %dma_start3A_661 = tpu.memref_slice %arg3[%add3A_317] : memref<23168xi32, #tpu.memory_space<hbm>> -> memref<48xi32, #tpu.memory_space<hbm>>
      tpu.enqueue_dma source(%dma_start3A_661 : memref<48xi32, #tpu.memory_space<hbm>>) target(%arg5 : memref<48xi32, #tpu.memory_space<vmem>>) target_semaphore(%run_scoped3A : memref<!tpu.dma_semaphore, #tpu.memory_space<semaphore_mem>>)
      %dma_wait3A_662 = tpu.memref_slice %arg3[%add3A_317] : memref<23168xi32, #tpu.memory_space<hbm>> -> memref<48xi32, #tpu.memory_space<hbm>>
      %dma_wait3A_663 = tpu.memref_slice %arg3[%add3A_317] : memref<23168xi32, #tpu.memory_space<hbm>> -> memref<48xi32, #tpu.memory_space<hbm>>
      tpu.wait_dma2 semaphore(%run_scoped3A : memref<!tpu.dma_semaphore, #tpu.memory_space<semaphore_mem>>) src(%dma_wait3A_663 : memref<48xi32, #tpu.memory_space<hbm>>) dst(%arg5 : memref<48xi32, #tpu.memory_space<vmem>>)
      tpu.yield
    }) : () -> ()
    %dma_start3A_318 = arith.constant 48 : i32
    %dma_start3A_319 = arith.constant 0 : i32
    %dma_start3A_320 = tpu.memref_slice %arg6[%dma_start3A_318, %dma_start3A_319] : memref<96x1024xf32, #tpu.memory_space<vmem>> -> memref<48x1024xf32, #tpu.memory_space<vmem>>
    %dma_start3A_321 = arith.constant 0 : i32
    %dma_start3A_322 = arith.constant 0 : i32
    %dma_start3A_323 = tpu.memref_slice %arg2[%dma_start3A_321, %dma_start3A_322] : memref<32768x1024xf32, #tpu.memory_space<hbm>> -> memref<32768x1024xf32, #tpu.memory_space<hbm>>
    tpu.enqueue_indirect_dma source(%dma_start3A_323 : memref<32768x1024xf32, #tpu.memory_space<hbm>>) target(%dma_start3A_320 : memref<48x1024xf32, #tpu.memory_space<vmem>>) offsets(%arg5 : memref<48xi32, #tpu.memory_space<vmem>>) semaphore(%arg7 : memref<!tpu.dma_semaphore, #tpu.memory_space<semaphore_mem>>)
    %dma_wait3A_324 = arith.constant 48 : i32
    %dma_wait3A_325 = arith.constant 0 : i32
    %dma_wait3A_326 = tpu.memref_slice %arg6[%dma_wait3A_324, %dma_wait3A_325] : memref<96x1024xf32, #tpu.memory_space<vmem>> -> memref<48x1024xf32, #tpu.memory_space<vmem>>
    %dma_wait3A_327 = arith.constant 0 : i32
    %dma_wait3A_328 = arith.constant 0 : i32
    %dma_wait3A_329 = tpu.memref_slice %arg2[%dma_wait3A_327, %dma_wait3A_328] : memref<32768x1024xf32, #tpu.memory_space<hbm>> -> memref<32768x1024xf32, #tpu.memory_space<hbm>>
    tpu.wait_indirect_dma semaphore(%arg7 : memref<!tpu.dma_semaphore, #tpu.memory_space<semaphore_mem>>) src(%dma_wait3A_329 : memref<32768x1024xf32, #tpu.memory_space<hbm>>) dst(%dma_wait3A_326 : memref<48x1024xf32, #tpu.memory_space<vmem>>)
    %dma_start3A_330 = arith.constant 48 : i32
    %dma_start3A_331 = arith.constant 0 : i32
    %dma_start3A_332 = tpu.memref_slice %arg6[%dma_start3A_330, %dma_start3A_331] : memref<96x1024xf32, #tpu.memory_space<vmem>> -> memref<48x1024xf32, #tpu.memory_space<vmem>>
    %dma_start3A_333 = arith.constant 0 : i32
    %dma_start3A_334 = tpu.memref_slice %arg4[%select_n3A, %multiple_of3A_314, %dma_start3A_333] : memref<8x2880x1024xf32, #tpu.memory_space<hbm>> -> memref<1x48x1024xf32, #tpu.memory_space<hbm>>
    %dma_start3A_335 = tpu.memref_squeeze %dma_start3A_334 : memref<1x48x1024xf32, #tpu.memory_space<hbm>> -> memref<48x1024xf32, #tpu.memory_space<hbm>>
    %dma_start3A_336 = arith.constant 0 : i32
    %dma_start3A_337 = tpu.memref_slice %arg4[%select_n3A, %multiple_of3A_314, %dma_start3A_336] : memref<8x2880x1024xf32, #tpu.memory_space<hbm>> -> memref<1x48x1024xf32, #tpu.memory_space<hbm>>
    %dma_start3A_338 = tpu.memref_squeeze %dma_start3A_337 : memref<1x48x1024xf32, #tpu.memory_space<hbm>> -> memref<48x1024xf32, #tpu.memory_space<hbm>>
    %dma_start3A_339 = arith.constant 48 : i32
    %dma_start3A_340 = arith.constant 0 : i32
    %dma_start3A_341 = tpu.memref_slice %arg6[%dma_start3A_339, %dma_start3A_340] : memref<96x1024xf32, #tpu.memory_space<vmem>> -> memref<48x1024xf32, #tpu.memory_space<vmem>>
    tpu.enqueue_dma source(%dma_start3A_341 : memref<48x1024xf32, #tpu.memory_space<vmem>>) target(%dma_start3A_338 : memref<48x1024xf32, #tpu.memory_space<hbm>>) target_semaphore(%arg8 : memref<!tpu.dma_semaphore, #tpu.memory_space<semaphore_mem>>)
    %dma_wait3A_342 = arith.constant 0 : i32
    %dma_wait3A_343 = arith.constant 0 : i32
    %dma_wait3A_344 = tpu.memref_slice %arg6[%dma_wait3A_342, %dma_wait3A_343] : memref<96x1024xf32, #tpu.memory_space<vmem>> -> memref<48x1024xf32, #tpu.memory_space<vmem>>
    %dma_wait3A_345 = arith.constant 0 : i32
    %dma_wait3A_346 = tpu.memref_slice %arg4[%select_n3A, %multiple_of3A_272, %dma_wait3A_345] : memref<8x2880x1024xf32, #tpu.memory_space<hbm>> -> memref<1x48x1024xf32, #tpu.memory_space<hbm>>
    %dma_wait3A_347 = tpu.memref_squeeze %dma_wait3A_346 : memref<1x48x1024xf32, #tpu.memory_space<hbm>> -> memref<48x1024xf32, #tpu.memory_space<hbm>>
    %dma_wait3A_348 = arith.constant 0 : i32
    %dma_wait3A_349 = tpu.memref_slice %arg4[%select_n3A, %multiple_of3A_272, %dma_wait3A_348] : memref<8x2880x1024xf32, #tpu.memory_space<hbm>> -> memref<1x48x1024xf32, #tpu.memory_space<hbm>>
    %dma_wait3A_350 = tpu.memref_squeeze %dma_wait3A_349 : memref<1x48x1024xf32, #tpu.memory_space<hbm>> -> memref<48x1024xf32, #tpu.memory_space<hbm>>
    %dma_wait3A_351 = arith.constant 0 : i32
    %dma_wait3A_352 = arith.constant 0 : i32
    %dma_wait3A_353 = tpu.memref_slice %arg6[%dma_wait3A_351, %dma_wait3A_352] : memref<96x1024xf32, #tpu.memory_space<vmem>> -> memref<48x1024xf32, #tpu.memory_space<vmem>>
    tpu.wait_dma2 semaphore(%arg8 : memref<!tpu.dma_semaphore, #tpu.memory_space<semaphore_mem>>) src(%dma_wait3A_353 : memref<48x1024xf32, #tpu.memory_space<vmem>>) dst(%dma_wait3A_350 : memref<48x1024xf32, #tpu.memory_space<hbm>>)
    %add3A_354 = arith.constant 384 : i32
    %add3A_355 = arith.addi %mul3A_32, %add3A_354 : i32
    %multiple_of3A_356 = tpu.assume_multiple %add3A_355, 8 : i32
    %mul3A_357 = arith.constant 2896 : i32
    %mul3A_358 = arith.muli %select_n3A, %mul3A_357 : i32
    %add3A_359 = arith.addi %mul3A_358, %multiple_of3A_356 : i32
    "tpu.region"() ({
      %run_scoped3A = tpu.sem_alloc : memref<!tpu.dma_semaphore, #tpu.memory_space<semaphore_mem>>
      %dma_start3A_660 = tpu.memref_slice %arg3[%add3A_359] : memref<23168xi32, #tpu.memory_space<hbm>> -> memref<48xi32, #tpu.memory_space<hbm>>
      %dma_start3A_661 = tpu.memref_slice %arg3[%add3A_359] : memref<23168xi32, #tpu.memory_space<hbm>> -> memref<48xi32, #tpu.memory_space<hbm>>
      tpu.enqueue_dma source(%dma_start3A_661 : memref<48xi32, #tpu.memory_space<hbm>>) target(%arg5 : memref<48xi32, #tpu.memory_space<vmem>>) target_semaphore(%run_scoped3A : memref<!tpu.dma_semaphore, #tpu.memory_space<semaphore_mem>>)
      %dma_wait3A_662 = tpu.memref_slice %arg3[%add3A_359] : memref<23168xi32, #tpu.memory_space<hbm>> -> memref<48xi32, #tpu.memory_space<hbm>>
      %dma_wait3A_663 = tpu.memref_slice %arg3[%add3A_359] : memref<23168xi32, #tpu.memory_space<hbm>> -> memref<48xi32, #tpu.memory_space<hbm>>
      tpu.wait_dma2 semaphore(%run_scoped3A : memref<!tpu.dma_semaphore, #tpu.memory_space<semaphore_mem>>) src(%dma_wait3A_663 : memref<48xi32, #tpu.memory_space<hbm>>) dst(%arg5 : memref<48xi32, #tpu.memory_space<vmem>>)
      tpu.yield
    }) : () -> ()
    %dma_start3A_360 = arith.constant 0 : i32
    %dma_start3A_361 = arith.constant 0 : i32
    %dma_start3A_362 = tpu.memref_slice %arg6[%dma_start3A_360, %dma_start3A_361] : memref<96x1024xf32, #tpu.memory_space<vmem>> -> memref<48x1024xf32, #tpu.memory_space<vmem>>
    %dma_start3A_363 = arith.constant 0 : i32
    %dma_start3A_364 = arith.constant 0 : i32
    %dma_start3A_365 = tpu.memref_slice %arg2[%dma_start3A_363, %dma_start3A_364] : memref<32768x1024xf32, #tpu.memory_space<hbm>> -> memref<32768x1024xf32, #tpu.memory_space<hbm>>
    tpu.enqueue_indirect_dma source(%dma_start3A_365 : memref<32768x1024xf32, #tpu.memory_space<hbm>>) target(%dma_start3A_362 : memref<48x1024xf32, #tpu.memory_space<vmem>>) offsets(%arg5 : memref<48xi32, #tpu.memory_space<vmem>>) semaphore(%arg7 : memref<!tpu.dma_semaphore, #tpu.memory_space<semaphore_mem>>)
    %dma_wait3A_366 = arith.constant 0 : i32
    %dma_wait3A_367 = arith.constant 0 : i32
    %dma_wait3A_368 = tpu.memref_slice %arg6[%dma_wait3A_366, %dma_wait3A_367] : memref<96x1024xf32, #tpu.memory_space<vmem>> -> memref<48x1024xf32, #tpu.memory_space<vmem>>
    %dma_wait3A_369 = arith.constant 0 : i32
    %dma_wait3A_370 = arith.constant 0 : i32
    %dma_wait3A_371 = tpu.memref_slice %arg2[%dma_wait3A_369, %dma_wait3A_370] : memref<32768x1024xf32, #tpu.memory_space<hbm>> -> memref<32768x1024xf32, #tpu.memory_space<hbm>>
    tpu.wait_indirect_dma semaphore(%arg7 : memref<!tpu.dma_semaphore, #tpu.memory_space<semaphore_mem>>) src(%dma_wait3A_371 : memref<32768x1024xf32, #tpu.memory_space<hbm>>) dst(%dma_wait3A_368 : memref<48x1024xf32, #tpu.memory_space<vmem>>)
    %dma_start3A_372 = arith.constant 0 : i32
    %dma_start3A_373 = arith.constant 0 : i32
    %dma_start3A_374 = tpu.memref_slice %arg6[%dma_start3A_372, %dma_start3A_373] : memref<96x1024xf32, #tpu.memory_space<vmem>> -> memref<48x1024xf32, #tpu.memory_space<vmem>>
    %dma_start3A_375 = arith.constant 0 : i32
    %dma_start3A_376 = tpu.memref_slice %arg4[%select_n3A, %multiple_of3A_356, %dma_start3A_375] : memref<8x2880x1024xf32, #tpu.memory_space<hbm>> -> memref<1x48x1024xf32, #tpu.memory_space<hbm>>
    %dma_start3A_377 = tpu.memref_squeeze %dma_start3A_376 : memref<1x48x1024xf32, #tpu.memory_space<hbm>> -> memref<48x1024xf32, #tpu.memory_space<hbm>>
    %dma_start3A_378 = arith.constant 0 : i32
    %dma_start3A_379 = tpu.memref_slice %arg4[%select_n3A, %multiple_of3A_356, %dma_start3A_378] : memref<8x2880x1024xf32, #tpu.memory_space<hbm>> -> memref<1x48x1024xf32, #tpu.memory_space<hbm>>
    %dma_start3A_380 = tpu.memref_squeeze %dma_start3A_379 : memref<1x48x1024xf32, #tpu.memory_space<hbm>> -> memref<48x1024xf32, #tpu.memory_space<hbm>>
    %dma_start3A_381 = arith.constant 0 : i32
    %dma_start3A_382 = arith.constant 0 : i32
    %dma_start3A_383 = tpu.memref_slice %arg6[%dma_start3A_381, %dma_start3A_382] : memref<96x1024xf32, #tpu.memory_space<vmem>> -> memref<48x1024xf32, #tpu.memory_space<vmem>>
    tpu.enqueue_dma source(%dma_start3A_383 : memref<48x1024xf32, #tpu.memory_space<vmem>>) target(%dma_start3A_380 : memref<48x1024xf32, #tpu.memory_space<hbm>>) target_semaphore(%arg8 : memref<!tpu.dma_semaphore, #tpu.memory_space<semaphore_mem>>)
    %dma_wait3A_384 = arith.constant 48 : i32
    %dma_wait3A_385 = arith.constant 0 : i32
    %dma_wait3A_386 = tpu.memref_slice %arg6[%dma_wait3A_384, %dma_wait3A_385] : memref<96x1024xf32, #tpu.memory_space<vmem>> -> memref<48x1024xf32, #tpu.memory_space<vmem>>
    %dma_wait3A_387 = arith.constant 0 : i32
    %dma_wait3A_388 = tpu.memref_slice %arg4[%select_n3A, %multiple_of3A_314, %dma_wait3A_387] : memref<8x2880x1024xf32, #tpu.memory_space<hbm>> -> memref<1x48x1024xf32, #tpu.memory_space<hbm>>
    %dma_wait3A_389 = tpu.memref_squeeze %dma_wait3A_388 : memref<1x48x1024xf32, #tpu.memory_space<hbm>> -> memref<48x1024xf32, #tpu.memory_space<hbm>>
    %dma_wait3A_390 = arith.constant 0 : i32
    %dma_wait3A_391 = tpu.memref_slice %arg4[%select_n3A, %multiple_of3A_314, %dma_wait3A_390] : memref<8x2880x1024xf32, #tpu.memory_space<hbm>> -> memref<1x48x1024xf32, #tpu.memory_space<hbm>>
    %dma_wait3A_392 = tpu.memref_squeeze %dma_wait3A_391 : memref<1x48x1024xf32, #tpu.memory_space<hbm>> -> memref<48x1024xf32, #tpu.memory_space<hbm>>
    %dma_wait3A_393 = arith.constant 48 : i32
    %dma_wait3A_394 = arith.constant 0 : i32
    %dma_wait3A_395 = tpu.memref_slice %arg6[%dma_wait3A_393, %dma_wait3A_394] : memref<96x1024xf32, #tpu.memory_space<vmem>> -> memref<48x1024xf32, #tpu.memory_space<vmem>>
    tpu.wait_dma2 semaphore(%arg8 : memref<!tpu.dma_semaphore, #tpu.memory_space<semaphore_mem>>) src(%dma_wait3A_395 : memref<48x1024xf32, #tpu.memory_space<vmem>>) dst(%dma_wait3A_392 : memref<48x1024xf32, #tpu.memory_space<hbm>>)
    %add3A_396 = arith.constant 432 : i32
    %add3A_397 = arith.addi %mul3A_32, %add3A_396 : i32
    %multiple_of3A_398 = tpu.assume_multiple %add3A_397, 8 : i32
    %mul3A_399 = arith.constant 2896 : i32
    %mul3A_400 = arith.muli %select_n3A, %mul3A_399 : i32
    %add3A_401 = arith.addi %mul3A_400, %multiple_of3A_398 : i32
    "tpu.region"() ({
      %run_scoped3A = tpu.sem_alloc : memref<!tpu.dma_semaphore, #tpu.memory_space<semaphore_mem>>
      %dma_start3A_660 = tpu.memref_slice %arg3[%add3A_401] : memref<23168xi32, #tpu.memory_space<hbm>> -> memref<48xi32, #tpu.memory_space<hbm>>
      %dma_start3A_661 = tpu.memref_slice %arg3[%add3A_401] : memref<23168xi32, #tpu.memory_space<hbm>> -> memref<48xi32, #tpu.memory_space<hbm>>
      tpu.enqueue_dma source(%dma_start3A_661 : memref<48xi32, #tpu.memory_space<hbm>>) target(%arg5 : memref<48xi32, #tpu.memory_space<vmem>>) target_semaphore(%run_scoped3A : memref<!tpu.dma_semaphore, #tpu.memory_space<semaphore_mem>>)
      %dma_wait3A_662 = tpu.memref_slice %arg3[%add3A_401] : memref<23168xi32, #tpu.memory_space<hbm>> -> memref<48xi32, #tpu.memory_space<hbm>>
      %dma_wait3A_663 = tpu.memref_slice %arg3[%add3A_401] : memref<23168xi32, #tpu.memory_space<hbm>> -> memref<48xi32, #tpu.memory_space<hbm>>
      tpu.wait_dma2 semaphore(%run_scoped3A : memref<!tpu.dma_semaphore, #tpu.memory_space<semaphore_mem>>) src(%dma_wait3A_663 : memref<48xi32, #tpu.memory_space<hbm>>) dst(%arg5 : memref<48xi32, #tpu.memory_space<vmem>>)
      tpu.yield
    }) : () -> ()
    %dma_start3A_402 = arith.constant 48 : i32
    %dma_start3A_403 = arith.constant 0 : i32
    %dma_start3A_404 = tpu.memref_slice %arg6[%dma_start3A_402, %dma_start3A_403] : memref<96x1024xf32, #tpu.memory_space<vmem>> -> memref<48x1024xf32, #tpu.memory_space<vmem>>
    %dma_start3A_405 = arith.constant 0 : i32
    %dma_start3A_406 = arith.constant 0 : i32
    %dma_start3A_407 = tpu.memref_slice %arg2[%dma_start3A_405, %dma_start3A_406] : memref<32768x1024xf32, #tpu.memory_space<hbm>> -> memref<32768x1024xf32, #tpu.memory_space<hbm>>
    tpu.enqueue_indirect_dma source(%dma_start3A_407 : memref<32768x1024xf32, #tpu.memory_space<hbm>>) target(%dma_start3A_404 : memref<48x1024xf32, #tpu.memory_space<vmem>>) offsets(%arg5 : memref<48xi32, #tpu.memory_space<vmem>>) semaphore(%arg7 : memref<!tpu.dma_semaphore, #tpu.memory_space<semaphore_mem>>)
    %dma_wait3A_408 = arith.constant 48 : i32
    %dma_wait3A_409 = arith.constant 0 : i32
    %dma_wait3A_410 = tpu.memref_slice %arg6[%dma_wait3A_408, %dma_wait3A_409] : memref<96x1024xf32, #tpu.memory_space<vmem>> -> memref<48x1024xf32, #tpu.memory_space<vmem>>
    %dma_wait3A_411 = arith.constant 0 : i32
    %dma_wait3A_412 = arith.constant 0 : i32
    %dma_wait3A_413 = tpu.memref_slice %arg2[%dma_wait3A_411, %dma_wait3A_412] : memref<32768x1024xf32, #tpu.memory_space<hbm>> -> memref<32768x1024xf32, #tpu.memory_space<hbm>>
    tpu.wait_indirect_dma semaphore(%arg7 : memref<!tpu.dma_semaphore, #tpu.memory_space<semaphore_mem>>) src(%dma_wait3A_413 : memref<32768x1024xf32, #tpu.memory_space<hbm>>) dst(%dma_wait3A_410 : memref<48x1024xf32, #tpu.memory_space<vmem>>)
    %dma_start3A_414 = arith.constant 48 : i32
    %dma_start3A_415 = arith.constant 0 : i32
    %dma_start3A_416 = tpu.memref_slice %arg6[%dma_start3A_414, %dma_start3A_415] : memref<96x1024xf32, #tpu.memory_space<vmem>> -> memref<48x1024xf32, #tpu.memory_space<vmem>>
    %dma_start3A_417 = arith.constant 0 : i32
    %dma_start3A_418 = tpu.memref_slice %arg4[%select_n3A, %multiple_of3A_398, %dma_start3A_417] : memref<8x2880x1024xf32, #tpu.memory_space<hbm>> -> memref<1x48x1024xf32, #tpu.memory_space<hbm>>
    %dma_start3A_419 = tpu.memref_squeeze %dma_start3A_418 : memref<1x48x1024xf32, #tpu.memory_space<hbm>> -> memref<48x1024xf32, #tpu.memory_space<hbm>>
    %dma_start3A_420 = arith.constant 0 : i32
    %dma_start3A_421 = tpu.memref_slice %arg4[%select_n3A, %multiple_of3A_398, %dma_start3A_420] : memref<8x2880x1024xf32, #tpu.memory_space<hbm>> -> memref<1x48x1024xf32, #tpu.memory_space<hbm>>
    %dma_start3A_422 = tpu.memref_squeeze %dma_start3A_421 : memref<1x48x1024xf32, #tpu.memory_space<hbm>> -> memref<48x1024xf32, #tpu.memory_space<hbm>>
    %dma_start3A_423 = arith.constant 48 : i32
    %dma_start3A_424 = arith.constant 0 : i32
    %dma_start3A_425 = tpu.memref_slice %arg6[%dma_start3A_423, %dma_start3A_424] : memref<96x1024xf32, #tpu.memory_space<vmem>> -> memref<48x1024xf32, #tpu.memory_space<vmem>>
    tpu.enqueue_dma source(%dma_start3A_425 : memref<48x1024xf32, #tpu.memory_space<vmem>>) target(%dma_start3A_422 : memref<48x1024xf32, #tpu.memory_space<hbm>>) target_semaphore(%arg8 : memref<!tpu.dma_semaphore, #tpu.memory_space<semaphore_mem>>)
    %dma_wait3A_426 = arith.constant 0 : i32
    %dma_wait3A_427 = arith.constant 0 : i32
    %dma_wait3A_428 = tpu.memref_slice %arg6[%dma_wait3A_426, %dma_wait3A_427] : memref<96x1024xf32, #tpu.memory_space<vmem>> -> memref<48x1024xf32, #tpu.memory_space<vmem>>
    %dma_wait3A_429 = arith.constant 0 : i32
    %dma_wait3A_430 = tpu.memref_slice %arg4[%select_n3A, %multiple_of3A_356, %dma_wait3A_429] : memref<8x2880x1024xf32, #tpu.memory_space<hbm>> -> memref<1x48x1024xf32, #tpu.memory_space<hbm>>
    %dma_wait3A_431 = tpu.memref_squeeze %dma_wait3A_430 : memref<1x48x1024xf32, #tpu.memory_space<hbm>> -> memref<48x1024xf32, #tpu.memory_space<hbm>>
    %dma_wait3A_432 = arith.constant 0 : i32
    %dma_wait3A_433 = tpu.memref_slice %arg4[%select_n3A, %multiple_of3A_356, %dma_wait3A_432] : memref<8x2880x1024xf32, #tpu.memory_space<hbm>> -> memref<1x48x1024xf32, #tpu.memory_space<hbm>>
    %dma_wait3A_434 = tpu.memref_squeeze %dma_wait3A_433 : memref<1x48x1024xf32, #tpu.memory_space<hbm>> -> memref<48x1024xf32, #tpu.memory_space<hbm>>
    %dma_wait3A_435 = arith.constant 0 : i32
    %dma_wait3A_436 = arith.constant 0 : i32
    %dma_wait3A_437 = tpu.memref_slice %arg6[%dma_wait3A_435, %dma_wait3A_436] : memref<96x1024xf32, #tpu.memory_space<vmem>> -> memref<48x1024xf32, #tpu.memory_space<vmem>>
    tpu.wait_dma2 semaphore(%arg8 : memref<!tpu.dma_semaphore, #tpu.memory_space<semaphore_mem>>) src(%dma_wait3A_437 : memref<48x1024xf32, #tpu.memory_space<vmem>>) dst(%dma_wait3A_434 : memref<48x1024xf32, #tpu.memory_space<hbm>>)
    %add3A_438 = arith.constant 480 : i32
    %add3A_439 = arith.addi %mul3A_32, %add3A_438 : i32
    %multiple_of3A_440 = tpu.assume_multiple %add3A_439, 8 : i32
    %mul3A_441 = arith.constant 2896 : i32
    %mul3A_442 = arith.muli %select_n3A, %mul3A_441 : i32
    %add3A_443 = arith.addi %mul3A_442, %multiple_of3A_440 : i32
    "tpu.region"() ({
      %run_scoped3A = tpu.sem_alloc : memref<!tpu.dma_semaphore, #tpu.memory_space<semaphore_mem>>
      %dma_start3A_660 = tpu.memref_slice %arg3[%add3A_443] : memref<23168xi32, #tpu.memory_space<hbm>> -> memref<48xi32, #tpu.memory_space<hbm>>
      %dma_start3A_661 = tpu.memref_slice %arg3[%add3A_443] : memref<23168xi32, #tpu.memory_space<hbm>> -> memref<48xi32, #tpu.memory_space<hbm>>
      tpu.enqueue_dma source(%dma_start3A_661 : memref<48xi32, #tpu.memory_space<hbm>>) target(%arg5 : memref<48xi32, #tpu.memory_space<vmem>>) target_semaphore(%run_scoped3A : memref<!tpu.dma_semaphore, #tpu.memory_space<semaphore_mem>>)
      %dma_wait3A_662 = tpu.memref_slice %arg3[%add3A_443] : memref<23168xi32, #tpu.memory_space<hbm>> -> memref<48xi32, #tpu.memory_space<hbm>>
      %dma_wait3A_663 = tpu.memref_slice %arg3[%add3A_443] : memref<23168xi32, #tpu.memory_space<hbm>> -> memref<48xi32, #tpu.memory_space<hbm>>
      tpu.wait_dma2 semaphore(%run_scoped3A : memref<!tpu.dma_semaphore, #tpu.memory_space<semaphore_mem>>) src(%dma_wait3A_663 : memref<48xi32, #tpu.memory_space<hbm>>) dst(%arg5 : memref<48xi32, #tpu.memory_space<vmem>>)
      tpu.yield
    }) : () -> ()
    %dma_start3A_444 = arith.constant 0 : i32
    %dma_start3A_445 = arith.constant 0 : i32
    %dma_start3A_446 = tpu.memref_slice %arg6[%dma_start3A_444, %dma_start3A_445] : memref<96x1024xf32, #tpu.memory_space<vmem>> -> memref<48x1024xf32, #tpu.memory_space<vmem>>
    %dma_start3A_447 = arith.constant 0 : i32
    %dma_start3A_448 = arith.constant 0 : i32
    %dma_start3A_449 = tpu.memref_slice %arg2[%dma_start3A_447, %dma_start3A_448] : memref<32768x1024xf32, #tpu.memory_space<hbm>> -> memref<32768x1024xf32, #tpu.memory_space<hbm>>
    tpu.enqueue_indirect_dma source(%dma_start3A_449 : memref<32768x1024xf32, #tpu.memory_space<hbm>>) target(%dma_start3A_446 : memref<48x1024xf32, #tpu.memory_space<vmem>>) offsets(%arg5 : memref<48xi32, #tpu.memory_space<vmem>>) semaphore(%arg7 : memref<!tpu.dma_semaphore, #tpu.memory_space<semaphore_mem>>)
    %dma_wait3A_450 = arith.constant 0 : i32
    %dma_wait3A_451 = arith.constant 0 : i32
    %dma_wait3A_452 = tpu.memref_slice %arg6[%dma_wait3A_450, %dma_wait3A_451] : memref<96x1024xf32, #tpu.memory_space<vmem>> -> memref<48x1024xf32, #tpu.memory_space<vmem>>
    %dma_wait3A_453 = arith.constant 0 : i32
    %dma_wait3A_454 = arith.constant 0 : i32
    %dma_wait3A_455 = tpu.memref_slice %arg2[%dma_wait3A_453, %dma_wait3A_454] : memref<32768x1024xf32, #tpu.memory_space<hbm>> -> memref<32768x1024xf32, #tpu.memory_space<hbm>>
    tpu.wait_indirect_dma semaphore(%arg7 : memref<!tpu.dma_semaphore, #tpu.memory_space<semaphore_mem>>) src(%dma_wait3A_455 : memref<32768x1024xf32, #tpu.memory_space<hbm>>) dst(%dma_wait3A_452 : memref<48x1024xf32, #tpu.memory_space<vmem>>)
    %dma_start3A_456 = arith.constant 0 : i32
    %dma_start3A_457 = arith.constant 0 : i32
    %dma_start3A_458 = tpu.memref_slice %arg6[%dma_start3A_456, %dma_start3A_457] : memref<96x1024xf32, #tpu.memory_space<vmem>> -> memref<48x1024xf32, #tpu.memory_space<vmem>>
    %dma_start3A_459 = arith.constant 0 : i32
    %dma_start3A_460 = tpu.memref_slice %arg4[%select_n3A, %multiple_of3A_440, %dma_start3A_459] : memref<8x2880x1024xf32, #tpu.memory_space<hbm>> -> memref<1x48x1024xf32, #tpu.memory_space<hbm>>
    %dma_start3A_461 = tpu.memref_squeeze %dma_start3A_460 : memref<1x48x1024xf32, #tpu.memory_space<hbm>> -> memref<48x1024xf32, #tpu.memory_space<hbm>>
    %dma_start3A_462 = arith.constant 0 : i32
    %dma_start3A_463 = tpu.memref_slice %arg4[%select_n3A, %multiple_of3A_440, %dma_start3A_462] : memref<8x2880x1024xf32, #tpu.memory_space<hbm>> -> memref<1x48x1024xf32, #tpu.memory_space<hbm>>
    %dma_start3A_464 = tpu.memref_squeeze %dma_start3A_463 : memref<1x48x1024xf32, #tpu.memory_space<hbm>> -> memref<48x1024xf32, #tpu.memory_space<hbm>>
    %dma_start3A_465 = arith.constant 0 : i32
    %dma_start3A_466 = arith.constant 0 : i32
    %dma_start3A_467 = tpu.memref_slice %arg6[%dma_start3A_465, %dma_start3A_466] : memref<96x1024xf32, #tpu.memory_space<vmem>> -> memref<48x1024xf32, #tpu.memory_space<vmem>>
    tpu.enqueue_dma source(%dma_start3A_467 : memref<48x1024xf32, #tpu.memory_space<vmem>>) target(%dma_start3A_464 : memref<48x1024xf32, #tpu.memory_space<hbm>>) target_semaphore(%arg8 : memref<!tpu.dma_semaphore, #tpu.memory_space<semaphore_mem>>)
    %dma_wait3A_468 = arith.constant 48 : i32
    %dma_wait3A_469 = arith.constant 0 : i32
    %dma_wait3A_470 = tpu.memref_slice %arg6[%dma_wait3A_468, %dma_wait3A_469] : memref<96x1024xf32, #tpu.memory_space<vmem>> -> memref<48x1024xf32, #tpu.memory_space<vmem>>
    %dma_wait3A_471 = arith.constant 0 : i32
    %dma_wait3A_472 = tpu.memref_slice %arg4[%select_n3A, %multiple_of3A_398, %dma_wait3A_471] : memref<8x2880x1024xf32, #tpu.memory_space<hbm>> -> memref<1x48x1024xf32, #tpu.memory_space<hbm>>
    %dma_wait3A_473 = tpu.memref_squeeze %dma_wait3A_472 : memref<1x48x1024xf32, #tpu.memory_space<hbm>> -> memref<48x1024xf32, #tpu.memory_space<hbm>>
    %dma_wait3A_474 = arith.constant 0 : i32
    %dma_wait3A_475 = tpu.memref_slice %arg4[%select_n3A, %multiple_of3A_398, %dma_wait3A_474] : memref<8x2880x1024xf32, #tpu.memory_space<hbm>> -> memref<1x48x1024xf32, #tpu.memory_space<hbm>>
    %dma_wait3A_476 = tpu.memref_squeeze %dma_wait3A_475 : memref<1x48x1024xf32, #tpu.memory_space<hbm>> -> memref<48x1024xf32, #tpu.memory_space<hbm>>
    %dma_wait3A_477 = arith.constant 48 : i32
    %dma_wait3A_478 = arith.constant 0 : i32
    %dma_wait3A_479 = tpu.memref_slice %arg6[%dma_wait3A_477, %dma_wait3A_478] : memref<96x1024xf32, #tpu.memory_space<vmem>> -> memref<48x1024xf32, #tpu.memory_space<vmem>>
    tpu.wait_dma2 semaphore(%arg8 : memref<!tpu.dma_semaphore, #tpu.memory_space<semaphore_mem>>) src(%dma_wait3A_479 : memref<48x1024xf32, #tpu.memory_space<vmem>>) dst(%dma_wait3A_476 : memref<48x1024xf32, #tpu.memory_space<hbm>>)
    %add3A_480 = arith.constant 528 : i32
    %add3A_481 = arith.addi %mul3A_32, %add3A_480 : i32
    %multiple_of3A_482 = tpu.assume_multiple %add3A_481, 8 : i32
    %mul3A_483 = arith.constant 2896 : i32
    %mul3A_484 = arith.muli %select_n3A, %mul3A_483 : i32
    %add3A_485 = arith.addi %mul3A_484, %multiple_of3A_482 : i32
    "tpu.region"() ({
      %run_scoped3A = tpu.sem_alloc : memref<!tpu.dma_semaphore, #tpu.memory_space<semaphore_mem>>
      %dma_start3A_660 = tpu.memref_slice %arg3[%add3A_485] : memref<23168xi32, #tpu.memory_space<hbm>> -> memref<48xi32, #tpu.memory_space<hbm>>
      %dma_start3A_661 = tpu.memref_slice %arg3[%add3A_485] : memref<23168xi32, #tpu.memory_space<hbm>> -> memref<48xi32, #tpu.memory_space<hbm>>
      tpu.enqueue_dma source(%dma_start3A_661 : memref<48xi32, #tpu.memory_space<hbm>>) target(%arg5 : memref<48xi32, #tpu.memory_space<vmem>>) target_semaphore(%run_scoped3A : memref<!tpu.dma_semaphore, #tpu.memory_space<semaphore_mem>>)
      %dma_wait3A_662 = tpu.memref_slice %arg3[%add3A_485] : memref<23168xi32, #tpu.memory_space<hbm>> -> memref<48xi32, #tpu.memory_space<hbm>>
      %dma_wait3A_663 = tpu.memref_slice %arg3[%add3A_485] : memref<23168xi32, #tpu.memory_space<hbm>> -> memref<48xi32, #tpu.memory_space<hbm>>
      tpu.wait_dma2 semaphore(%run_scoped3A : memref<!tpu.dma_semaphore, #tpu.memory_space<semaphore_mem>>) src(%dma_wait3A_663 : memref<48xi32, #tpu.memory_space<hbm>>) dst(%arg5 : memref<48xi32, #tpu.memory_space<vmem>>)
      tpu.yield
    }) : () -> ()
    %dma_start3A_486 = arith.constant 48 : i32
    %dma_start3A_487 = arith.constant 0 : i32
    %dma_start3A_488 = tpu.memref_slice %arg6[%dma_start3A_486, %dma_start3A_487] : memref<96x1024xf32, #tpu.memory_space<vmem>> -> memref<48x1024xf32, #tpu.memory_space<vmem>>
    %dma_start3A_489 = arith.constant 0 : i32
    %dma_start3A_490 = arith.constant 0 : i32
    %dma_start3A_491 = tpu.memref_slice %arg2[%dma_start3A_489, %dma_start3A_490] : memref<32768x1024xf32, #tpu.memory_space<hbm>> -> memref<32768x1024xf32, #tpu.memory_space<hbm>>
    tpu.enqueue_indirect_dma source(%dma_start3A_491 : memref<32768x1024xf32, #tpu.memory_space<hbm>>) target(%dma_start3A_488 : memref<48x1024xf32, #tpu.memory_space<vmem>>) offsets(%arg5 : memref<48xi32, #tpu.memory_space<vmem>>) semaphore(%arg7 : memref<!tpu.dma_semaphore, #tpu.memory_space<semaphore_mem>>)
    %dma_wait3A_492 = arith.constant 48 : i32
    %dma_wait3A_493 = arith.constant 0 : i32
    %dma_wait3A_494 = tpu.memref_slice %arg6[%dma_wait3A_492, %dma_wait3A_493] : memref<96x1024xf32, #tpu.memory_space<vmem>> -> memref<48x1024xf32, #tpu.memory_space<vmem>>
    %dma_wait3A_495 = arith.constant 0 : i32
    %dma_wait3A_496 = arith.constant 0 : i32
    %dma_wait3A_497 = tpu.memref_slice %arg2[%dma_wait3A_495, %dma_wait3A_496] : memref<32768x1024xf32, #tpu.memory_space<hbm>> -> memref<32768x1024xf32, #tpu.memory_space<hbm>>
    tpu.wait_indirect_dma semaphore(%arg7 : memref<!tpu.dma_semaphore, #tpu.memory_space<semaphore_mem>>) src(%dma_wait3A_497 : memref<32768x1024xf32, #tpu.memory_space<hbm>>) dst(%dma_wait3A_494 : memref<48x1024xf32, #tpu.memory_space<vmem>>)
    %dma_start3A_498 = arith.constant 48 : i32
    %dma_start3A_499 = arith.constant 0 : i32
    %dma_start3A_500 = tpu.memref_slice %arg6[%dma_start3A_498, %dma_start3A_499] : memref<96x1024xf32, #tpu.memory_space<vmem>> -> memref<48x1024xf32, #tpu.memory_space<vmem>>
    %dma_start3A_501 = arith.constant 0 : i32
    %dma_start3A_502 = tpu.memref_slice %arg4[%select_n3A, %multiple_of3A_482, %dma_start3A_501] : memref<8x2880x1024xf32, #tpu.memory_space<hbm>> -> memref<1x48x1024xf32, #tpu.memory_space<hbm>>
    %dma_start3A_503 = tpu.memref_squeeze %dma_start3A_502 : memref<1x48x1024xf32, #tpu.memory_space<hbm>> -> memref<48x1024xf32, #tpu.memory_space<hbm>>
    %dma_start3A_504 = arith.constant 0 : i32
    %dma_start3A_505 = tpu.memref_slice %arg4[%select_n3A, %multiple_of3A_482, %dma_start3A_504] : memref<8x2880x1024xf32, #tpu.memory_space<hbm>> -> memref<1x48x1024xf32, #tpu.memory_space<hbm>>
    %dma_start3A_506 = tpu.memref_squeeze %dma_start3A_505 : memref<1x48x1024xf32, #tpu.memory_space<hbm>> -> memref<48x1024xf32, #tpu.memory_space<hbm>>
    %dma_start3A_507 = arith.constant 48 : i32
    %dma_start3A_508 = arith.constant 0 : i32
    %dma_start3A_509 = tpu.memref_slice %arg6[%dma_start3A_507, %dma_start3A_508] : memref<96x1024xf32, #tpu.memory_space<vmem>> -> memref<48x1024xf32, #tpu.memory_space<vmem>>
    tpu.enqueue_dma source(%dma_start3A_509 : memref<48x1024xf32, #tpu.memory_space<vmem>>) target(%dma_start3A_506 : memref<48x1024xf32, #tpu.memory_space<hbm>>) target_semaphore(%arg8 : memref<!tpu.dma_semaphore, #tpu.memory_space<semaphore_mem>>)
    %dma_wait3A_510 = arith.constant 0 : i32
    %dma_wait3A_511 = arith.constant 0 : i32
    %dma_wait3A_512 = tpu.memref_slice %arg6[%dma_wait3A_510, %dma_wait3A_511] : memref<96x1024xf32, #tpu.memory_space<vmem>> -> memref<48x1024xf32, #tpu.memory_space<vmem>>
    %dma_wait3A_513 = arith.constant 0 : i32
    %dma_wait3A_514 = tpu.memref_slice %arg4[%select_n3A, %multiple_of3A_440, %dma_wait3A_513] : memref<8x2880x1024xf32, #tpu.memory_space<hbm>> -> memref<1x48x1024xf32, #tpu.memory_space<hbm>>
    %dma_wait3A_515 = tpu.memref_squeeze %dma_wait3A_514 : memref<1x48x1024xf32, #tpu.memory_space<hbm>> -> memref<48x1024xf32, #tpu.memory_space<hbm>>
    %dma_wait3A_516 = arith.constant 0 : i32
    %dma_wait3A_517 = tpu.memref_slice %arg4[%select_n3A, %multiple_of3A_440, %dma_wait3A_516] : memref<8x2880x1024xf32, #tpu.memory_space<hbm>> -> memref<1x48x1024xf32, #tpu.memory_space<hbm>>
    %dma_wait3A_518 = tpu.memref_squeeze %dma_wait3A_517 : memref<1x48x1024xf32, #tpu.memory_space<hbm>> -> memref<48x1024xf32, #tpu.memory_space<hbm>>
    %dma_wait3A_519 = arith.constant 0 : i32
    %dma_wait3A_520 = arith.constant 0 : i32
    %dma_wait3A_521 = tpu.memref_slice %arg6[%dma_wait3A_519, %dma_wait3A_520] : memref<96x1024xf32, #tpu.memory_space<vmem>> -> memref<48x1024xf32, #tpu.memory_space<vmem>>
    tpu.wait_dma2 semaphore(%arg8 : memref<!tpu.dma_semaphore, #tpu.memory_space<semaphore_mem>>) src(%dma_wait3A_521 : memref<48x1024xf32, #tpu.memory_space<vmem>>) dst(%dma_wait3A_518 : memref<48x1024xf32, #tpu.memory_space<hbm>>)
    %add3A_522 = arith.constant 576 : i32
    %add3A_523 = arith.addi %mul3A_32, %add3A_522 : i32
    %multiple_of3A_524 = tpu.assume_multiple %add3A_523, 8 : i32
    %mul3A_525 = arith.constant 2896 : i32
    %mul3A_526 = arith.muli %select_n3A, %mul3A_525 : i32
    %add3A_527 = arith.addi %mul3A_526, %multiple_of3A_524 : i32
    "tpu.region"() ({
      %run_scoped3A = tpu.sem_alloc : memref<!tpu.dma_semaphore, #tpu.memory_space<semaphore_mem>>
      %dma_start3A_660 = tpu.memref_slice %arg3[%add3A_527] : memref<23168xi32, #tpu.memory_space<hbm>> -> memref<48xi32, #tpu.memory_space<hbm>>
      %dma_start3A_661 = tpu.memref_slice %arg3[%add3A_527] : memref<23168xi32, #tpu.memory_space<hbm>> -> memref<48xi32, #tpu.memory_space<hbm>>
      tpu.enqueue_dma source(%dma_start3A_661 : memref<48xi32, #tpu.memory_space<hbm>>) target(%arg5 : memref<48xi32, #tpu.memory_space<vmem>>) target_semaphore(%run_scoped3A : memref<!tpu.dma_semaphore, #tpu.memory_space<semaphore_mem>>)
      %dma_wait3A_662 = tpu.memref_slice %arg3[%add3A_527] : memref<23168xi32, #tpu.memory_space<hbm>> -> memref<48xi32, #tpu.memory_space<hbm>>
      %dma_wait3A_663 = tpu.memref_slice %arg3[%add3A_527] : memref<23168xi32, #tpu.memory_space<hbm>> -> memref<48xi32, #tpu.memory_space<hbm>>
      tpu.wait_dma2 semaphore(%run_scoped3A : memref<!tpu.dma_semaphore, #tpu.memory_space<semaphore_mem>>) src(%dma_wait3A_663 : memref<48xi32, #tpu.memory_space<hbm>>) dst(%arg5 : memref<48xi32, #tpu.memory_space<vmem>>)
      tpu.yield
    }) : () -> ()
    %dma_start3A_528 = arith.constant 0 : i32
    %dma_start3A_529 = arith.constant 0 : i32
    %dma_start3A_530 = tpu.memref_slice %arg6[%dma_start3A_528, %dma_start3A_529] : memref<96x1024xf32, #tpu.memory_space<vmem>> -> memref<48x1024xf32, #tpu.memory_space<vmem>>
    %dma_start3A_531 = arith.constant 0 : i32
    %dma_start3A_532 = arith.constant 0 : i32
    %dma_start3A_533 = tpu.memref_slice %arg2[%dma_start3A_531, %dma_start3A_532] : memref<32768x1024xf32, #tpu.memory_space<hbm>> -> memref<32768x1024xf32, #tpu.memory_space<hbm>>
    tpu.enqueue_indirect_dma source(%dma_start3A_533 : memref<32768x1024xf32, #tpu.memory_space<hbm>>) target(%dma_start3A_530 : memref<48x1024xf32, #tpu.memory_space<vmem>>) offsets(%arg5 : memref<48xi32, #tpu.memory_space<vmem>>) semaphore(%arg7 : memref<!tpu.dma_semaphore, #tpu.memory_space<semaphore_mem>>)
    %dma_wait3A_534 = arith.constant 0 : i32
    %dma_wait3A_535 = arith.constant 0 : i32
    %dma_wait3A_536 = tpu.memref_slice %arg6[%dma_wait3A_534, %dma_wait3A_535] : memref<96x1024xf32, #tpu.memory_space<vmem>> -> memref<48x1024xf32, #tpu.memory_space<vmem>>
    %dma_wait3A_537 = arith.constant 0 : i32
    %dma_wait3A_538 = arith.constant 0 : i32
    %dma_wait3A_539 = tpu.memref_slice %arg2[%dma_wait3A_537, %dma_wait3A_538] : memref<32768x1024xf32, #tpu.memory_space<hbm>> -> memref<32768x1024xf32, #tpu.memory_space<hbm>>
    tpu.wait_indirect_dma semaphore(%arg7 : memref<!tpu.dma_semaphore, #tpu.memory_space<semaphore_mem>>) src(%dma_wait3A_539 : memref<32768x1024xf32, #tpu.memory_space<hbm>>) dst(%dma_wait3A_536 : memref<48x1024xf32, #tpu.memory_space<vmem>>)
    %dma_start3A_540 = arith.constant 0 : i32
    %dma_start3A_541 = arith.constant 0 : i32
    %dma_start3A_542 = tpu.memref_slice %arg6[%dma_start3A_540, %dma_start3A_541] : memref<96x1024xf32, #tpu.memory_space<vmem>> -> memref<48x1024xf32, #tpu.memory_space<vmem>>
    %dma_start3A_543 = arith.constant 0 : i32
    %dma_start3A_544 = tpu.memref_slice %arg4[%select_n3A, %multiple_of3A_524, %dma_start3A_543] : memref<8x2880x1024xf32, #tpu.memory_space<hbm>> -> memref<1x48x1024xf32, #tpu.memory_space<hbm>>
    %dma_start3A_545 = tpu.memref_squeeze %dma_start3A_544 : memref<1x48x1024xf32, #tpu.memory_space<hbm>> -> memref<48x1024xf32, #tpu.memory_space<hbm>>
    %dma_start3A_546 = arith.constant 0 : i32
    %dma_start3A_547 = tpu.memref_slice %arg4[%select_n3A, %multiple_of3A_524, %dma_start3A_546] : memref<8x2880x1024xf32, #tpu.memory_space<hbm>> -> memref<1x48x1024xf32, #tpu.memory_space<hbm>>
    %dma_start3A_548 = tpu.memref_squeeze %dma_start3A_547 : memref<1x48x1024xf32, #tpu.memory_space<hbm>> -> memref<48x1024xf32, #tpu.memory_space<hbm>>
    %dma_start3A_549 = arith.constant 0 : i32
    %dma_start3A_550 = arith.constant 0 : i32
    %dma_start3A_551 = tpu.memref_slice %arg6[%dma_start3A_549, %dma_start3A_550] : memref<96x1024xf32, #tpu.memory_space<vmem>> -> memref<48x1024xf32, #tpu.memory_space<vmem>>
    tpu.enqueue_dma source(%dma_start3A_551 : memref<48x1024xf32, #tpu.memory_space<vmem>>) target(%dma_start3A_548 : memref<48x1024xf32, #tpu.memory_space<hbm>>) target_semaphore(%arg8 : memref<!tpu.dma_semaphore, #tpu.memory_space<semaphore_mem>>)
    %dma_wait3A_552 = arith.constant 48 : i32
    %dma_wait3A_553 = arith.constant 0 : i32
    %dma_wait3A_554 = tpu.memref_slice %arg6[%dma_wait3A_552, %dma_wait3A_553] : memref<96x1024xf32, #tpu.memory_space<vmem>> -> memref<48x1024xf32, #tpu.memory_space<vmem>>
    %dma_wait3A_555 = arith.constant 0 : i32
    %dma_wait3A_556 = tpu.memref_slice %arg4[%select_n3A, %multiple_of3A_482, %dma_wait3A_555] : memref<8x2880x1024xf32, #tpu.memory_space<hbm>> -> memref<1x48x1024xf32, #tpu.memory_space<hbm>>
    %dma_wait3A_557 = tpu.memref_squeeze %dma_wait3A_556 : memref<1x48x1024xf32, #tpu.memory_space<hbm>> -> memref<48x1024xf32, #tpu.memory_space<hbm>>
    %dma_wait3A_558 = arith.constant 0 : i32
    %dma_wait3A_559 = tpu.memref_slice %arg4[%select_n3A, %multiple_of3A_482, %dma_wait3A_558] : memref<8x2880x1024xf32, #tpu.memory_space<hbm>> -> memref<1x48x1024xf32, #tpu.memory_space<hbm>>
    %dma_wait3A_560 = tpu.memref_squeeze %dma_wait3A_559 : memref<1x48x1024xf32, #tpu.memory_space<hbm>> -> memref<48x1024xf32, #tpu.memory_space<hbm>>
    %dma_wait3A_561 = arith.constant 48 : i32
    %dma_wait3A_562 = arith.constant 0 : i32
    %dma_wait3A_563 = tpu.memref_slice %arg6[%dma_wait3A_561, %dma_wait3A_562] : memref<96x1024xf32, #tpu.memory_space<vmem>> -> memref<48x1024xf32, #tpu.memory_space<vmem>>
    tpu.wait_dma2 semaphore(%arg8 : memref<!tpu.dma_semaphore, #tpu.memory_space<semaphore_mem>>) src(%dma_wait3A_563 : memref<48x1024xf32, #tpu.memory_space<vmem>>) dst(%dma_wait3A_560 : memref<48x1024xf32, #tpu.memory_space<hbm>>)
    %add3A_564 = arith.constant 624 : i32
    %add3A_565 = arith.addi %mul3A_32, %add3A_564 : i32
    %multiple_of3A_566 = tpu.assume_multiple %add3A_565, 8 : i32
    %mul3A_567 = arith.constant 2896 : i32
    %mul3A_568 = arith.muli %select_n3A, %mul3A_567 : i32
    %add3A_569 = arith.addi %mul3A_568, %multiple_of3A_566 : i32
    "tpu.region"() ({
      %run_scoped3A = tpu.sem_alloc : memref<!tpu.dma_semaphore, #tpu.memory_space<semaphore_mem>>
      %dma_start3A_660 = tpu.memref_slice %arg3[%add3A_569] : memref<23168xi32, #tpu.memory_space<hbm>> -> memref<48xi32, #tpu.memory_space<hbm>>
      %dma_start3A_661 = tpu.memref_slice %arg3[%add3A_569] : memref<23168xi32, #tpu.memory_space<hbm>> -> memref<48xi32, #tpu.memory_space<hbm>>
      tpu.enqueue_dma source(%dma_start3A_661 : memref<48xi32, #tpu.memory_space<hbm>>) target(%arg5 : memref<48xi32, #tpu.memory_space<vmem>>) target_semaphore(%run_scoped3A : memref<!tpu.dma_semaphore, #tpu.memory_space<semaphore_mem>>)
      %dma_wait3A_662 = tpu.memref_slice %arg3[%add3A_569] : memref<23168xi32, #tpu.memory_space<hbm>> -> memref<48xi32, #tpu.memory_space<hbm>>
      %dma_wait3A_663 = tpu.memref_slice %arg3[%add3A_569] : memref<23168xi32, #tpu.memory_space<hbm>> -> memref<48xi32, #tpu.memory_space<hbm>>
      tpu.wait_dma2 semaphore(%run_scoped3A : memref<!tpu.dma_semaphore, #tpu.memory_space<semaphore_mem>>) src(%dma_wait3A_663 : memref<48xi32, #tpu.memory_space<hbm>>) dst(%arg5 : memref<48xi32, #tpu.memory_space<vmem>>)
      tpu.yield
    }) : () -> ()
    %dma_start3A_570 = arith.constant 48 : i32
    %dma_start3A_571 = arith.constant 0 : i32
    %dma_start3A_572 = tpu.memref_slice %arg6[%dma_start3A_570, %dma_start3A_571] : memref<96x1024xf32, #tpu.memory_space<vmem>> -> memref<48x1024xf32, #tpu.memory_space<vmem>>
    %dma_start3A_573 = arith.constant 0 : i32
    %dma_start3A_574 = arith.constant 0 : i32
    %dma_start3A_575 = tpu.memref_slice %arg2[%dma_start3A_573, %dma_start3A_574] : memref<32768x1024xf32, #tpu.memory_space<hbm>> -> memref<32768x1024xf32, #tpu.memory_space<hbm>>
    tpu.enqueue_indirect_dma source(%dma_start3A_575 : memref<32768x1024xf32, #tpu.memory_space<hbm>>) target(%dma_start3A_572 : memref<48x1024xf32, #tpu.memory_space<vmem>>) offsets(%arg5 : memref<48xi32, #tpu.memory_space<vmem>>) semaphore(%arg7 : memref<!tpu.dma_semaphore, #tpu.memory_space<semaphore_mem>>)
    %dma_wait3A_576 = arith.constant 48 : i32
    %dma_wait3A_577 = arith.constant 0 : i32
    %dma_wait3A_578 = tpu.memref_slice %arg6[%dma_wait3A_576, %dma_wait3A_577] : memref<96x1024xf32, #tpu.memory_space<vmem>> -> memref<48x1024xf32, #tpu.memory_space<vmem>>
    %dma_wait3A_579 = arith.constant 0 : i32
    %dma_wait3A_580 = arith.constant 0 : i32
    %dma_wait3A_581 = tpu.memref_slice %arg2[%dma_wait3A_579, %dma_wait3A_580] : memref<32768x1024xf32, #tpu.memory_space<hbm>> -> memref<32768x1024xf32, #tpu.memory_space<hbm>>
    tpu.wait_indirect_dma semaphore(%arg7 : memref<!tpu.dma_semaphore, #tpu.memory_space<semaphore_mem>>) src(%dma_wait3A_581 : memref<32768x1024xf32, #tpu.memory_space<hbm>>) dst(%dma_wait3A_578 : memref<48x1024xf32, #tpu.memory_space<vmem>>)
    %dma_start3A_582 = arith.constant 48 : i32
    %dma_start3A_583 = arith.constant 0 : i32
    %dma_start3A_584 = tpu.memref_slice %arg6[%dma_start3A_582, %dma_start3A_583] : memref<96x1024xf32, #tpu.memory_space<vmem>> -> memref<48x1024xf32, #tpu.memory_space<vmem>>
    %dma_start3A_585 = arith.constant 0 : i32
    %dma_start3A_586 = tpu.memref_slice %arg4[%select_n3A, %multiple_of3A_566, %dma_start3A_585] : memref<8x2880x1024xf32, #tpu.memory_space<hbm>> -> memref<1x48x1024xf32, #tpu.memory_space<hbm>>
    %dma_start3A_587 = tpu.memref_squeeze %dma_start3A_586 : memref<1x48x1024xf32, #tpu.memory_space<hbm>> -> memref<48x1024xf32, #tpu.memory_space<hbm>>
    %dma_start3A_588 = arith.constant 0 : i32
    %dma_start3A_589 = tpu.memref_slice %arg4[%select_n3A, %multiple_of3A_566, %dma_start3A_588] : memref<8x2880x1024xf32, #tpu.memory_space<hbm>> -> memref<1x48x1024xf32, #tpu.memory_space<hbm>>
    %dma_start3A_590 = tpu.memref_squeeze %dma_start3A_589 : memref<1x48x1024xf32, #tpu.memory_space<hbm>> -> memref<48x1024xf32, #tpu.memory_space<hbm>>
    %dma_start3A_591 = arith.constant 48 : i32
    %dma_start3A_592 = arith.constant 0 : i32
    %dma_start3A_593 = tpu.memref_slice %arg6[%dma_start3A_591, %dma_start3A_592] : memref<96x1024xf32, #tpu.memory_space<vmem>> -> memref<48x1024xf32, #tpu.memory_space<vmem>>
    tpu.enqueue_dma source(%dma_start3A_593 : memref<48x1024xf32, #tpu.memory_space<vmem>>) target(%dma_start3A_590 : memref<48x1024xf32, #tpu.memory_space<hbm>>) target_semaphore(%arg8 : memref<!tpu.dma_semaphore, #tpu.memory_space<semaphore_mem>>)
    %dma_wait3A_594 = arith.constant 0 : i32
    %dma_wait3A_595 = arith.constant 0 : i32
    %dma_wait3A_596 = tpu.memref_slice %arg6[%dma_wait3A_594, %dma_wait3A_595] : memref<96x1024xf32, #tpu.memory_space<vmem>> -> memref<48x1024xf32, #tpu.memory_space<vmem>>
    %dma_wait3A_597 = arith.constant 0 : i32
    %dma_wait3A_598 = tpu.memref_slice %arg4[%select_n3A, %multiple_of3A_524, %dma_wait3A_597] : memref<8x2880x1024xf32, #tpu.memory_space<hbm>> -> memref<1x48x1024xf32, #tpu.memory_space<hbm>>
    %dma_wait3A_599 = tpu.memref_squeeze %dma_wait3A_598 : memref<1x48x1024xf32, #tpu.memory_space<hbm>> -> memref<48x1024xf32, #tpu.memory_space<hbm>>
    %dma_wait3A_600 = arith.constant 0 : i32
    %dma_wait3A_601 = tpu.memref_slice %arg4[%select_n3A, %multiple_of3A_524, %dma_wait3A_600] : memref<8x2880x1024xf32, #tpu.memory_space<hbm>> -> memref<1x48x1024xf32, #tpu.memory_space<hbm>>
    %dma_wait3A_602 = tpu.memref_squeeze %dma_wait3A_601 : memref<1x48x1024xf32, #tpu.memory_space<hbm>> -> memref<48x1024xf32, #tpu.memory_space<hbm>>
    %dma_wait3A_603 = arith.constant 0 : i32
    %dma_wait3A_604 = arith.constant 0 : i32
    %dma_wait3A_605 = tpu.memref_slice %arg6[%dma_wait3A_603, %dma_wait3A_604] : memref<96x1024xf32, #tpu.memory_space<vmem>> -> memref<48x1024xf32, #tpu.memory_space<vmem>>
    tpu.wait_dma2 semaphore(%arg8 : memref<!tpu.dma_semaphore, #tpu.memory_space<semaphore_mem>>) src(%dma_wait3A_605 : memref<48x1024xf32, #tpu.memory_space<vmem>>) dst(%dma_wait3A_602 : memref<48x1024xf32, #tpu.memory_space<hbm>>)
    %add3A_606 = arith.constant 672 : i32
    %add3A_607 = arith.addi %mul3A_32, %add3A_606 : i32
    %multiple_of3A_608 = tpu.assume_multiple %add3A_607, 8 : i32
    %mul3A_609 = arith.constant 2896 : i32
    %mul3A_610 = arith.muli %select_n3A, %mul3A_609 : i32
    %add3A_611 = arith.addi %mul3A_610, %multiple_of3A_608 : i32
    "tpu.region"() ({
      %run_scoped3A = tpu.sem_alloc : memref<!tpu.dma_semaphore, #tpu.memory_space<semaphore_mem>>
      %dma_start3A_660 = tpu.memref_slice %arg3[%add3A_611] : memref<23168xi32, #tpu.memory_space<hbm>> -> memref<48xi32, #tpu.memory_space<hbm>>
      %dma_start3A_661 = tpu.memref_slice %arg3[%add3A_611] : memref<23168xi32, #tpu.memory_space<hbm>> -> memref<48xi32, #tpu.memory_space<hbm>>
      tpu.enqueue_dma source(%dma_start3A_661 : memref<48xi32, #tpu.memory_space<hbm>>) target(%arg5 : memref<48xi32, #tpu.memory_space<vmem>>) target_semaphore(%run_scoped3A : memref<!tpu.dma_semaphore, #tpu.memory_space<semaphore_mem>>)
      %dma_wait3A_662 = tpu.memref_slice %arg3[%add3A_611] : memref<23168xi32, #tpu.memory_space<hbm>> -> memref<48xi32, #tpu.memory_space<hbm>>
      %dma_wait3A_663 = tpu.memref_slice %arg3[%add3A_611] : memref<23168xi32, #tpu.memory_space<hbm>> -> memref<48xi32, #tpu.memory_space<hbm>>
      tpu.wait_dma2 semaphore(%run_scoped3A : memref<!tpu.dma_semaphore, #tpu.memory_space<semaphore_mem>>) src(%dma_wait3A_663 : memref<48xi32, #tpu.memory_space<hbm>>) dst(%arg5 : memref<48xi32, #tpu.memory_space<vmem>>)
      tpu.yield
    }) : () -> ()
    %dma_start3A_612 = arith.constant 0 : i32
    %dma_start3A_613 = arith.constant 0 : i32
    %dma_start3A_614 = tpu.memref_slice %arg6[%dma_start3A_612, %dma_start3A_613] : memref<96x1024xf32, #tpu.memory_space<vmem>> -> memref<48x1024xf32, #tpu.memory_space<vmem>>
    %dma_start3A_615 = arith.constant 0 : i32
    %dma_start3A_616 = arith.constant 0 : i32
    %dma_start3A_617 = tpu.memref_slice %arg2[%dma_start3A_615, %dma_start3A_616] : memref<32768x1024xf32, #tpu.memory_space<hbm>> -> memref<32768x1024xf32, #tpu.memory_space<hbm>>
    tpu.enqueue_indirect_dma source(%dma_start3A_617 : memref<32768x1024xf32, #tpu.memory_space<hbm>>) target(%dma_start3A_614 : memref<48x1024xf32, #tpu.memory_space<vmem>>) offsets(%arg5 : memref<48xi32, #tpu.memory_space<vmem>>) semaphore(%arg7 : memref<!tpu.dma_semaphore, #tpu.memory_space<semaphore_mem>>)
    %dma_wait3A_618 = arith.constant 0 : i32
    %dma_wait3A_619 = arith.constant 0 : i32
    %dma_wait3A_620 = tpu.memref_slice %arg6[%dma_wait3A_618, %dma_wait3A_619] : memref<96x1024xf32, #tpu.memory_space<vmem>> -> memref<48x1024xf32, #tpu.memory_space<vmem>>
    %dma_wait3A_621 = arith.constant 0 : i32
    %dma_wait3A_622 = arith.constant 0 : i32
    %dma_wait3A_623 = tpu.memref_slice %arg2[%dma_wait3A_621, %dma_wait3A_622] : memref<32768x1024xf32, #tpu.memory_space<hbm>> -> memref<32768x1024xf32, #tpu.memory_space<hbm>>
    tpu.wait_indirect_dma semaphore(%arg7 : memref<!tpu.dma_semaphore, #tpu.memory_space<semaphore_mem>>) src(%dma_wait3A_623 : memref<32768x1024xf32, #tpu.memory_space<hbm>>) dst(%dma_wait3A_620 : memref<48x1024xf32, #tpu.memory_space<vmem>>)
    %dma_start3A_624 = arith.constant 0 : i32
    %dma_start3A_625 = arith.constant 0 : i32
    %dma_start3A_626 = tpu.memref_slice %arg6[%dma_start3A_624, %dma_start3A_625] : memref<96x1024xf32, #tpu.memory_space<vmem>> -> memref<48x1024xf32, #tpu.memory_space<vmem>>
    %dma_start3A_627 = arith.constant 0 : i32
    %dma_start3A_628 = tpu.memref_slice %arg4[%select_n3A, %multiple_of3A_608, %dma_start3A_627] : memref<8x2880x1024xf32, #tpu.memory_space<hbm>> -> memref<1x48x1024xf32, #tpu.memory_space<hbm>>
    %dma_start3A_629 = tpu.memref_squeeze %dma_start3A_628 : memref<1x48x1024xf32, #tpu.memory_space<hbm>> -> memref<48x1024xf32, #tpu.memory_space<hbm>>
    %dma_start3A_630 = arith.constant 0 : i32
    %dma_start3A_631 = tpu.memref_slice %arg4[%select_n3A, %multiple_of3A_608, %dma_start3A_630] : memref<8x2880x1024xf32, #tpu.memory_space<hbm>> -> memref<1x48x1024xf32, #tpu.memory_space<hbm>>
    %dma_start3A_632 = tpu.memref_squeeze %dma_start3A_631 : memref<1x48x1024xf32, #tpu.memory_space<hbm>> -> memref<48x1024xf32, #tpu.memory_space<hbm>>
    %dma_start3A_633 = arith.constant 0 : i32
    %dma_start3A_634 = arith.constant 0 : i32
    %dma_start3A_635 = tpu.memref_slice %arg6[%dma_start3A_633, %dma_start3A_634] : memref<96x1024xf32, #tpu.memory_space<vmem>> -> memref<48x1024xf32, #tpu.memory_space<vmem>>
    tpu.enqueue_dma source(%dma_start3A_635 : memref<48x1024xf32, #tpu.memory_space<vmem>>) target(%dma_start3A_632 : memref<48x1024xf32, #tpu.memory_space<hbm>>) target_semaphore(%arg8 : memref<!tpu.dma_semaphore, #tpu.memory_space<semaphore_mem>>)
    %dma_wait3A_636 = arith.constant 48 : i32
    %dma_wait3A_637 = arith.constant 0 : i32
    %dma_wait3A_638 = tpu.memref_slice %arg6[%dma_wait3A_636, %dma_wait3A_637] : memref<96x1024xf32, #tpu.memory_space<vmem>> -> memref<48x1024xf32, #tpu.memory_space<vmem>>
    %dma_wait3A_639 = arith.constant 0 : i32
    %dma_wait3A_640 = tpu.memref_slice %arg4[%select_n3A, %multiple_of3A_566, %dma_wait3A_639] : memref<8x2880x1024xf32, #tpu.memory_space<hbm>> -> memref<1x48x1024xf32, #tpu.memory_space<hbm>>
    %dma_wait3A_641 = tpu.memref_squeeze %dma_wait3A_640 : memref<1x48x1024xf32, #tpu.memory_space<hbm>> -> memref<48x1024xf32, #tpu.memory_space<hbm>>
    %dma_wait3A_642 = arith.constant 0 : i32
    %dma_wait3A_643 = tpu.memref_slice %arg4[%select_n3A, %multiple_of3A_566, %dma_wait3A_642] : memref<8x2880x1024xf32, #tpu.memory_space<hbm>> -> memref<1x48x1024xf32, #tpu.memory_space<hbm>>
    %dma_wait3A_644 = tpu.memref_squeeze %dma_wait3A_643 : memref<1x48x1024xf32, #tpu.memory_space<hbm>> -> memref<48x1024xf32, #tpu.memory_space<hbm>>
    %dma_wait3A_645 = arith.constant 48 : i32
    %dma_wait3A_646 = arith.constant 0 : i32
    %dma_wait3A_647 = tpu.memref_slice %arg6[%dma_wait3A_645, %dma_wait3A_646] : memref<96x1024xf32, #tpu.memory_space<vmem>> -> memref<48x1024xf32, #tpu.memory_space<vmem>>
    tpu.wait_dma2 semaphore(%arg8 : memref<!tpu.dma_semaphore, #tpu.memory_space<semaphore_mem>>) src(%dma_wait3A_647 : memref<48x1024xf32, #tpu.memory_space<vmem>>) dst(%dma_wait3A_644 : memref<48x1024xf32, #tpu.memory_space<hbm>>)
    %dma_wait3A_648 = arith.constant 0 : i32
    %dma_wait3A_649 = arith.constant 0 : i32
    %dma_wait3A_650 = tpu.memref_slice %arg6[%dma_wait3A_648, %dma_wait3A_649] : memref<96x1024xf32, #tpu.memory_space<vmem>> -> memref<48x1024xf32, #tpu.memory_space<vmem>>
    %dma_wait3A_651 = arith.constant 0 : i32
    %dma_wait3A_652 = tpu.memref_slice %arg4[%select_n3A, %multiple_of3A_608, %dma_wait3A_651] : memref<8x2880x1024xf32, #tpu.memory_space<hbm>> -> memref<1x48x1024xf32, #tpu.memory_space<hbm>>
    %dma_wait3A_653 = tpu.memref_squeeze %dma_wait3A_652 : memref<1x48x1024xf32, #tpu.memory_space<hbm>> -> memref<48x1024xf32, #tpu.memory_space<hbm>>
    %dma_wait3A_654 = arith.constant 0 : i32
    %dma_wait3A_655 = tpu.memref_slice %arg4[%select_n3A, %multiple_of3A_608, %dma_wait3A_654] : memref<8x2880x1024xf32, #tpu.memory_space<hbm>> -> memref<1x48x1024xf32, #tpu.memory_space<hbm>>
    %dma_wait3A_656 = tpu.memref_squeeze %dma_wait3A_655 : memref<1x48x1024xf32, #tpu.memory_space<hbm>> -> memref<48x1024xf32, #tpu.memory_space<hbm>>
    %dma_wait3A_657 = arith.constant 0 : i32
    %dma_wait3A_658 = arith.constant 0 : i32
    %dma_wait3A_659 = tpu.memref_slice %arg6[%dma_wait3A_657, %dma_wait3A_658] : memref<96x1024xf32, #tpu.memory_space<vmem>> -> memref<48x1024xf32, #tpu.memory_space<vmem>>
    tpu.wait_dma2 semaphore(%arg8 : memref<!tpu.dma_semaphore, #tpu.memory_space<semaphore_mem>>) src(%dma_wait3A_659 : memref<48x1024xf32, #tpu.memory_space<vmem>>) dst(%dma_wait3A_656 : memref<48x1024xf32, #tpu.memory_space<hbm>>)
    return
  }
}

#map = affine_map<(d0, d1) -> (0, 0)>
module attributes {stable_mosaic.version = 14 : i64} {
  func.func @_topk_idx_body(%arg0: i32, %arg1: i32, %arg2: memref<8x4096xf32, #tpu.memory_space<hbm>>, %arg3: memref<8x16xf32, #tpu.memory_space<hbm>>, %arg4: memref<8x16xi32, #tpu.memory_space<hbm>>, %arg5: memref<8x2896xi32, #tpu.memory_space<hbm>>, %arg6: memref<8x2896xi32, #tpu.memory_space<hbm>>, %arg7: memref<4096xf32, #tpu.memory_space<vmem>>, %arg8: memref<16xf32, #tpu.memory_space<vmem>>, %arg9: memref<16xi32, #tpu.memory_space<vmem>>, %arg10: memref<2896xi32, #tpu.memory_space<vmem>>, %arg11: memref<2896xi32, #tpu.memory_space<vmem>>) attributes {dimension_semantics = [#tpu.dimension_semantics<core_parallel>, #tpu.dimension_semantics<subcore_parallel>], iteration_bounds = array<i64: 2, 16>, scalar_prefetch = 0 : i64, scratch_operands = 5 : i64, tpu.core_type = #tpu.core_type<sc_vector_subcore>, window_params = [{transform_indices = #map}, {transform_indices = #map}, {transform_indices = #map}, {transform_indices = #map}, {transform_indices = #map}]} {
    %mul3A = arith.constant 2 : i32
    %mul3A_0 = arith.muli %arg1, %mul3A : i32
    %add3A = arith.addi %mul3A_0, %arg0 : i32
    %lt3A = arith.constant 8 : i32
    %lt3A_1 = arith.cmpi slt, %add3A, %lt3A : i32
    %convert_element_type3A = arith.extui %lt3A_1 : i1 to i32
    %cond3A = arith.constant 0 : i32
    %cond3A_2 = arith.cmpi ne, %convert_element_type3A, %cond3A : i32
    scf.if %cond3A_2 {
      "tpu.region"() ({
        %run_scoped3A = tpu.sem_alloc : memref<!tpu.dma_semaphore, #tpu.memory_space<semaphore_mem>>
        %dma_start3A = arith.constant 0 : i32
        %dma_start3A_35 = tpu.memref_slice %arg2[%add3A, %dma_start3A] : memref<8x4096xf32, #tpu.memory_space<hbm>> -> memref<1x4096xf32, #tpu.memory_space<hbm>>
        %dma_start3A_36 = tpu.memref_squeeze %dma_start3A_35 : memref<1x4096xf32, #tpu.memory_space<hbm>> -> memref<4096xf32, #tpu.memory_space<hbm>>
        %dma_start3A_37 = arith.constant 0 : i32
        %dma_start3A_38 = tpu.memref_slice %arg2[%add3A, %dma_start3A_37] : memref<8x4096xf32, #tpu.memory_space<hbm>> -> memref<1x4096xf32, #tpu.memory_space<hbm>>
        %dma_start3A_39 = tpu.memref_squeeze %dma_start3A_38 : memref<1x4096xf32, #tpu.memory_space<hbm>> -> memref<4096xf32, #tpu.memory_space<hbm>>
        tpu.enqueue_dma source(%dma_start3A_39 : memref<4096xf32, #tpu.memory_space<hbm>>) target(%arg7 : memref<4096xf32, #tpu.memory_space<vmem>>) target_semaphore(%run_scoped3A : memref<!tpu.dma_semaphore, #tpu.memory_space<semaphore_mem>>)
        %dma_wait3A = arith.constant 0 : i32
        %dma_wait3A_40 = tpu.memref_slice %arg2[%add3A, %dma_wait3A] : memref<8x4096xf32, #tpu.memory_space<hbm>> -> memref<1x4096xf32, #tpu.memory_space<hbm>>
        %dma_wait3A_41 = tpu.memref_squeeze %dma_wait3A_40 : memref<1x4096xf32, #tpu.memory_space<hbm>> -> memref<4096xf32, #tpu.memory_space<hbm>>
        %dma_wait3A_42 = arith.constant 0 : i32
        %dma_wait3A_43 = tpu.memref_slice %arg2[%add3A, %dma_wait3A_42] : memref<8x4096xf32, #tpu.memory_space<hbm>> -> memref<1x4096xf32, #tpu.memory_space<hbm>>
        %dma_wait3A_44 = tpu.memref_squeeze %dma_wait3A_43 : memref<1x4096xf32, #tpu.memory_space<hbm>> -> memref<4096xf32, #tpu.memory_space<hbm>>
        tpu.wait_dma2 semaphore(%run_scoped3A : memref<!tpu.dma_semaphore, #tpu.memory_space<semaphore_mem>>) src(%dma_wait3A_44 : memref<4096xf32, #tpu.memory_space<hbm>>) dst(%arg7 : memref<4096xf32, #tpu.memory_space<vmem>>)
        tpu.yield
      }) : () -> ()
      "tpu.region"() ({
        %run_scoped3A = tpu.sem_alloc : memref<!tpu.dma_semaphore, #tpu.memory_space<semaphore_mem>>
        %dma_start3A = arith.constant 0 : i32
        %dma_start3A_35 = tpu.memref_slice %arg3[%add3A, %dma_start3A] : memref<8x16xf32, #tpu.memory_space<hbm>> -> memref<1x16xf32, #tpu.memory_space<hbm>>
        %dma_start3A_36 = tpu.memref_squeeze %dma_start3A_35 : memref<1x16xf32, #tpu.memory_space<hbm>> -> memref<16xf32, #tpu.memory_space<hbm>>
        %dma_start3A_37 = arith.constant 0 : i32
        %dma_start3A_38 = tpu.memref_slice %arg3[%add3A, %dma_start3A_37] : memref<8x16xf32, #tpu.memory_space<hbm>> -> memref<1x16xf32, #tpu.memory_space<hbm>>
        %dma_start3A_39 = tpu.memref_squeeze %dma_start3A_38 : memref<1x16xf32, #tpu.memory_space<hbm>> -> memref<16xf32, #tpu.memory_space<hbm>>
        tpu.enqueue_dma source(%dma_start3A_39 : memref<16xf32, #tpu.memory_space<hbm>>) target(%arg8 : memref<16xf32, #tpu.memory_space<vmem>>) target_semaphore(%run_scoped3A : memref<!tpu.dma_semaphore, #tpu.memory_space<semaphore_mem>>)
        %dma_wait3A = arith.constant 0 : i32
        %dma_wait3A_40 = tpu.memref_slice %arg3[%add3A, %dma_wait3A] : memref<8x16xf32, #tpu.memory_space<hbm>> -> memref<1x16xf32, #tpu.memory_space<hbm>>
        %dma_wait3A_41 = tpu.memref_squeeze %dma_wait3A_40 : memref<1x16xf32, #tpu.memory_space<hbm>> -> memref<16xf32, #tpu.memory_space<hbm>>
        %dma_wait3A_42 = arith.constant 0 : i32
        %dma_wait3A_43 = tpu.memref_slice %arg3[%add3A, %dma_wait3A_42] : memref<8x16xf32, #tpu.memory_space<hbm>> -> memref<1x16xf32, #tpu.memory_space<hbm>>
        %dma_wait3A_44 = tpu.memref_squeeze %dma_wait3A_43 : memref<1x16xf32, #tpu.memory_space<hbm>> -> memref<16xf32, #tpu.memory_space<hbm>>
        tpu.wait_dma2 semaphore(%run_scoped3A : memref<!tpu.dma_semaphore, #tpu.memory_space<semaphore_mem>>) src(%dma_wait3A_44 : memref<16xf32, #tpu.memory_space<hbm>>) dst(%arg8 : memref<16xf32, #tpu.memory_space<vmem>>)
        tpu.yield
      }) : () -> ()
      "tpu.region"() ({
        %run_scoped3A = tpu.sem_alloc : memref<!tpu.dma_semaphore, #tpu.memory_space<semaphore_mem>>
        %dma_start3A = arith.constant 0 : i32
        %dma_start3A_35 = tpu.memref_slice %arg4[%add3A, %dma_start3A] : memref<8x16xi32, #tpu.memory_space<hbm>> -> memref<1x16xi32, #tpu.memory_space<hbm>>
        %dma_start3A_36 = tpu.memref_squeeze %dma_start3A_35 : memref<1x16xi32, #tpu.memory_space<hbm>> -> memref<16xi32, #tpu.memory_space<hbm>>
        %dma_start3A_37 = arith.constant 0 : i32
        %dma_start3A_38 = tpu.memref_slice %arg4[%add3A, %dma_start3A_37] : memref<8x16xi32, #tpu.memory_space<hbm>> -> memref<1x16xi32, #tpu.memory_space<hbm>>
        %dma_start3A_39 = tpu.memref_squeeze %dma_start3A_38 : memref<1x16xi32, #tpu.memory_space<hbm>> -> memref<16xi32, #tpu.memory_space<hbm>>
        tpu.enqueue_dma source(%dma_start3A_39 : memref<16xi32, #tpu.memory_space<hbm>>) target(%arg9 : memref<16xi32, #tpu.memory_space<vmem>>) target_semaphore(%run_scoped3A : memref<!tpu.dma_semaphore, #tpu.memory_space<semaphore_mem>>)
        %dma_wait3A = arith.constant 0 : i32
        %dma_wait3A_40 = tpu.memref_slice %arg4[%add3A, %dma_wait3A] : memref<8x16xi32, #tpu.memory_space<hbm>> -> memref<1x16xi32, #tpu.memory_space<hbm>>
        %dma_wait3A_41 = tpu.memref_squeeze %dma_wait3A_40 : memref<1x16xi32, #tpu.memory_space<hbm>> -> memref<16xi32, #tpu.memory_space<hbm>>
        %dma_wait3A_42 = arith.constant 0 : i32
        %dma_wait3A_43 = tpu.memref_slice %arg4[%add3A, %dma_wait3A_42] : memref<8x16xi32, #tpu.memory_space<hbm>> -> memref<1x16xi32, #tpu.memory_space<hbm>>
        %dma_wait3A_44 = tpu.memref_squeeze %dma_wait3A_43 : memref<1x16xi32, #tpu.memory_space<hbm>> -> memref<16xi32, #tpu.memory_space<hbm>>
        tpu.wait_dma2 semaphore(%run_scoped3A : memref<!tpu.dma_semaphore, #tpu.memory_space<semaphore_mem>>) src(%dma_wait3A_44 : memref<16xi32, #tpu.memory_space<hbm>>) dst(%arg9 : memref<16xi32, #tpu.memory_space<vmem>>)
        tpu.yield
      }) : () -> ()
      %get3A = arith.constant 0 : index
      %get3A_3 = tpu.vector_load %arg8[%get3A] {strides = array<i32>} : memref<16xf32, #tpu.memory_space<vmem>>, vector<16xf32>,
      %get3A_4 = arith.constant 0 : index
      %get3A_5 = tpu.vector_load %arg9[%get3A_4] {strides = array<i32>} : memref<16xi32, #tpu.memory_space<vmem>>, vector<16xi32>,
      %broadcast_in_dim3A = arith.constant 0 : i32
      %broadcast_in_dim3A_6 = vector.broadcast %broadcast_in_dim3A : i32 to vector<16xi32>
      %swap3A = arith.constant 2880 : index
      %swap3A_7 = tpu.vector_load %arg10[%swap3A] {strides = array<i32>} : memref<2896xi32, #tpu.memory_space<vmem>>, vector<16xi32>,
      tpu.vector_store %arg10[%swap3A], %broadcast_in_dim3A_6 {strides = array<i32>} : memref<2896xi32, #tpu.memory_space<vmem>>, vector<16xi32>,
      %broadcast_in_dim3A_8 = arith.constant 0 : i32
      %broadcast_in_dim3A_9 = vector.broadcast %broadcast_in_dim3A_8 : i32 to vector<16xi32>
      %swap3A_10 = arith.constant 2864 : index
      %swap3A_11 = tpu.vector_load %arg10[%swap3A_10] {strides = array<i32>} : memref<2896xi32, #tpu.memory_space<vmem>>, vector<16xi32>,
      tpu.vector_store %arg10[%swap3A_10], %broadcast_in_dim3A_9 {strides = array<i32>} : memref<2896xi32, #tpu.memory_space<vmem>>, vector<16xi32>,
      %broadcast_in_dim3A_12 = arith.constant 0 : i32
      %broadcast_in_dim3A_13 = vector.broadcast %broadcast_in_dim3A_12 : i32 to vector<16xi32>
      %mul3A_14 = arith.constant 4096 : i32
      %mul3A_15 = arith.muli %add3A, %mul3A_14 : i32
      %add3A_16 = vector.broadcast %mul3A_15 : i32 to vector<16xi32>
      %add3A_17 = arith.addi %broadcast_in_dim3A_13, %add3A_16 : vector<16xi32>
      %swap3A_18 = arith.constant 2880 : index
      %swap3A_19 = tpu.vector_load %arg11[%swap3A_18] {strides = array<i32>} : memref<2896xi32, #tpu.memory_space<vmem>>, vector<16xi32>,
      tpu.vector_store %arg11[%swap3A_18], %add3A_17 {strides = array<i32>} : memref<2896xi32, #tpu.memory_space<vmem>>, vector<16xi32>,
      %broadcast_in_dim3A_20 = arith.constant 0 : i32
      %broadcast_in_dim3A_21 = vector.broadcast %broadcast_in_dim3A_20 : i32 to vector<16xi32>
      %mul3A_22 = arith.constant 4096 : i32
      %mul3A_23 = arith.muli %add3A, %mul3A_22 : i32
      %add3A_24 = vector.broadcast %mul3A_23 : i32 to vector<16xi32>
      %add3A_25 = arith.addi %broadcast_in_dim3A_21, %add3A_24 : vector<16xi32>
      %swap3A_26 = arith.constant 2864 : index
      %swap3A_27 = tpu.vector_load %arg11[%swap3A_26] {strides = array<i32>} : memref<2896xi32, #tpu.memory_space<vmem>>, vector<16xi32>,
      tpu.vector_store %arg11[%swap3A_26], %add3A_25 {strides = array<i32>} : memref<2896xi32, #tpu.memory_space<vmem>>, vector<16xi32>,
      %scan3A = arith.constant 0 : i32
      %scan3A_28 = arith.constant 0 : i32
      %scan3A_29 = arith.constant 0 : i32
      %scan3A_30 = arith.constant 256 : i32
      %scan3A_31 = arith.addi %scan3A_29, %scan3A_30 : i32
      %scan3A_32 = arith.constant 1 : i32
      %scan3A_33:2 = scf.for %scan3A_35 = %scan3A_29 to %scan3A_31 step %scan3A_32 iter_args(%scan3A_36 = %scan3A, %scan3A_37 = %scan3A_28) -> (i32, i32)  : i32 {
        %mul3A_38 = arith.constant 16 : i32
        %mul3A_39 = arith.muli %scan3A_35, %mul3A_38 : i32
        %get3A_40 = arith.index_cast %mul3A_39 : i32 to index
        %get3A_41 = tpu.vector_load %arg7[%get3A_40] {strides = array<i32>} : memref<4096xf32, #tpu.memory_space<vmem>>, vector<16xf32>,
        %gt3A = arith.cmpf ogt, %get3A_41, %get3A_3 : vector<16xf32>
        %eq3A = arith.cmpf oeq, %get3A_41, %get3A_3 : vector<16xf32>
        %jit3A = arith.constant 1 : i32
        %jit3A_42 = arith.constant 0 : i32
        %broadcast_in_dim3A_43 = vector.broadcast %jit3A : i32 to vector<16xi32>
        %broadcast_in_dim3A_44 = vector.broadcast %jit3A_42 : i32 to vector<16xi32>
        %select_n3A = arith.select %eq3A, %broadcast_in_dim3A_43, %broadcast_in_dim3A_44 : vector<16xi1>, vector<16xi32>
        %broadcast_in_dim3A_45 = arith.constant true
        %broadcast_in_dim3A_46 = vector.broadcast %broadcast_in_dim3A_45 : i1 to vector<16xi1>
        %masked_cumsum3A = tpu.scan <sum>, %select_n3A masked %broadcast_in_dim3A_46 : vector<16xi32>, vector<16xi1> -> vector<16xi32>
        %sub3A = arith.subi %masked_cumsum3A, %select_n3A : vector<16xi32>
        %add3A_47 = vector.broadcast %scan3A_37 : i32 to vector<16xi32>
        %add3A_48 = arith.addi %add3A_47, %sub3A : vector<16xi32>
        %lt3A_49 = arith.cmpi slt, %add3A_48, %get3A_5 : vector<16xi32>
        %and3A = arith.andi %eq3A, %lt3A_49 : vector<16xi1>
        %or3A = arith.ori %gt3A, %and3A : vector<16xi1>
        %iota3A = tpu.iota {dimensions = array<i32: 0>} : vector<16xi32>
        %mul3A_50 = arith.constant 16 : i32
        %mul3A_51 = arith.muli %scan3A_35, %mul3A_50 : i32
        %add3A_52 = vector.broadcast %mul3A_51 : i32 to vector<16xi32>
        %add3A_53 = arith.addi %iota3A, %add3A_52 : vector<16xi32>
        %swap3A_54 = arith.index_cast %scan3A_36 : i32 to index
        %swap3A_55 = tpu.vector_load %arg10[%swap3A_54] masked %or3A {strides = array<i32>} : memref<2896xi32, #tpu.memory_space<vmem>>, vector<16xi32>, vector<16xi1>
        tpu.vector_store %arg10[%swap3A_54], %add3A_53 masked %or3A {strides = array<i32>} : memref<2896xi32, #tpu.memory_space<vmem>>, vector<16xi32>, vector<16xi1>
        %mul3A_56 = arith.constant 4096 : i32
        %mul3A_57 = arith.muli %add3A, %mul3A_56 : i32
        %add3A_58 = vector.broadcast %mul3A_57 : i32 to vector<16xi32>
        %add3A_59 = arith.addi %add3A_53, %add3A_58 : vector<16xi32>
        %swap3A_60 = arith.index_cast %scan3A_36 : i32 to index
        %swap3A_61 = tpu.vector_load %arg11[%swap3A_60] masked %or3A {strides = array<i32>} : memref<2896xi32, #tpu.memory_space<vmem>>, vector<16xi32>, vector<16xi1>
        tpu.vector_store %arg11[%swap3A_60], %add3A_59 masked %or3A {strides = array<i32>} : memref<2896xi32, #tpu.memory_space<vmem>>, vector<16xi32>, vector<16xi1>
        %jit3A_62 = arith.constant 1 : i32
        %jit3A_63 = arith.constant 0 : i32
        %broadcast_in_dim3A_64 = vector.broadcast %jit3A_62 : i32 to vector<16xi32>
        %broadcast_in_dim3A_65 = vector.broadcast %jit3A_63 : i32 to vector<16xi32>
        %select_n3A_66 = arith.select %or3A, %broadcast_in_dim3A_64, %broadcast_in_dim3A_65 : vector<16xi1>, vector<16xi32>
        %reduce_sum3A = arith.constant true
        %reduce_sum3A_67 = vector.broadcast %reduce_sum3A : i1 to vector<16xi1>
        %reduce_sum3A_68 = tpu.scan <sum>, %select_n3A_66 masked %reduce_sum3A_67 : vector<16xi32>, vector<16xi1> -> vector<16xi32>
        %reduce_sum3A_69 = vector.extract %reduce_sum3A_68[15] : i32 from vector<16xi32>
        %add3A_70 = arith.addi %scan3A_36, %reduce_sum3A_69 : i32
        %reduce_sum3A_71 = arith.constant true
        %reduce_sum3A_72 = vector.broadcast %reduce_sum3A_71 : i1 to vector<16xi1>
        %reduce_sum3A_73 = tpu.scan <sum>, %select_n3A masked %reduce_sum3A_72 : vector<16xi32>, vector<16xi1> -> vector<16xi32>
        %reduce_sum3A_74 = vector.extract %reduce_sum3A_73[15] : i32 from vector<16xi32>
        %add3A_75 = arith.addi %scan3A_37, %reduce_sum3A_74 : i32
        scf.yield %add3A_70, %add3A_75 : i32, i32
      }
      %scan3A_34 = arith.constant 256 : i32
      "tpu.region"() ({
        %run_scoped3A = tpu.sem_alloc : memref<!tpu.dma_semaphore, #tpu.memory_space<semaphore_mem>>
        %dma_start3A = arith.constant 0 : i32
        %dma_start3A_35 = tpu.memref_slice %arg5[%add3A, %dma_start3A] : memref<8x2896xi32, #tpu.memory_space<hbm>> -> memref<1x2896xi32, #tpu.memory_space<hbm>>
        %dma_start3A_36 = tpu.memref_squeeze %dma_start3A_35 : memref<1x2896xi32, #tpu.memory_space<hbm>> -> memref<2896xi32, #tpu.memory_space<hbm>>
        %dma_start3A_37 = arith.constant 0 : i32
        %dma_start3A_38 = tpu.memref_slice %arg5[%add3A, %dma_start3A_37] : memref<8x2896xi32, #tpu.memory_space<hbm>> -> memref<1x2896xi32, #tpu.memory_space<hbm>>
        %dma_start3A_39 = tpu.memref_squeeze %dma_start3A_38 : memref<1x2896xi32, #tpu.memory_space<hbm>> -> memref<2896xi32, #tpu.memory_space<hbm>>
        tpu.enqueue_dma source(%arg10 : memref<2896xi32, #tpu.memory_space<vmem>>) target(%dma_start3A_39 : memref<2896xi32, #tpu.memory_space<hbm>>) target_semaphore(%run_scoped3A : memref<!tpu.dma_semaphore, #tpu.memory_space<semaphore_mem>>)
        %dma_wait3A = arith.constant 0 : i32
        %dma_wait3A_40 = tpu.memref_slice %arg5[%add3A, %dma_wait3A] : memref<8x2896xi32, #tpu.memory_space<hbm>> -> memref<1x2896xi32, #tpu.memory_space<hbm>>
        %dma_wait3A_41 = tpu.memref_squeeze %dma_wait3A_40 : memref<1x2896xi32, #tpu.memory_space<hbm>> -> memref<2896xi32, #tpu.memory_space<hbm>>
        %dma_wait3A_42 = arith.constant 0 : i32
        %dma_wait3A_43 = tpu.memref_slice %arg5[%add3A, %dma_wait3A_42] : memref<8x2896xi32, #tpu.memory_space<hbm>> -> memref<1x2896xi32, #tpu.memory_space<hbm>>
        %dma_wait3A_44 = tpu.memref_squeeze %dma_wait3A_43 : memref<1x2896xi32, #tpu.memory_space<hbm>> -> memref<2896xi32, #tpu.memory_space<hbm>>
        tpu.wait_dma2 semaphore(%run_scoped3A : memref<!tpu.dma_semaphore, #tpu.memory_space<semaphore_mem>>) src(%arg10 : memref<2896xi32, #tpu.memory_space<vmem>>) dst(%dma_wait3A_44 : memref<2896xi32, #tpu.memory_space<hbm>>)
        tpu.yield
      }) : () -> ()
      "tpu.region"() ({
        %run_scoped3A = tpu.sem_alloc : memref<!tpu.dma_semaphore, #tpu.memory_space<semaphore_mem>>
        %dma_start3A = arith.constant 0 : i32
        %dma_start3A_35 = tpu.memref_slice %arg6[%add3A, %dma_start3A] : memref<8x2896xi32, #tpu.memory_space<hbm>> -> memref<1x2896xi32, #tpu.memory_space<hbm>>
        %dma_start3A_36 = tpu.memref_squeeze %dma_start3A_35 : memref<1x2896xi32, #tpu.memory_space<hbm>> -> memref<2896xi32, #tpu.memory_space<hbm>>
        %dma_start3A_37 = arith.constant 0 : i32
        %dma_start3A_38 = tpu.memref_slice %arg6[%add3A, %dma_start3A_37] : memref<8x2896xi32, #tpu.memory_space<hbm>> -> memref<1x2896xi32, #tpu.memory_space<hbm>>
        %dma_start3A_39 = tpu.memref_squeeze %dma_start3A_38 : memref<1x2896xi32, #tpu.memory_space<hbm>> -> memref<2896xi32, #tpu.memory_space<hbm>>
        tpu.enqueue_dma source(%arg11 : memref<2896xi32, #tpu.memory_space<vmem>>) target(%dma_start3A_39 : memref<2896xi32, #tpu.memory_space<hbm>>) target_semaphore(%run_scoped3A : memref<!tpu.dma_semaphore, #tpu.memory_space<semaphore_mem>>)
        %dma_wait3A = arith.constant 0 : i32
        %dma_wait3A_40 = tpu.memref_slice %arg6[%add3A, %dma_wait3A] : memref<8x2896xi32, #tpu.memory_space<hbm>> -> memref<1x2896xi32, #tpu.memory_space<hbm>>
        %dma_wait3A_41 = tpu.memref_squeeze %dma_wait3A_40 : memref<1x2896xi32, #tpu.memory_space<hbm>> -> memref<2896xi32, #tpu.memory_space<hbm>>
        %dma_wait3A_42 = arith.constant 0 : i32
        %dma_wait3A_43 = tpu.memref_slice %arg6[%add3A, %dma_wait3A_42] : memref<8x2896xi32, #tpu.memory_space<hbm>> -> memref<1x2896xi32, #tpu.memory_space<hbm>>
        %dma_wait3A_44 = tpu.memref_squeeze %dma_wait3A_43 : memref<1x2896xi32, #tpu.memory_space<hbm>> -> memref<2896xi32, #tpu.memory_space<hbm>>
        tpu.wait_dma2 semaphore(%run_scoped3A : memref<!tpu.dma_semaphore, #tpu.memory_space<semaphore_mem>>) src(%arg11 : memref<2896xi32, #tpu.memory_space<vmem>>) dst(%dma_wait3A_44 : memref<2896xi32, #tpu.memory_space<hbm>>)
        tpu.yield
      }) : () -> ()
    } else {
    }
    return
  }
}

module attributes {stable_mosaic.version = 14 : i64} {
  func.func @_mlp_body(%arg0: i32, %arg1: i32, %arg2: memref<1x512x1024xf32, #tpu.memory_space<vmem>>, %arg3: memref<512x1024xf32, #tpu.memory_space<vmem>>, %arg4: memref<1x512xf32, #tpu.memory_space<vmem>>, %arg5: memref<2x512xf32, #tpu.memory_space<vmem>>, %arg6: memref<2x1xf32, #tpu.memory_space<vmem>>, %arg7: memref<1x2x512xf32, #tpu.memory_space<vmem>>) attributes {dimension_semantics = [#tpu.dimension_semantics<arbitrary>, #tpu.dimension_semantics<arbitrary>], iteration_bounds = array<i64: 8, 8>, scalar_prefetch = 0 : i64, scratch_operands = 0 : i64, tpu.core_type = #tpu.core_type<tc>, window_params = [{transform_indices = @transform_0, window_bounds = array<i64: 1, 512, 1024>}, {pipeline_mode = #tpu.pipeline_mode<synchronous>, transform_indices = @transform_1, window_bounds = array<i64: 512, 1024>}, {pipeline_mode = #tpu.pipeline_mode<synchronous>, transform_indices = @transform_2, window_bounds = array<i64: 1, 512>}, {pipeline_mode = #tpu.pipeline_mode<synchronous>, transform_indices = @transform_3, window_bounds = array<i64: 2, 512>}, {pipeline_mode = #tpu.pipeline_mode<synchronous>, transform_indices = @transform_4, window_bounds = array<i64: 2, 1>}, {transform_indices = @transform_5, window_bounds = array<i64: 1, 2, 512>}]} {
    %get3A = arith.constant 0 : index
    %get3A_0 = arith.constant 0 : index
    %get3A_1 = arith.constant 0 : index
    %get3A_2 = vector.load %arg2[%get3A, %get3A_0, %get3A_1] : memref<1x512x1024xf32, #tpu.memory_space<vmem>>, vector<1x512x1024xf32>
    %get3A_3 = vector.shape_cast %get3A_2 : vector<1x512x1024xf32> to vector<512x1024xf32>
    %get3A_4 = arith.constant 0 : index
    %get3A_5 = arith.constant 0 : index
    %get3A_6 = vector.load %arg3[%get3A_4, %get3A_5] : memref<512x1024xf32, #tpu.memory_space<vmem>>, vector<512x1024xf32>
    %dot_general3A = arith.constant dense<0.000000e+00> : vector<512x512xf32>
    %dot_general3A_7 = tpu.matmul %get3A_3, %get3A_6, %dot_general3A {dimension_numbers = #tpu.dot_dimension_numbers<[1], [1], [0], [0], [0, 0, 1, 0], [], []>, transpose_lhs_hint = false} : vector<512x1024xf32>, vector<512x1024xf32>, vector<512x512xf32> -> vector<512x512xf32>
    %get3A_8 = arith.constant 0 : index
    %get3A_9 = arith.constant 0 : index
    %get3A_10 = vector.load %arg4[%get3A_8, %get3A_9] : memref<1x512xf32, #tpu.memory_space<vmem>>, vector<1x512xf32>
    %add3A = vector.broadcast %get3A_10 : vector<1x512xf32> to vector<512x512xf32>
    %add3A_11 = arith.addf %dot_general3A_7, %add3A : vector<512x512xf32>
    %max3A = arith.constant 0.000000e+00 : f32
    %max3A_12 = vector.broadcast %max3A : f32 to vector<512x512xf32>
    %max3A_13 = arith.maximumf %add3A_11, %max3A_12 : vector<512x512xf32>
    %get3A_14 = arith.constant 0 : index
    %get3A_15 = arith.constant 0 : index
    %get3A_16 = vector.load %arg5[%get3A_14, %get3A_15] : memref<2x512xf32, #tpu.memory_space<vmem>>, vector<2x512xf32>
    %dot_general3A_17 = arith.constant dense<0.000000e+00> : vector<2x512xf32>
    %dot_general3A_18 = tpu.matmul %get3A_16, %max3A_13, %dot_general3A_17 {dimension_numbers = #tpu.dot_dimension_numbers<[1], [1], [0], [0], [0, 0, 1, 0], [], []>, transpose_lhs_hint = false} : vector<2x512xf32>, vector<512x512xf32>, vector<2x512xf32> -> vector<2x512xf32>
    %get3A_19 = arith.constant 0 : index
    %get3A_20 = arith.constant 0 : index
    %get3A_21 = vector.load %arg6[%get3A_19, %get3A_20] : memref<2x1xf32, #tpu.memory_space<vmem>>, vector<2x1xf32>
    %add3A_22 = vector.broadcast %get3A_21 : vector<2x1xf32> to vector<2x512xf32>
    %add3A_23 = arith.addf %dot_general3A_18, %add3A_22 : vector<2x512xf32>
    %swap3A = arith.constant 0 : index
    %swap3A_24 = arith.constant 0 : index
    %swap3A_25 = arith.constant 0 : index
    %swap3A_26 = vector.load %arg7[%swap3A, %swap3A_24, %swap3A_25] : memref<1x2x512xf32, #tpu.memory_space<vmem>>, vector<1x2x512xf32>
    %swap3A_27 = vector.shape_cast %swap3A_26 : vector<1x2x512xf32> to vector<2x512xf32>
    %swap3A_28 = vector.shape_cast %add3A_23 : vector<2x512xf32> to vector<1x2x512xf32>
    tpu.vector_store %arg7[%swap3A, %swap3A_24, %swap3A_25], %swap3A_28 {strides = array<i32>} : memref<1x2x512xf32, #tpu.memory_space<vmem>>, vector<1x2x512xf32>,
    return
  }
  func.func @transform_0(%arg0: i32, %arg1: i32) -> (i32, i32, i32) {
    %c0_i32 = arith.constant 0 : i32
    %c0_i32_0 = arith.constant 0 : i32
    return %arg0, %arg1, %c0_i32 : i32, i32, i32
  }
  func.func @transform_1(%arg0: i32, %arg1: i32) -> (i32, i32) {
    %c0_i32 = arith.constant 0 : i32
    %c0_i32_0 = arith.constant 0 : i32
    %c0_i32_1 = arith.constant 0 : i32
    return %c0_i32, %c0_i32_0 : i32, i32
  }
  func.func @transform_2(%arg0: i32, %arg1: i32) -> (i32, i32) {
    %c0_i32 = arith.constant 0 : i32
    %c0_i32_0 = arith.constant 0 : i32
    %c0_i32_1 = arith.constant 0 : i32
    return %c0_i32, %c0_i32_0 : i32, i32
  }
  func.func @transform_3(%arg0: i32, %arg1: i32) -> (i32, i32) {
    %c0_i32 = arith.constant 0 : i32
    %c0_i32_0 = arith.constant 0 : i32
    %c0_i32_1 = arith.constant 0 : i32
    return %c0_i32, %c0_i32_0 : i32, i32
  }
  func.func @transform_4(%arg0: i32, %arg1: i32) -> (i32, i32) {
    %c0_i32 = arith.constant 0 : i32
    %c0_i32_0 = arith.constant 0 : i32
    %c0_i32_1 = arith.constant 0 : i32
    return %c0_i32, %c0_i32_0 : i32, i32
  }
  func.func @transform_5(%arg0: i32, %arg1: i32) -> (i32, i32, i32) {
    %c0_i32 = arith.constant 0 : i32
    %c0_i32_0 = arith.constant 0 : i32
    return %arg0, %c0_i32, %arg1 : i32, i32, i32
  }
}

module attributes {stable_mosaic.version = 14 : i64} {
  func.func @_softmax_select_body(%arg0: memref<8x2x4096xf32, #tpu.memory_space<vmem>>, %arg1: memref<8x4096xf32, #tpu.memory_space<vmem>>, %arg2: memref<8x16xf32, #tpu.memory_space<vmem>>, %arg3: memref<8x16xi32, #tpu.memory_space<vmem>>) attributes {dimension_semantics = [], scalar_prefetch = 0 : i64, scratch_operands = 0 : i64, tpu.core_type = #tpu.core_type<tc>} {
    %get3A = arith.constant 0 : index
    %get3A_0 = arith.constant 0 : index
    %get3A_1 = arith.constant 0 : index
    %get3A_2 = vector.load %arg0[%get3A, %get3A_0, %get3A_1] : memref<8x2x4096xf32, #tpu.memory_space<vmem>>, vector<8x2x4096xf32>
    %reduce_max3A = arith.constant dense<0xFF800000> : vector<8x2xf32>
    %reduce_max3A_3 = vector.multi_reduction <maximumf>, %get3A_2, %reduce_max3A [2] : vector<8x2x4096xf32> to vector<8x2xf32>
    %broadcast_in_dim3A = vector.shape_cast %reduce_max3A_3 : vector<8x2xf32> to vector<8x2x1xf32>
    %sub3A = vector.broadcast %broadcast_in_dim3A : vector<8x2x1xf32> to vector<8x2x4096xf32>
    %sub3A_4 = arith.subf %get3A_2, %sub3A : vector<8x2x4096xf32>
    %exp3A = math.exp %sub3A_4 : vector<8x2x4096xf32>
    %reduce_sum3A = arith.constant dense<0.000000e+00> : vector<8x2xf32>
    %reduce_sum3A_5 = vector.multi_reduction <add>, %exp3A, %reduce_sum3A [2] : vector<8x2x4096xf32> to vector<8x2xf32>
    %broadcast_in_dim3A_6 = vector.shape_cast %reduce_sum3A_5 : vector<8x2xf32> to vector<8x2x1xf32>
    %div3A = vector.broadcast %broadcast_in_dim3A_6 : vector<8x2x1xf32> to vector<8x2x4096xf32>
    %div3A_7 = arith.divf %exp3A, %div3A : vector<8x2x4096xf32>
    %reduce_sum3A_8 = arith.constant dense<0.000000e+00> : vector<8x4096xf32>
    %reduce_sum3A_9 = vector.multi_reduction <add>, %div3A_7, %reduce_sum3A_8 [1] : vector<8x2x4096xf32> to vector<8x4096xf32>
    %div3A_10 = arith.constant 2.000000e+00 : f32
    %div3A_11 = vector.broadcast %div3A_10 : f32 to vector<8x4096xf32>
    %div3A_12 = arith.divf %reduce_sum3A_9, %div3A_11 : vector<8x4096xf32>
    %swap3A = arith.constant 0 : index
    %swap3A_13 = arith.constant 0 : index
    %swap3A_14 = vector.load %arg1[%swap3A, %swap3A_13] : memref<8x4096xf32, #tpu.memory_space<vmem>>, vector<8x4096xf32>
    tpu.vector_store %arg1[%swap3A, %swap3A_13], %div3A_12 {strides = array<i32>} : memref<8x4096xf32, #tpu.memory_space<vmem>>, vector<8x4096xf32>,
    %broadcast_in_dim3A_15 = arith.constant 0 : i32
    %broadcast_in_dim3A_16 = vector.broadcast %broadcast_in_dim3A_15 : i32 to vector<8x1xi32>
    %broadcast_in_dim3A_17 = arith.constant 2130706432 : i32
    %broadcast_in_dim3A_18 = vector.broadcast %broadcast_in_dim3A_17 : i32 to vector<8x1xi32>
    %scan3A = arith.constant 0 : i32
    %scan3A_19 = arith.constant 31 : i32
    %scan3A_20 = arith.addi %scan3A, %scan3A_19 : i32
    %scan3A_21 = arith.constant 1 : i32
    %scan3A_22:2 = scf.for %scan3A_40 = %scan3A to %scan3A_20 step %scan3A_21 iter_args(%scan3A_41 = %broadcast_in_dim3A_16, %scan3A_42 = %broadcast_in_dim3A_18) -> (vector<8x1xi32>, vector<8x1xi32>)  : i32 {
      %sub3A_43 = arith.subi %scan3A_42, %scan3A_41 : vector<8x1xi32>
      %jit3A = arith.constant 2 : i32
      %div3A_44 = vector.broadcast %jit3A : i32 to vector<8x1xi32>
      %div3A_45 = arith.divsi %sub3A_43, %div3A_44 : vector<8x1xi32>
      %sign3A = arith.constant 0 : i32
      %sign3A_46 = vector.broadcast %sign3A : i32 to vector<8x1xi32>
      %sign3A_47 = arith.cmpi sgt, %sub3A_43, %sign3A_46 : vector<8x1xi32>
      %sign3A_48 = arith.extui %sign3A_47 : vector<8x1xi1> to vector<8x1xi32>
      %sign3A_49 = arith.constant 0 : i32
      %sign3A_50 = vector.broadcast %sign3A_49 : i32 to vector<8x1xi32>
      %sign3A_51 = arith.cmpi slt, %sub3A_43, %sign3A_50 : vector<8x1xi32>
      %sign3A_52 = arith.extui %sign3A_51 : vector<8x1xi1> to vector<8x1xi32>
      %sign3A_53 = arith.subi %sign3A_48, %sign3A_52 : vector<8x1xi32>
      %sign3A_54 = arith.constant 0 : i32
      %sign3A_55 = arith.cmpi sgt, %jit3A, %sign3A_54 : i32
      %sign3A_56 = arith.extui %sign3A_55 : i1 to i32
      %sign3A_57 = arith.constant 0 : i32
      %sign3A_58 = arith.cmpi slt, %jit3A, %sign3A_57 : i32
      %sign3A_59 = arith.extui %sign3A_58 : i1 to i32
      %sign3A_60 = arith.subi %sign3A_56, %sign3A_59 : i32
      %ne3A = vector.broadcast %sign3A_60 : i32 to vector<8x1xi32>
      %ne3A_61 = arith.cmpi ne, %sign3A_53, %ne3A : vector<8x1xi32>
      %rem3A = vector.broadcast %jit3A : i32 to vector<8x1xi32>
      %rem3A_62 = arith.remsi %sub3A_43, %rem3A : vector<8x1xi32>
      %ne3A_63 = arith.constant 0 : i32
      %ne3A_64 = vector.broadcast %ne3A_63 : i32 to vector<8x1xi32>
      %ne3A_65 = arith.cmpi ne, %rem3A_62, %ne3A_64 : vector<8x1xi32>
      %and3A = arith.andi %ne3A_61, %ne3A_65 : vector<8x1xi1>
      %sub3A_66 = arith.constant 1 : i32
      %sub3A_67 = vector.broadcast %sub3A_66 : i32 to vector<8x1xi32>
      %sub3A_68 = arith.subi %div3A_45, %sub3A_67 : vector<8x1xi32>
      %select_n3A = arith.select %and3A, %sub3A_68, %div3A_45 : vector<8x1xi1>, vector<8x1xi32>
      %add3A = arith.addi %scan3A_41, %select_n3A : vector<8x1xi32>
      %bitcast_convert_type3A_69 = tpu.bitcast %add3A : vector<8x1xi32> -> vector<8x1xf32>
      %gt3A_70 = vector.broadcast %bitcast_convert_type3A_69 : vector<8x1xf32> to vector<8x4096xf32>
      %gt3A_71 = arith.cmpf ogt, %div3A_12, %gt3A_70 : vector<8x4096xf32>
      %convert_element_type3A_72 = arith.extui %gt3A_71 : vector<8x4096xi1> to vector<8x4096xi32>
      %reduce_sum3A_73 = arith.constant dense<0> : vector<8xi32>
      %reduce_sum3A_74 = vector.multi_reduction <add>, %convert_element_type3A_72, %reduce_sum3A_73 [1] : vector<8x4096xi32> to vector<8xi32>
      %broadcast_in_dim3A_75 = vector.shape_cast %reduce_sum3A_74 : vector<8xi32> to vector<8x1xi32>
      %ge3A = arith.constant 2867 : i32
      %ge3A_76 = vector.broadcast %ge3A : i32 to vector<8x1xi32>
      %ge3A_77 = arith.cmpi sge, %broadcast_in_dim3A_75, %ge3A_76 : vector<8x1xi32>
      %select_n3A_78 = arith.select %ge3A_77, %add3A, %scan3A_41 : vector<8x1xi1>, vector<8x1xi32>
      %select_n3A_79 = arith.select %ge3A_77, %scan3A_42, %add3A : vector<8x1xi1>, vector<8x1xi32>
      scf.yield %select_n3A_78, %select_n3A_79 : vector<8x1xi32>, vector<8x1xi32>
    }
    %bitcast_convert_type3A = tpu.bitcast %scan3A_22#1 : vector<8x1xi32> -> vector<8x1xf32>
    %gt3A = vector.broadcast %bitcast_convert_type3A : vector<8x1xf32> to vector<8x4096xf32>
    %gt3A_23 = arith.cmpf ogt, %div3A_12, %gt3A : vector<8x4096xf32>
    %convert_element_type3A = arith.extui %gt3A_23 : vector<8x4096xi1> to vector<8x4096xi32>
    %reduce_sum3A_24 = arith.constant dense<0> : vector<8xi32>
    %reduce_sum3A_25 = vector.multi_reduction <add>, %convert_element_type3A, %reduce_sum3A_24 [1] : vector<8x4096xi32> to vector<8xi32>
    %broadcast_in_dim3A_26 = vector.shape_cast %reduce_sum3A_25 : vector<8xi32> to vector<8x1xi32>
    %broadcast_in_dim3A_27 = vector.shape_cast %bitcast_convert_type3A : vector<8x1xf32> to vector<8x1xf32>
    %broadcast_in_dim3A_28 = vector.broadcast %broadcast_in_dim3A_27 : vector<8x1xf32> to vector<8x16xf32>
    %swap3A_29 = arith.constant 0 : index
    %swap3A_30 = arith.constant 0 : index
    %swap3A_31 = vector.load %arg2[%swap3A_29, %swap3A_30] : memref<8x16xf32, #tpu.memory_space<vmem>>, vector<8x16xf32>
    tpu.vector_store %arg2[%swap3A_29, %swap3A_30], %broadcast_in_dim3A_28 {strides = array<i32>} : memref<8x16xf32, #tpu.memory_space<vmem>>, vector<8x16xf32>,
    %sub3A_32 = arith.constant 2867 : i32
    %sub3A_33 = vector.broadcast %sub3A_32 : i32 to vector<8x1xi32>
    %sub3A_34 = arith.subi %sub3A_33, %broadcast_in_dim3A_26 : vector<8x1xi32>
    %broadcast_in_dim3A_35 = vector.shape_cast %sub3A_34 : vector<8x1xi32> to vector<8x1xi32>
    %broadcast_in_dim3A_36 = vector.broadcast %broadcast_in_dim3A_35 : vector<8x1xi32> to vector<8x16xi32>
    %swap3A_37 = arith.constant 0 : index
    %swap3A_38 = arith.constant 0 : index
    %swap3A_39 = vector.load %arg3[%swap3A_37, %swap3A_38] : memref<8x16xi32, #tpu.memory_space<vmem>>, vector<8x16xi32>
    tpu.vector_store %arg3[%swap3A_37, %swap3A_38], %broadcast_in_dim3A_36 {strides = array<i32>} : memref<8x16xi32, #tpu.memory_space<vmem>>, vector<8x16xi32>,
    return
  }
}

</mosaic_0001>

<sc_bundles>
// kernel: kernel.6.cloned.1.call-start
scs
__scs_entry_jumppad:
0x0: {  	(pc) =	sbr.rel $0x88, $3  }
0x1: {  	(tag) =	ssettag $0x0;
	lr =	simm.s32 $0x1  }
0x2: {  	[smem:$0x3F9C] =	sst lr;
	_ =	strace $0xD0000000  }
0x3: {  	_ = 	snop  }
0x4: {  	_ = 	snop  }
0x5: {  	_ = 	snop  }
0x6: {  	_ = 	snop  }
0x7: {  	_ = 	snop  }
__scs_overlays_trampoline_lowered:
0x8: {  	[smem:$0x3FAB] =	sst s0  }
0x9: {  	[smem:$0x3FAC] =	sst s1  }
0xa: {  	[smem:$0x3FAD] =	sst s2  }
0xb: {  	[smem:$0x3FAE] =	sst s3  }
0xc: {  	[smem:$0x3FAF] =	sst s4  }
0xd: {  	[smem:$0x3FB0] =	sst s5  }
0xe: {  	[smem:$0x3FB1] =	sst s6  }
0xf: {  	[smem:$0x3FB2] =	sst s7  }
0x10: {  	[smem:$0x3FB3] =	sst s8  }
0x11: {  	[smem:$0x3FB4] =	sst s9;
	s0 =	simm.s32 @!p0 $0x0  }
0x12: {  	s1 =	sld [smem:$0x3F9A];
	s0 =	simm.s32 @p0 $0x1  }
0x13: {  	[smem:$0x3FB5] =	sst s0;
	s0 =	simm.s32 @!p1 $0x0  }
0x14: {  	s2 =	sld [smem:$0x3F99];
	s0 =	simm.s32 @p1 $0x1  }
0x15: {  	[smem:$0x3FB6] =	sst s0;
	s0 =	simm.s32 @!p2 $0x0  }
0x16: {  	s3 =	sld [smem:$0x3FDB];
	s0 =	simm.s32 @p2 $0x1  }
0x17: {  	s4 =	simm.s32 $0x1BF5;
	[smem:$0x3FB8] =	sst s0  }
0x18: {  	s0 =	sld [smem:$0x3F9B];
	_ =	swait.ge [sflag:s4], $0x0  }
0x19: {  	s7 =	sld [smem:$0x3F9C]  }
0x1a: {  	s8 =	sadd.s32 $0xFFFFE003, lr  }
0x1b: {  	s9 =	sadd.s32 $0xFFFFFEF7, lr;
	s5 =	simm.s32 $0xFFFFFFFF;
	p2 =	slt.u32 s8, $0xFFFFF086  }
0x1c: {  	p1 =	slt.u32 s9, $0xF7A;
	s5 =	simm.s32 @!p2 $0x0  }
0x1d: {  	s5 =	simm.s32 @p1 $0x1;
	p0 =	seq.s32 s7, s2  }
0x1e: {  	s7 =	smul.u32 @!p0 $0xF7A, s2;
	p2 =	seq.s32 @!p0 s5, $0x0  }
0x1f: {  	s9 =	smul.u32 $0xF7A, s1;
	s8 =	simm.s32 @!p0 $0x1BF5;
	p2 =	por !p2, p0  }
0x20: {  	[sflag:s8] =	ssyncset.s32 @!p0 $0xFFFFF086;
	s6 =	sadd.s32 @!p0 s3, s7;
	s7 =	simm.s32 @!p0 $0x108  }
0x21: {  	s3 =	sadd.s32 s3, s9;
	s6 =	sadd.s32 @!p0 $0x88, s6;
	s7 =	simm.s32 @p2 $0x1082  }
0x22: {  	[simem:s7], [sflag:s8] =	dma.local @!p0 [hbm:s6], $0xF7A  }
0x23: {  	s9 =	sor.u32 $0xD0000000, s2;
	s6 =	simm.s32 $0x108;
	_ =	swait.ge @!p0 [sflag:s8], $0x0  }
0x24: {  	s3 =	sadd.s32 $0x88, s3;
	s6 =	simm.s32 @!p1 $0x1082;
	[sflag:s4] =	ssyncset.s32 $0xFFFFF086  }
0x25: {  	[simem:s6], [sflag:s4] =	dma.local [hbm:s3], $0xF7A  }
0x26: {  	[smem:$0x3F9C] =	sst s1;
	(tag) =	ssettag s2;
	_ =	strace s9  }
0x27: {  	s1 =	sld [smem:$0x3FAC]  }
0x28: {  	s2 =	sld [smem:$0x3FAD]  }
0x29: {  	s4 =	sld [smem:$0x3FAF]  }
0x2a: {  	p0 =	seq.s32 s5, $0x0;
	s5 =	sld [smem:$0x3FB0]  }
0x2b: {  	s6 =	sld [smem:$0x3FB1]  }
0x2c: {  	s7 =	sld [smem:$0x3FB2]  }
0x2d: {  	s3 =	simm.s32 $0x108;
	s8 =	sld [smem:$0x3FB3]  }
0x2e: {  	s3 =	simm.s32 @!p0 $0x1082;
	s9 =	sld [smem:$0x3FB4]  }
0x2f: {  	lr =	sadd.s32 s0, s3;
	s0 =	sld [smem:$0x3FAB]  }
0x30: {  	s3 =	sld [smem:$0x3FAE]  }
0x31: {  	[smem:$0x3FB7] =	sst s10  }
0x32: {  	s10 =	sld [smem:$0x3FB5];
	_ =	sdelay $0x3  }
0x33: {  	p0 =	seq.s32 s10, $0x1;
	s10 =	sld [smem:$0x3FB7];
	_ =	sdelay $0x3  }
0x34: {  	[smem:$0x3FB7] =	sst s10  }
0x35: {  	s10 =	sld [smem:$0x3FB6];
	_ =	sdelay $0x3  }
0x36: {  	p1 =	seq.s32 s10, $0x1;
	s10 =	sld [smem:$0x3FB7];
	_ =	sdelay $0x3  }
0x37: {  	[smem:$0x3FB7] =	sst s10  }
0x38: {  	s10 =	sld [smem:$0x3FB8]  }
0x39: {  	_ = 	snop;
	(pc) =	sbr.ind lr, $3  }
0x3a: {  	_ = 	snop  }
0x3b: {  	_ = 	snop  }
0x3c: {  	p2 =	seq.s32 s10, $0x1;
	s10 =	sld [smem:$0x3FB7]  }
0x3d: {  	_ =	shalt  }
0x3e: {  	_ =	shalt  }
0x3f: {  	_ =	shalt  }
0x40: {  	_ =	shalt  }
0x41: {  	_ =	shalt  }
0x42: {  	_ =	shalt  }
0x43: {  	_ =	shalt  }
0x44: {  	_ =	shalt  }
0x45: {  	_ =	shalt  }
0x46: {  	_ =	shalt  }
0x47: {  	_ =	shalt  }
0x48: {  	_ =	shalt  }
0x49: {  	_ =	shalt  }
0x4a: {  	_ =	shalt  }
0x4b: {  	_ =	shalt  }
0x4c: {  	_ =	shalt  }
0x4d: {  	_ =	shalt  }
0x4e: {  	_ =	shalt  }
0x4f: {  	_ =	shalt  }
0x50: {  	_ =	shalt  }
0x51: {  	_ =	shalt  }
0x52: {  	_ =	shalt  }
0x53: {  	_ =	shalt  }
0x54: {  	_ =	shalt  }
0x55: {  	_ =	shalt  }
0x56: {  	_ =	shalt  }
0x57: {  	_ =	shalt  }
0x58: {  	_ =	shalt  }
0x59: {  	_ =	shalt  }
0x5a: {  	_ =	shalt  }
0x5b: {  	_ =	shalt  }
0x5c: {  	_ =	shalt  }
0x5d: {  	_ =	shalt  }
0x5e: {  	_ =	shalt  }
0x5f: {  	_ =	shalt  }
0x60: {  	_ =	shalt  }
0x61: {  	_ =	shalt  }
0x62: {  	_ =	shalt  }
0x63: {  	_ =	shalt  }
0x64: {  	_ =	shalt  }
0x65: {  	_ =	shalt  }
0x66: {  	_ =	shalt  }
0x67: {  	_ =	shalt  }
0x68: {  	_ =	shalt  }
0x69: {  	_ =	shalt  }
0x6a: {  	_ =	shalt  }
0x6b: {  	_ =	shalt  }
0x6c: {  	_ =	shalt  }
0x6d: {  	_ =	shalt  }
0x6e: {  	_ =	shalt  }
0x6f: {  	_ =	shalt  }
0x70: {  	_ =	shalt  }
0x71: {  	_ =	shalt  }
0x72: {  	_ =	shalt  }
0x73: {  	_ =	shalt  }
0x74: {  	_ =	shalt  }
0x75: {  	_ =	shalt  }
0x76: {  	_ =	shalt  }
0x77: {  	_ =	shalt  }
0x78: {  	_ =	shalt  }
0x79: {  	_ =	shalt  }
0x7a: {  	_ =	shalt  }
0x7b: {  	_ =	shalt  }
0x7c: {  	_ =	shalt  }
0x7d: {  	_ =	shalt  }
0x7e: {  	_ =	shalt  }
0x7f: {  	_ =	shalt  }
0x80: {  	_ =	shalt  }
0x81: {  	_ =	shalt  }
0x82: {  	_ =	shalt  }
0x83: {  	_ =	shalt  }
0x84: {  	_ =	shalt  }
0x85: {  	_ =	shalt  }
0x86: {  	_ =	shalt  }
0x87: {  	_ =	shalt  }
.Lfunc_end0:
.L_simem_size_0:
called_computation.1_lowered:
.L_overlay_start_0:
0x88: {  	s2 =	sld [smem:$0x3FD9]  }
0x89: {  	s3 =	sld [smem:$0x3FFE];
	_ =	sdelay $0x1  }
0x8a: {  	s1 =	srdreg.scid  }
0x8b: {  	s0 =	sand.u32 $0x1, s1  }
0x8c: {  	s14 =	sshll.u32 s0, $0xA;
	s2 =	sadd.s32 s3, s2  }
0x8d: {  	s2 =	sadd.s32 s2, s14  }
0x8e: {  	[smem:$0x3FC3] =	sst s2  }
0x8f: {  	_ = 	snop  }
0x90: {  	s2 =	sld [smem:$0x3FD0];
	_ =	sdelay $0x2  }
0x91: {  	s15 =	simm.s32 $0xA;
	s4 =	simm.s32 $0x10  }
0x92: {  	[smem:s4], [sflag:s15] =	dma.local [hbm:s2], $0x1  }
0x93: {  	_ =	swait.eq [sflag:s15], $0x1  }
0x94: {  	s16 =	sld [smem:$0x10];
	[sflag:s15] =	ssyncset.done $0x0  }
0x95: {  	s17 =	sld [smem:$0x11];
	[sflag:s15] =	ssyncadd.s32 $0xFFFFFFFF  }
0x96: {  	s18 =	sld [smem:$0x12];
	(tm) =	ssettm $0x1  }
0x97: {  	s5 =	sld [smem:$0x3FFB];
	_ =	sdelay $0x3  }
0x98: {  	_ =	strace s5  }
0x99: {  	s5 =	sld [smem:$0x3FFC];
	_ =	sdelay $0x3  }
0x9a: {  	_ =	strace s5  }
0x9b: {  	s5 =	sld [smem:$0x3FFD];
	_ =	sdelay $0x3  }
0x9c: {  	_ =	strace s5  }
0x9d: {  	_ =	strace $0x8FFFFFFF  }
0x9e: {  	s19 =	sld [smem:$0x3FDB];
	_ =	sdelay $0x1  }
0x9f: {  	s6 =	simm.s32 $_scs_section_size  }
0xa0: {  	s7 =	simm.s32 $_size__tile_overlayer_lowered;
	s8 =	simm.s32 $_tile_overlayer_lowered  }
0xa1: {  	s22 =	simm.s32 $0x1BFF;
	s21 =	sshll.u32 s8, $0x1;
	s5 =	sadd.s32 s6, s19  }
0xa2: {  	s9 =	simm.s32 $0x0;
	s20 =	sshll.u32 s7, $0x1;
	s7 =	sadd.s32 s21, s5  }
0xa3: {  	[timem:s9], [sflag:s22] =	dma.local [hbm:s7], s20  }
0xa4: {  	_ =	swait.ge [sflag:s22], s20  }
0xa5: {  	s6 =	ssub.s32 $0x0, s20;
	[sflag:s22] =	ssyncset.done $0x0  }
0xa6: {  	[sflag:s22] =	ssyncadd.s32 s6;
	_ =	sdelay $0x1  }
0xa7: {  	s23 =	simm.s32 $0x1B8B  }
0xa8: {  	_ =	swait.ge [sflag:s23], $0x1  }
0xa9: {  	[sflag:s23] =	ssyncset.done $0x0  }
0xaa: {  	s25 =	simm.s32 $0x1B8E;
	s24 =	sld [smem:$0x3FFE];
	[sflag:s23] =	ssyncadd.s32 $0xFFFFFFFF  }
0xab: {  	s26 =	simm.s32 $execute0_lowered;
	[smem:$0x3FD2] =	sst s25  }
0xac: {  	s7 =	sshll.u32 s26, $0x1;
	_ =	strace $0x80000046;
	[dreg:$0x1] =	wrdreg $0xFFFFFFFF  }
0xad: {  	s28 =	simm.s32 $_size_execute0_lowered;
	s5 =	sadd.s32 s5, s7;
	[dreg:$0x0] =	wrdreg $0x0  }
0xae: {  	s7 =	sshll.u32 s28, $0x1;
	[dreg:$0x2] =	wrdreg s5  }
0xaf: {  	[dreg:$0x3] =	wrdreg s7  }
0xb0: {  	[dreg:$0x4] =	wrdreg $0xC0  }
0xb1: {  	_ =	task [dreg:s9], $0x5FFFF  }
0xb2: {  	[dreg:$0x1] =	wrdreg $0xFFFFFFFF  }
0xb3: {  	[dreg:$0x0] =	wrdreg $0x60  }
0xb4: {  	[dreg:$0x2] =	wrdreg s17  }
0xb5: {  	[dreg:$0x3] =	wrdreg s16  }
0xb6: {  	[dreg:$0x4] =	wrdreg s24  }
0xb7: {  	[dreg:$0x5] =	wrdreg s18  }
0xb8: {  	[dreg:$0x6] =	wrdreg $0x9  }
0xb9: {  	_ =	task.clear_ibuf [dreg:s9], $0x7FFFF;
	_ =	strace $0x90000046  }
0xba: {  	s29 =	simm.s32 $0x9;
	_ =	strace $0x80000048  }
0xbb: {  	_ =	swait.ge [sflag:s29], $0x1  }
0xbc: {  	[sflag:s29] =	ssyncadd.s32 $0xFFFFFFFF  }
0xbd: {  	_ =	strace $0x90000048  }
0xbe: {  	_ =	sfence  }
0xbf: {  	s30 =	sld [smem:$0x0];
	_ =	sdelay $0x2  }
0xc0: {  	s31 =	sshll.u32 s1, $0xD;
	s1 =	sshrl.u32 s1, $0x2  }
0xc1: {  	s3 =	sand.u32 $0x4000, s31;
	s1 =	sadd.s32 s1, s30  }
0xc2: {  	s0 =	sor.u32 s3, s0;
	s1 =	sshll.u32 s1, $0x11  }
0xc3: {  	s0 =	sor.u32 s1, s0  }
0xc4: {  	s0 =	sadd.s32 $0x8F2B, s0  }
0xc5: {  	[sflag:s0] =	ssyncadd.remote.s32 $0x1  }
0xc6: {  	_ =	sfence.sel $0xFFFF  }
0xc7: {  	[dreg:$0x0] =	wrdreg $0xFFFFFFFF;
	(pc) =	sbr.abs _section_cstart, $3  }
0xc8: {  	[dreg:$0x1] =	wrdreg $0xFFFFFFFF  }
0xc9: {  	_ =	task.clear_ibuf [dreg:s9], $0x2FFFF;
	_ =	strace $0x9FFFFFFF  }
0xca: {  	(tm) =	ssettm $0x7FFFFFFF  }
0xcb: {  	_ =	shalt  }
tec
execute0_lowered:
.L_overlay_start_1:
0x0: {  	(tag) =	ssettag $0x1  }
0x1: {  	s1 =	stileid.u32  }
0x2: {  	s7 =	rddreg [dreg:$0x0];
	p0 =	sgt.u32 s1, $0x3  }
.Ltmp0:
0x3: {  	s3 =	rddreg [dreg:$0x1];
	(pc) =	sbr.rel @p0 .LBB2_5-.Ltmp0, $4  }
0x4: {  	s4 =	rddreg [dreg:$0x2]  }
0x5: {  	s5 =	rddreg [dreg:$0x3];
	s2 =	simm.s32 $0x0  }
0x6: {  	[smem:$0x7FF] =	sst s2  }
0x7: {  	s0 =	rddreg [dreg:$0x4];
	_ =	strace $0x80000047  }
0x8: {  	s6 =	srdreg.scid;
	s8 =	sshll.u32 s1, $0x1  }
0x9: {  	s12 =	simm.s32 $0x1000;
	s14 =	simm.s32 $0x1100;
	s6 =	sand.u32 $0x1, s6  }
0xa: {  	s15 =	simm.s32 $0x1C80;
	s8 =	sor.u32 s6, s8;
	s11 =	ssub.s32 $0x2, s6  }
0xb: {  	s9 =	sshll.u32 s8, $0x4;
	s13 =	sshll.u32 s8, $0xC;
	s31 =	sshrl.u32 s11, $0x1  }
0xc: {  	s10 =	sadd.s32 s9, s4;
	s3 =	sadd.s32 s3, s9;
	s5 =	sadd.s32 s5, s9  }
0xd: {  	v0 =	vlaneseq.u32;
	s8 =	ssub.s32 s11, s31;
	s7 =	sadd.s32 s7, s9;
	s9 =	simm.s32 $0x80  }
0xe: {  	s11 =	simm.s32 $0x1;
	v1 =	vmov s13;
	v2 =	vor.u32 s13, v0;
	s13 =	simm.s32 $0x1080;
	s4 =	sadd.s32 $0x1C00, s10  }
0xf: {  	v3 =	vimm.s32 $0x0;
	s6 =	sadd.s32 $0x1E00, s10;
	s8 =	smax.u32 s8, $0x1;
	s10 =	simm.s32 $0x400  }
.LBB2_2:
0x10: {  	s16 =	simm.s32 $0x0  }
0x11: {  	[tilespmem:s16], [sflag:$0x1] =	stream.strided.gather [hbm4b:s7+s9], $0x1000, s10, s9, $0x38;
	[tilespmem:$0x2800] =	vst v63  }
0x12: {  	_ =	swait.ge [sflag:s11], $0x1000  }
0x13: {  	[sflag:s11] =	ssyncset.done $0x0  }
0x14: {  	[sflag:s11] =	ssyncadd.s32 $0xFFFFF000  }
0x15: {  	[tilespmem:s12], [sflag:$0x1] =	stream.linear.gather [hbm4b:s3+s16], $0x80, $0x38;
	[tilespmem:$0x2800] =	vst v63  }
0x16: {  	_ =	swait.ge [sflag:s11], $0x80  }
0x17: {  	[sflag:s11] =	ssyncset.done $0x0  }
0x18: {  	[sflag:s11] =	ssyncadd.s32 $0xFFFFFF80  }
0x19: {  	[tilespmem:s13], [sflag:$0x1] =	stream.linear.gather [hbm4b:s4+s16], $0x80, $0x38;
	[tilespmem:$0x2800] =	vst v63  }
0x1a: {  	_ =	swait.ge [sflag:s11], $0x80  }
0x1b: {  	[sflag:s11] =	ssyncset.done $0x0  }
0x1c: {  	[sflag:s11] =	ssyncadd.s32 $0xFFFFFF80  }
0x1d: {  	[tilespmem:$0x1C40] =	vst v3  }
0x1e: {  	[tilespmem:$0x1C30] =	vst v3  }
0x1f: {  	[tilespmem:$0x27C0] =	vst v1  }
0x20: {  	v4 =	vld [tilespmem:$0x1000];
	[tilespmem:$0x27B0] =	vst v1  }
0x21: {  	v6 =	vld [tilespmem:s16+$0x0];
	_ =	sdelay $0x4  }
0x22: {  	vm0 =	veq.f32 v6, v4  }
0x23: {  	v5 =	vsel vm0, $0x1, v3  }
0x24: {  	(xrf0) =	vadd.scan.msk.s32 $0xffff, v5;
	_ =	sdelay $0x2  }
0x25: {  	v5 =	vld [tilespmem:$0x1080];
	_ =	sdelay $0x1  }
0x26: {  	v7 =	vsel vm0, $0xFFFFFFFF, v3  }
0x27: {  	v7 =	vadd.s32 s16, v7;
	v8, _, _ =	vpop (xrf0)  }
0x28: {  	v7 =	vadd.s32 v8, v7  }
0x29: {  	(v2sf) =	vpush v8, $0xF;
	vm1 =	vlt.s32 v7, v5  }
0x2a: {  	vm2 =	vgt.f32 v6, v4;
	vm0 =	vmand vm0, vm1  }
0x2b: {  	v6 =	vor.u32 s16, v0;
	vm0 =	vmor vm2, vm0  }
0x2c: {  	[tilespmem:s16+$0x1100] =	vst.msk vm0, v6;
	v6 =	vor.u32 s16, v2  }
0x2d: {  	[tilespmem:s16+$0x1C80] =	vst.msk vm0, v6;
	v6 =	vsel vm0, $0x1, v3  }
0x2e: {  	(xrf0) =	vadd.scan.msk.s32 $0xffff, v6;
	_ =	sdelay $0x2  }
0x2f: {  	s17 =	simm.s32 $0x10  }
0x30: {  	s19 =	simm.s32 $0x20;
	s18 =	simm.s32 $0x0;
	s20 =	simm.s32 $0x10;
	v6 =	vld [tilespmem:s17+$0x0]  }
.LBB2_3:
0x31: {  	p0 =	sne.s32 s19, $0xFF0  }
0x32: {  	v7, _, _ =	vpop (xrf0)  }
0x33: {  	(v2sf) =	vpush v7, $0xF;
	_ =	sdelay $0x1  }
0x34: {  	vm0 =	vgt.f32 v6, v4;
	vm1 =	veq.f32 v6, v4  }
0x35: {  	v6 =	vsel vm1, $0xFFFFFFFF, v3;
	v7 =	vsel vm1, $0x1, v3;
	s21 =	spop (v2sf)  }
0x36: {  	(xrf0) =	vadd.scan.msk.s32 $0xffff, v7;
	s16 =	sadd.s32 s16, s21;
	_ =	sdelay $0x5  }
0x37: {  	v6 =	vadd.s32 s16, v6;
	v7, _, _ =	vpop (xrf0)  }
0x38: {  	v6 =	vadd.s32 v7, v6;
	(v2sf) =	vpush v7, $0xF  }
0x39: {  	vm2 =	vlt.s32 v6, v5  }
0x3a: {  	vm1 =	vmand vm1, vm2  }
0x3b: {  	vm0 =	vmor vm0, vm1  }
0x3c: {  	v6 =	vsel vm0, $0x1, v3;
	s21 =	spop (v2sf)  }
.Ltmp1:
0x3d: {  	v7 =	vor.u32 s17, v0;
	(xrf0) =	vadd.scan.msk.s32 $0xffff, v6;
	s18 =	sadd.s32 s18, s21;
	(pc) =	sbr.rel @p0 .LBB2_3-.Ltmp1, $4  }
0x3e: {  	v6 =	vor.u32 s17, v2;
	s17 =	smov.u32 s19;
	[tilespmem:s18+$0x1100] =	vst.msk vm0, v7  }
0x3f: {  	[tilespmem:s18+$0x1C80] =	vst.msk vm0, v6  }
0x40: {  	s20 =	sadd.s32 $0x10, s20  }
0x41: {  	s19 =	sadd.s32 $0x10, s19;
	v6 =	vld [tilespmem:s20+$0x0]  }
0x42: {  	_ =	sdelay $0x3  }
0x43: {  	vm0 =	veq.f32 v6, v4  }
0x44: {  	v7 =	vsel vm0, $0x1, v3  }
0x45: {  	(xrf0) =	vadd.scan.msk.s32 $0xffff, v7;
	_ =	sdelay $0x3  }
0x46: {  	s19 =	spop (v2sf)  }
0x47: {  	v63, _, _ =	vpop (xrf0);
	v8 =	vsel vm0, $0xFFFFFFFF, v3;
	s16 =	sadd.s32 s16, s19  }
0x48: {  	v8 =	vadd.s32 s16, v8;
	v9, _, _ =	vpop (xrf0)  }
0x49: {  	v8 =	vadd.s32 v9, v8  }
0x4a: {  	vm1 =	vlt.s32 v8, v5  }
0x4b: {  	vm2 =	vgt.f32 v6, v4;
	vm0 =	vmand vm0, vm1  }
0x4c: {  	vm0 =	vmor vm2, vm0  }
0x4d: {  	v4 =	vsel vm0, $0x1, v3  }
0x4e: {  	(xrf0) =	vadd.scan.msk.s32 $0xffff, v4;
	_ =	sdelay $0x1  }
0x4f: {  	(v2sf) =	vpush v63, $0xF;
	_ =	sdelay $0x2  }
0x50: {  	(v2sf) =	vpush v9, $0xF  }
0x51: {  	v4, _, _ =	vpop (xrf0)  }
0x52: {  	(v2sf) =	vpush v4, $0xF;
	_ =	sdelay $0x9  }
0x53: {  	s29 =	spop (v2sf)  }
0x54: {  	s16 =	sadd.s32 s18, s29;
	v4 =	vor.u32 s17, v0  }
0x55: {  	[tilespmem:s16+$0x1100] =	vst.msk vm0, v4;
	v4 =	vor.u32 s17, v2  }
0x56: {  	[tilespmem:s16+$0x1C80] =	vst.msk vm0, v4;
	s30 =	spop (v2sf)  }
0x57: {  	[hbm4b:s5+s9] =	stream.strided.scatter [tilespmem:s14], [sflag:$0x1], $0xB80, s10, s9, $0x38;
	[tilespmem:$0x2800] =	vst v63  }
0x58: {  	s31 =	spop (v2sf)  }
0x59: {  	s2 =	sadd.s32 $0x1, s2;
	_ =	swait.ge [sflag:s11], $0xB80  }
0x5a: {  	p0 =	sne.s32 s2, s8;
	[sflag:s11] =	ssyncset.done $0x0  }
.Ltmp2:
0x5b: {  	[sflag:s11] =	ssyncadd.s32 $0xFFFFF480;
	(pc) =	sbr.rel @p0 .LBB2_2-.Ltmp2, $4  }
0x5c: {  	[hbm4b:s6+s9] =	stream.strided.scatter [tilespmem:s15], [sflag:$0x1], $0xB80, s10, s9, $0x38;
	[tilespmem:$0x2800] =	vst v63  }
0x5d: {  	_ =	swait.ge [sflag:s11], $0xB80  }
0x5e: {  	[sflag:s11] =	ssyncset.done $0x0  }
0x5f: {  	[sflag:s11] =	ssyncadd.s32 $0xFFFFF480  }
.LBB2_5:
0x60: {  	_ =	sfence.sel $0x180000  }
0x61: {  	[bflag:$0x0] =	sbarrier.arrive $0xFFFF  }
0x62: {  	p0 =	sne.s32 s1, $0x0;
	_ =	strace $0x90000047  }
0x63: {  	s0 =	sadd.s32 @!p0 $0x100000, s0;
	[bflag:$0x2] =	sbarrier.arrive $0xFFFF  }
0x64: {  	[sflag:s0] =	ssyncadd.tile.s32 @!p0 $0x1;
	_ =	shalt  }
.Lfunc_end2:
_tile_overlayer_lowered:
.L_overlay_start_2:
0x65: {  	(tag) =	ssettag $0x2  }
0x66: {  	s0 =	rddreg [dreg:$0x0];
	s2 =	stileid.u32  }
0x67: {  	s1 =	rddreg [dreg:$0x1];
	p0 =	sne.s32 s2, $0x0  }
0x68: {  	s3 =	rddreg [dreg:$0x2];
	[bflag:$0x3] =	sbarrier.arrive $0xFFFF;
	s2 =	simm.s32 @!p0 $0x1C01  }
0x69: {  	[timem:s3], [sflag:s2] =	dma.local @!p0 [hbm:s0], s1  }
0x6a: {  	s0 =	simm.s32 @!p0 $0x1  }
0x6b: {  	_ =	swait.ge @!p0 [sflag:s0], s1  }
0x6c: {  	s1 =	ssub.s32 @!p0 $0x0, s1;
	[sflag:s0] =	ssyncset.done @!p0 $0x0  }
0x6d: {  	[sflag:s0] =	ssyncadd.s32 @!p0 s1  }
0x6e: {  	[bflag:$0x3] =	sbarrier.arrive $0xFFFF  }
0x6f: {  	_ =	shalt  }

// kernel: kernel.9.cloned.1.call-start
scs
__scs_entry_jumppad:
0x0: {  	(pc) =	sbr.rel $0x88, $3  }
0x1: {  	(tag) =	ssettag $0x0;
	lr =	simm.s32 $0x1  }
0x2: {  	[smem:$0x3F9C] =	sst lr;
	_ =	strace $0xD0000000  }
0x3: {  	_ = 	snop  }
0x4: {  	_ = 	snop  }
0x5: {  	_ = 	snop  }
0x6: {  	_ = 	snop  }
0x7: {  	_ = 	snop  }
__scs_overlays_trampoline_lowered:
0x8: {  	[smem:$0x3FAB] =	sst s0  }
0x9: {  	[smem:$0x3FAC] =	sst s1  }
0xa: {  	[smem:$0x3FAD] =	sst s2  }
0xb: {  	[smem:$0x3FAE] =	sst s3  }
0xc: {  	[smem:$0x3FAF] =	sst s4  }
0xd: {  	[smem:$0x3FB0] =	sst s5  }
0xe: {  	[smem:$0x3FB1] =	sst s6  }
0xf: {  	[smem:$0x3FB2] =	sst s7  }
0x10: {  	[smem:$0x3FB3] =	sst s8  }
0x11: {  	[smem:$0x3FB4] =	sst s9;
	s0 =	simm.s32 @!p0 $0x0  }
0x12: {  	s1 =	sld [smem:$0x3F9A];
	s0 =	simm.s32 @p0 $0x1  }
0x13: {  	[smem:$0x3FB5] =	sst s0;
	s0 =	simm.s32 @!p1 $0x0  }
0x14: {  	s2 =	sld [smem:$0x3F99];
	s0 =	simm.s32 @p1 $0x1  }
0x15: {  	[smem:$0x3FB6] =	sst s0;
	s0 =	simm.s32 @!p2 $0x0  }
0x16: {  	s3 =	sld [smem:$0x3FDB];
	s0 =	simm.s32 @p2 $0x1  }
0x17: {  	s4 =	simm.s32 $0x1BF5;
	[smem:$0x3FB8] =	sst s0  }
0x18: {  	s0 =	sld [smem:$0x3F9B];
	_ =	swait.ge [sflag:s4], $0x0  }
0x19: {  	s7 =	sld [smem:$0x3F9C]  }
0x1a: {  	s8 =	sadd.s32 $0xFFFFE003, lr  }
0x1b: {  	s9 =	sadd.s32 $0xFFFFFEF7, lr;
	s5 =	simm.s32 $0xFFFFFFFF;
	p2 =	slt.u32 s8, $0xFFFFF086  }
0x1c: {  	p1 =	slt.u32 s9, $0xF7A;
	s5 =	simm.s32 @!p2 $0x0  }
0x1d: {  	s5 =	simm.s32 @p1 $0x1;
	p0 =	seq.s32 s7, s2  }
0x1e: {  	s7 =	smul.u32 @!p0 $0xF7A, s2;
	p2 =	seq.s32 @!p0 s5, $0x0  }
0x1f: {  	s9 =	smul.u32 $0xF7A, s1;
	s8 =	simm.s32 @!p0 $0x1BF5;
	p2 =	por !p2, p0  }
0x20: {  	[sflag:s8] =	ssyncset.s32 @!p0 $0xFFFFF086;
	s6 =	sadd.s32 @!p0 s3, s7;
	s7 =	simm.s32 @!p0 $0x108  }
0x21: {  	s3 =	sadd.s32 s3, s9;
	s6 =	sadd.s32 @!p0 $0x88, s6;
	s7 =	simm.s32 @p2 $0x1082  }
0x22: {  	[simem:s7], [sflag:s8] =	dma.local @!p0 [hbm:s6], $0xF7A  }
0x23: {  	s9 =	sor.u32 $0xD0000000, s2;
	s6 =	simm.s32 $0x108;
	_ =	swait.ge @!p0 [sflag:s8], $0x0  }
0x24: {  	s3 =	sadd.s32 $0x88, s3;
	s6 =	simm.s32 @!p1 $0x1082;
	[sflag:s4] =	ssyncset.s32 $0xFFFFF086  }
0x25: {  	[simem:s6], [sflag:s4] =	dma.local [hbm:s3], $0xF7A  }
0x26: {  	[smem:$0x3F9C] =	sst s1;
	(tag) =	ssettag s2;
	_ =	strace s9  }
0x27: {  	s1 =	sld [smem:$0x3FAC]  }
0x28: {  	s2 =	sld [smem:$0x3FAD]  }
0x29: {  	s4 =	sld [smem:$0x3FAF]  }
0x2a: {  	p0 =	seq.s32 s5, $0x0;
	s5 =	sld [smem:$0x3FB0]  }
0x2b: {  	s6 =	sld [smem:$0x3FB1]  }
0x2c: {  	s7 =	sld [smem:$0x3FB2]  }
0x2d: {  	s3 =	simm.s32 $0x108;
	s8 =	sld [smem:$0x3FB3]  }
0x2e: {  	s3 =	simm.s32 @!p0 $0x1082;
	s9 =	sld [smem:$0x3FB4]  }
0x2f: {  	lr =	sadd.s32 s0, s3;
	s0 =	sld [smem:$0x3FAB]  }
0x30: {  	s3 =	sld [smem:$0x3FAE]  }
0x31: {  	[smem:$0x3FB7] =	sst s10  }
0x32: {  	s10 =	sld [smem:$0x3FB5];
	_ =	sdelay $0x3  }
0x33: {  	p0 =	seq.s32 s10, $0x1;
	s10 =	sld [smem:$0x3FB7];
	_ =	sdelay $0x3  }
0x34: {  	[smem:$0x3FB7] =	sst s10  }
0x35: {  	s10 =	sld [smem:$0x3FB6];
	_ =	sdelay $0x3  }
0x36: {  	p1 =	seq.s32 s10, $0x1;
	s10 =	sld [smem:$0x3FB7];
	_ =	sdelay $0x3  }
0x37: {  	[smem:$0x3FB7] =	sst s10  }
0x38: {  	s10 =	sld [smem:$0x3FB8]  }
0x39: {  	_ = 	snop;
	(pc) =	sbr.ind lr, $3  }
0x3a: {  	_ = 	snop  }
0x3b: {  	_ = 	snop  }
0x3c: {  	p2 =	seq.s32 s10, $0x1;
	s10 =	sld [smem:$0x3FB7]  }
0x3d: {  	_ =	shalt  }
0x3e: {  	_ =	shalt  }
0x3f: {  	_ =	shalt  }
0x40: {  	_ =	shalt  }
0x41: {  	_ =	shalt  }
0x42: {  	_ =	shalt  }
0x43: {  	_ =	shalt  }
0x44: {  	_ =	shalt  }
0x45: {  	_ =	shalt  }
0x46: {  	_ =	shalt  }
0x47: {  	_ =	shalt  }
0x48: {  	_ =	shalt  }
0x49: {  	_ =	shalt  }
0x4a: {  	_ =	shalt  }
0x4b: {  	_ =	shalt  }
0x4c: {  	_ =	shalt  }
0x4d: {  	_ =	shalt  }
0x4e: {  	_ =	shalt  }
0x4f: {  	_ =	shalt  }
0x50: {  	_ =	shalt  }
0x51: {  	_ =	shalt  }
0x52: {  	_ =	shalt  }
0x53: {  	_ =	shalt  }
0x54: {  	_ =	shalt  }
0x55: {  	_ =	shalt  }
0x56: {  	_ =	shalt  }
0x57: {  	_ =	shalt  }
0x58: {  	_ =	shalt  }
0x59: {  	_ =	shalt  }
0x5a: {  	_ =	shalt  }
0x5b: {  	_ =	shalt  }
0x5c: {  	_ =	shalt  }
0x5d: {  	_ =	shalt  }
0x5e: {  	_ =	shalt  }
0x5f: {  	_ =	shalt  }
0x60: {  	_ =	shalt  }
0x61: {  	_ =	shalt  }
0x62: {  	_ =	shalt  }
0x63: {  	_ =	shalt  }
0x64: {  	_ =	shalt  }
0x65: {  	_ =	shalt  }
0x66: {  	_ =	shalt  }
0x67: {  	_ =	shalt  }
0x68: {  	_ =	shalt  }
0x69: {  	_ =	shalt  }
0x6a: {  	_ =	shalt  }
0x6b: {  	_ =	shalt  }
0x6c: {  	_ =	shalt  }
0x6d: {  	_ =	shalt  }
0x6e: {  	_ =	shalt  }
0x6f: {  	_ =	shalt  }
0x70: {  	_ =	shalt  }
0x71: {  	_ =	shalt  }
0x72: {  	_ =	shalt  }
0x73: {  	_ =	shalt  }
0x74: {  	_ =	shalt  }
0x75: {  	_ =	shalt  }
0x76: {  	_ =	shalt  }
0x77: {  	_ =	shalt  }
0x78: {  	_ =	shalt  }
0x79: {  	_ =	shalt  }
0x7a: {  	_ =	shalt  }
0x7b: {  	_ =	shalt  }
0x7c: {  	_ =	shalt  }
0x7d: {  	_ =	shalt  }
0x7e: {  	_ =	shalt  }
0x7f: {  	_ =	shalt  }
0x80: {  	_ =	shalt  }
0x81: {  	_ =	shalt  }
0x82: {  	_ =	shalt  }
0x83: {  	_ =	shalt  }
0x84: {  	_ =	shalt  }
0x85: {  	_ =	shalt  }
0x86: {  	_ =	shalt  }
0x87: {  	_ =	shalt  }
.Lfunc_end0:
.L_simem_size_0:
called_computation.2_lowered:
.L_overlay_start_0:
0x88: {  	s2 =	sld [smem:$0x3FD9]  }
0x89: {  	s3 =	sld [smem:$0x3FFE];
	_ =	sdelay $0x1  }
0x8a: {  	s1 =	srdreg.scid  }
0x8b: {  	s0 =	sand.u32 $0x1, s1  }
0x8c: {  	s14 =	sshll.u32 s0, $0xA;
	s2 =	sadd.s32 s3, s2  }
0x8d: {  	s2 =	sadd.s32 s2, s14  }
0x8e: {  	[smem:$0x3FC3] =	sst s2  }
0x8f: {  	_ = 	snop  }
0x90: {  	s2 =	sld [smem:$0x3FD0];
	_ =	sdelay $0x2  }
0x91: {  	s4 =	simm.s32 $0xA;
	s5 =	simm.s32 $0x10;
	s15 =	sld [smem:$0x3FC9]  }
0x92: {  	[smem:s5], [sflag:s4] =	dma.local [hbm:s2], $0x1  }
0x93: {  	_ =	swait.eq [sflag:s4], $0x1  }
0x94: {  	[sflag:s4] =	ssyncset.done $0x0  }
0x95: {  	[sflag:s4] =	ssyncadd.s32 $0xFFFFFFFF  }
0x96: {  	s16 =	sld [smem:$0x10];
	(tm) =	ssettm $0x1  }
0x97: {  	s17 =	sld [smem:$0x3FFB];
	_ =	sdelay $0x3  }
0x98: {  	_ =	strace s17  }
0x99: {  	s4 =	sld [smem:$0x3FFC];
	_ =	sdelay $0x3  }
0x9a: {  	_ =	strace s4  }
0x9b: {  	s4 =	sld [smem:$0x3FFD];
	_ =	sdelay $0x3  }
0x9c: {  	_ =	strace s4  }
0x9d: {  	_ =	strace $0x8FFFFFFF  }
0x9e: {  	s18 =	sld [smem:$0x3FDB];
	_ =	sdelay $0x1  }
0x9f: {  	s19 =	simm.s32 $_scs_section_size  }
0xa0: {  	s6 =	simm.s32 $_size__tile_overlayer_lowered;
	s7 =	simm.s32 $_tile_overlayer_lowered  }
0xa1: {  	s22 =	simm.s32 $0x1BFF;
	s21 =	sshll.u32 s7, $0x1;
	s4 =	sadd.s32 s19, s18  }
0xa2: {  	s8 =	simm.s32 $0x0;
	s20 =	sshll.u32 s6, $0x1;
	s6 =	sadd.s32 s21, s4  }
0xa3: {  	[timem:s8], [sflag:s22] =	dma.local [hbm:s6], s20  }
0xa4: {  	_ =	swait.ge [sflag:s22], s20  }
0xa5: {  	s5 =	ssub.s32 $0x0, s20;
	[sflag:s22] =	ssyncset.done $0x0  }
0xa6: {  	[sflag:s22] =	ssyncadd.s32 s5;
	_ =	sdelay $0x1  }
0xa7: {  	s23 =	simm.s32 $0x1B8B  }
0xa8: {  	_ =	swait.ge [sflag:s23], $0x1  }
0xa9: {  	[sflag:s23] =	ssyncset.done $0x0  }
0xaa: {  	s25 =	simm.s32 $0x1B8E;
	s24 =	sld [smem:$0x3FFE];
	[sflag:s23] =	ssyncadd.s32 $0xFFFFFFFF  }
0xab: {  	s26 =	simm.s32 $execute0_lowered;
	[smem:$0x3FD2] =	sst s25  }
0xac: {  	s6 =	sshll.u32 s26, $0x1;
	_ =	strace $0x80000049;
	[dreg:$0x1] =	wrdreg $0xFFFFFFFF  }
0xad: {  	s28 =	simm.s32 $_size_execute0_lowered;
	s4 =	sadd.s32 s4, s6;
	[dreg:$0x0] =	wrdreg $0x0  }
0xae: {  	s6 =	sshll.u32 s28, $0x1;
	[dreg:$0x2] =	wrdreg s4  }
0xaf: {  	[dreg:$0x3] =	wrdreg s6  }
0xb0: {  	[dreg:$0x4] =	wrdreg $0xC0  }
0xb1: {  	_ =	task [dreg:s8], $0x5FFFF  }
0xb2: {  	[dreg:$0x1] =	wrdreg $0xFFFFFFFF  }
0xb3: {  	[dreg:$0x0] =	wrdreg $0x60  }
0xb4: {  	[dreg:$0x2] =	wrdreg s15  }
0xb5: {  	[dreg:$0x3] =	wrdreg s16  }
0xb6: {  	[dreg:$0x4] =	wrdreg s24  }
0xb7: {  	[dreg:$0x5] =	wrdreg $0x9  }
0xb8: {  	_ =	task.clear_ibuf [dreg:s8], $0x6FFFF;
	_ =	strace $0x90000049  }
0xb9: {  	s29 =	simm.s32 $0x9;
	_ =	strace $0x8000004B  }
0xba: {  	_ =	swait.ge [sflag:s29], $0x1  }
0xbb: {  	[sflag:s29] =	ssyncadd.s32 $0xFFFFFFFF  }
0xbc: {  	_ =	strace $0x9000004B  }
0xbd: {  	_ =	sfence  }
0xbe: {  	s30 =	sld [smem:$0x0];
	_ =	sdelay $0x2  }
0xbf: {  	s31 =	sshll.u32 s1, $0xD;
	s1 =	sshrl.u32 s1, $0x2  }
0xc0: {  	s3 =	sand.u32 $0x4000, s31;
	s1 =	sadd.s32 s1, s30  }
0xc1: {  	s0 =	sor.u32 s3, s0;
	s1 =	sshll.u32 s1, $0x11  }
0xc2: {  	s0 =	sor.u32 s1, s0  }
0xc3: {  	s0 =	sadd.s32 $0x8F2B, s0  }
0xc4: {  	[sflag:s0] =	ssyncadd.remote.s32 $0x1  }
0xc5: {  	_ =	sfence.sel $0xFFFF  }
0xc6: {  	[dreg:$0x0] =	wrdreg $0xFFFFFFFF;
	(pc) =	sbr.abs _section_cstart, $3  }
0xc7: {  	[dreg:$0x1] =	wrdreg $0xFFFFFFFF  }
0xc8: {  	_ =	task.clear_ibuf [dreg:s8], $0x2FFFF;
	_ =	strace $0x9FFFFFFF  }
0xc9: {  	(tm) =	ssettm $0x7FFFFFFF  }
tec
execute0_lowered:
.L_overlay_start_1:
0x0: {  	(tag) =	ssettag $0x1  }
0x1: {  	s1 =	rddreg [dreg:$0x0];
	s5 =	stileid.u32  }
0x2: {  	s2 =	srdreg.scid;
	s3 =	sshll.u32 s5, $0x1;
	s5 =	sshrl.u32 s5, $0x1  }
0x3: {  	s2 =	sand.u32 $0x1, s2;
	s3 =	sand.u32 $0x2, s3;
	s8 =	smul.u32 $0xB50, s5  }
0x4: {  	s0 =	rddreg [dreg:$0x1];
	s5 =	smul.u32 $0x2D0000, s5;
	s6 =	sor.u32 s2, s3  }
0x5: {  	s4 =	rddreg [dreg:$0x2];
	s3 =	simm.s32 $0x0;
	s7 =	smul.u32 $0x2D0, s6  }
0x6: {  	s2 =	ssub.s32 $0x2, s2;
	[smem:$0x7FF] =	sst s3;
	s11 =	smul.u32 $0xB4000, s6  }
0x7: {  	s9 =	sshrl.u32 s2, $0x1;
	s6 =	sadd.s32 $0x1C00, s4;
	_ =	strace $0x8000004A  }
0x8: {  	s2 =	ssub.s32 s2, s9;
	s10 =	sadd.s32 s8, s7;
	s12 =	sadd.s32 s5, s11  }
0x9: {  	s13 =	sadd.s32 $0x30, s7;
	s17 =	sadd.s32 $0x60, s7;
	s21 =	sadd.s32 $0x90, s7  }
0xa: {  	s23 =	sadd.s32 $0xC0, s7;
	s30 =	sadd.s32 $0xF0, s7;
	s10 =	sshrl.u32 s10, $0x3  }
0xb: {  	s9 =	sshrl.u32 s12, $0x3;
	s14 =	sadd.s32 s8, s13;
	s18 =	sadd.s32 s8, s17  }
0xc: {  	s22 =	sadd.s32 s8, s21;
	s12 =	sadd.s32 s8, s23;
	s28 =	sshll.u32 s23, $0xA  }
0xd: {  	s31 =	sadd.s32 s8, s30;
	s23 =	sadd.s32 $0x180, s7;
	s4 =	sadd.s32 s0, s10  }
0xe: {  	s9 =	sadd.s32 s6, s9;
	s11 =	sshrl.u32 s14, $0x3;
	s10 =	sshll.u32 s13, $0xA  }
0xf: {  	s25 =	sshrl.u32 s12, $0x3;
	s29 =	sadd.s32 s5, s28;
	s14 =	sadd.s32 $0x120, s7  }
0x10: {  	s28 =	sadd.s32 $0x1B0, s7;
	[dreg:$0x4] =	wrdreg s4;
	s4 =	sadd.s32 $0x100, s1  }
0x11: {  	[dreg:$0x5] =	wrdreg s9;
	s15 =	sadd.s32 s0, s11;
	s16 =	sadd.s32 s5, s10  }
0x12: {  	s10 =	sshll.u32 s17, $0xA;
	s11 =	sshrl.u32 s18, $0x3;
	s26 =	sadd.s32 s0, s25  }
0x13: {  	[dreg:$0x6] =	wrdreg s15;
	s9 =	sshrl.u32 s16, $0x3;
	s10 =	sadd.s32 s5, s10  }
0x14: {  	s19 =	sadd.s32 s0, s11;
	[dreg:$0xc] =	wrdreg s26;
	s11 =	sshrl.u32 s31, $0x3  }
0x15: {  	s15 =	sadd.s32 s8, s14;
	s16 =	sadd.s32 $0x150, s7;
	s9 =	sadd.s32 s6, s9  }
0x16: {  	s10 =	sshrl.u32 s10, $0x3;
	[dreg:$0x8] =	wrdreg s19;
	s12 =	sadd.s32 s0, s11  }
0x17: {  	s17 =	sadd.s32 s8, s16;
	[dreg:$0x7] =	wrdreg s9;
	s20 =	sadd.s32 s6, s10  }
0x18: {  	s10 =	sshll.u32 s21, $0xA;
	s9 =	sshrl.u32 s22, $0x3;
	[dreg:$0xe] =	wrdreg s12  }
0x19: {  	s19 =	sshrl.u32 s17, $0x3;
	s21 =	sshll.u32 s16, $0xA;
	s17 =	sadd.s32 $0x210, s7  }
0x1a: {  	s12 =	simm.s32 $0x2;
	[dreg:$0x9] =	wrdreg s20;
	s10 =	sadd.s32 s5, s10  }
0x1b: {  	s9 =	sadd.s32 s0, s9;
	s20 =	sadd.s32 s0, s19;
	s22 =	sadd.s32 s5, s21  }
0x1c: {  	s21 =	sadd.s32 $0x240, s7;
	s10 =	sshrl.u32 s10, $0x3;
	[dreg:$0xa] =	wrdreg s9  }
0x1d: {  	s9 =	sshrl.u32 s29, $0x3;
	[dreg:$0x12] =	wrdreg s20;
	s29 =	sadd.s32 s8, s28  }
0x1e: {  	s24 =	sadd.s32 s6, s10;
	s10 =	sshll.u32 s30, $0xA;
	s9 =	sadd.s32 s6, s9  }
0x1f: {  	s30 =	sadd.s32 $0x1E0, s7;
	[dreg:$0xb] =	wrdreg s24;
	s10 =	sadd.s32 s5, s10  }
0x20: {  	[dreg:$0xd] =	wrdreg s9;
	s9 =	sshrl.u32 s15, $0x3;
	s24 =	sadd.s32 s8, s23  }
0x21: {  	s31 =	sadd.s32 s8, s30;
	s15 =	sshll.u32 s30, $0xA;
	s10 =	sshrl.u32 s10, $0x3  }
0x22: {  	s9 =	sadd.s32 s0, s9;
	s11 =	sshrl.u32 s24, $0x3;
	s16 =	sadd.s32 s5, s15  }
0x23: {  	s13 =	sadd.s32 s6, s10;
	s10 =	sshll.u32 s14, $0xA;
	[dreg:$0x10] =	wrdreg s9  }
0x24: {  	s9 =	sshrl.u32 s22, $0x3;
	s25 =	sadd.s32 s0, s11;
	s22 =	sadd.s32 s8, s21  }
0x25: {  	[dreg:$0xf] =	wrdreg s13;
	s10 =	sadd.s32 s5, s10;
	s9 =	sadd.s32 s6, s9  }
0x26: {  	[dreg:$0x14] =	wrdreg s25;
	s13 =	sshrl.u32 s31, $0x3;
	s10 =	sshrl.u32 s10, $0x3  }
0x27: {  	[dreg:$0x13] =	wrdreg s9;
	s9 =	sshrl.u32 s29, $0x3;
	s14 =	sadd.s32 s0, s13  }
0x28: {  	s18 =	sadd.s32 s6, s10;
	s10 =	sshll.u32 s23, $0xA;
	[dreg:$0x18] =	wrdreg s14  }
0x29: {  	s9 =	sadd.s32 s0, s9;
	s23 =	sadd.s32 $0x270, s7;
	[dreg:$0x11] =	wrdreg s18  }
0x2a: {  	s7 =	sadd.s32 $0x2A0, s7;
	s10 =	sadd.s32 s5, s10;
	[dreg:$0x16] =	wrdreg s9  }
0x2b: {  	s9 =	sshrl.u32 s16, $0x3;
	s18 =	sadd.s32 s8, s17;
	s24 =	sadd.s32 s8, s23  }
0x2c: {  	s29 =	sshll.u32 s23, $0xA;
	s8 =	sadd.s32 s8, s7;
	s7 =	sshll.u32 s7, $0xA  }
0x2d: {  	s10 =	sshrl.u32 s10, $0x3;
	s9 =	sadd.s32 s6, s9;
	s11 =	sshrl.u32 s18, $0x3  }
0x2e: {  	s30 =	sadd.s32 s5, s29;
	s8 =	sshrl.u32 s8, $0x3;
	s26 =	sadd.s32 s6, s10  }
0x2f: {  	s10 =	sshll.u32 s28, $0xA;
	[dreg:$0x19] =	wrdreg s9;
	s19 =	sadd.s32 s0, s11  }
0x30: {  	s9 =	sshrl.u32 s22, $0x3;
	[dreg:$0x15] =	wrdreg s26;
	s10 =	sadd.s32 s5, s10  }
0x31: {  	[dreg:$0x1a] =	wrdreg s19;
	s9 =	sadd.s32 s0, s9;
	s10 =	sshrl.u32 s10, $0x3  }
0x32: {  	s26 =	sshrl.u32 s24, $0x3;
	[dreg:$0x1c] =	wrdreg s9;
	s10 =	sadd.s32 s6, s10  }
0x33: {  	s28 =	sadd.s32 s0, s26;
	[dreg:$0x17] =	wrdreg s10;
	s10 =	sshll.u32 s17, $0xA  }
0x34: {  	s9 =	sshrl.u32 s30, $0x3;
	s0 =	sadd.s32 s0, s8;
	s10 =	sadd.s32 s5, s10  }
0x35: {  	s8 =	simm.s32 $0x3;
	[dreg:$0x1e] =	wrdreg s28;
	s10 =	sshrl.u32 s10, $0x3  }
0x36: {  	s9 =	sadd.s32 s6, s9;
	s20 =	sadd.s32 s6, s10;
	s10 =	sshll.u32 s21, $0xA  }
0x37: {  	[smem:$0x7FC] =	sst s0;
	s0 =	smax.u32 s2, $0x1;
	s10 =	sadd.s32 s5, s10  }
0x38: {  	[dreg:$0x1f] =	wrdreg s9;
	s5 =	sadd.s32 s5, s7;
	s10 =	sshrl.u32 s10, $0x3  }
0x39: {  	v2 =	vlaneseq.u32;
	[dreg:$0x1b] =	wrdreg s20;
	s7 =	sshrl.u32 s5, $0x3;
	s25 =	sadd.s32 s6, s10  }
0x3a: {  	vm0 =	vmmov $0xffff;
	v1 =	vshrl.u32 v2, $0x3;
	s5 =	sadd.s32 $0x200, s1;
	s31 =	sadd.s32 s6, s7;
	[dreg:$0x1d] =	wrdreg s25  }
0x3b: {  	v0 =	vand.u32 $0x7, v2;
	v2 =	vor.u32 $0x8, v2;
	v1 =	vmul.u32 $0x8, v1;
	s6 =	sadd.s32 $0x300, s1;
	s10 =	simm.s32 $0x1;
	[smem:$0x7FD] =	sst s31  }
.LBB2_1:
0x3c: {  	[smem:$0x7FB] =	sst s0  }
0x3d: {  	s13 =	rddreg [dreg:$0x4]  }
0x3e: {  	[tilespmem:s3], [sflag:$0x3] =	stream.linear.gather [hbm4b:s13+s3], $0x30, $0x38;
	[tilespmem:$0x18080] =	vst v63  }
0x3f: {  	_ =	swait.ge [sflag:s8], $0x30  }
0x40: {  	[sflag:s8] =	ssyncset.done $0x0  }
0x41: {  	[sflag:s8] =	ssyncadd.s32 $0xFFFFFFD0  }
0x42: {  	v3 =	vld [tilespmem:$0x0];
	_ =	sdelay $0x4  }
0x43: {  	v4 =	vshll.u32 v3, $0x3  }
0x44: {  	v3 =	vand.u32 $0x7, v3;
	v4 =	vand.u32 $0xFFFFFFC0, v4  }
0x45: {  	v3 =	vor.u32 v3, v4  }
0x46: {  	v4 =	vperm.xlane v3, v0;
	_ =	sdelay $0x1  }
0x47: {  	v4 =	vadd.s32 v1, v4;
	_ =	sdelay $0x3  }
0x48: {  	s20 =	simm.s32 $0x80  }
0x49: {  	[tilespmem:s20], [sflag:$0x1] =	stream.indirect_vreg.gather [hbm4b:s1+s3], $0x80, v4, vm0, $0xb8;
	[tilespmem:$0x18080] =	vst v63  }
0x4a: {  	s21 =	simm.s32 $0x880;
	v3 =	vperm.xlane v3, v2  }
0x4b: {  	[tilespmem:s21], [sflag:$0x1] =	stream.indirect_vreg.gather [hbm4b:s4+s3], $0x80, v4, vm0, $0xb8;
	[tilespmem:$0x18080] =	vst v63  }
0x4c: {  	s22 =	simm.s32 $0x1080;
	v3 =	vadd.s32 v1, v3  }
0x4d: {  	[tilespmem:s22], [sflag:$0x1] =	stream.indirect_vreg.gather [hbm4b:s5+s3], $0x80, v4, vm0, $0xb8;
	[tilespmem:$0x18080] =	vst v63  }
0x4e: {  	s23 =	simm.s32 $0x1880  }
0x4f: {  	[tilespmem:s23], [sflag:$0x1] =	stream.indirect_vreg.gather [hbm4b:s6+s3], $0x80, v4, vm0, $0xb8;
	[tilespmem:$0x18080] =	vst v63  }
0x50: {  	s24 =	simm.s32 $0x2080  }
0x51: {  	[tilespmem:s24], [sflag:$0x1] =	stream.indirect_vreg.gather [hbm4b:s1+s3], $0x80, v3, vm0, $0xb8;
	[tilespmem:$0x18080] =	vst v63  }
0x52: {  	s25 =	simm.s32 $0x2880  }
0x53: {  	[tilespmem:s25], [sflag:$0x1] =	stream.indirect_vreg.gather [hbm4b:s4+s3], $0x80, v3, vm0, $0xb8;
	[tilespmem:$0x18080] =	vst v63  }
0x54: {  	s26 =	simm.s32 $0x3080  }
0x55: {  	[tilespmem:s26], [sflag:$0x1] =	stream.indirect_vreg.gather [hbm4b:s5+s3], $0x80, v3, vm0, $0xb8;
	[tilespmem:$0x18080] =	vst v63  }
0x56: {  	s28 =	simm.s32 $0x3880  }
0x57: {  	[tilespmem:s28], [sflag:$0x1] =	stream.indirect_vreg.gather [hbm4b:s6+s3], $0x80, v3, vm0, $0xb8;
	[tilespmem:$0x18080] =	vst v63  }
0x58: {  	v3 =	vld [tilespmem:$0x10];
	_ =	sdelay $0x4  }
0x59: {  	v20 =	vshll.u32 v3, $0x3  }
0x5a: {  	v3 =	vand.u32 $0x7, v3;
	v4 =	vand.u32 $0xFFFFFFC0, v20  }
0x5b: {  	v3 =	vor.u32 v3, v4  }
0x5c: {  	v4 =	vperm.xlane v3, v0;
	_ =	sdelay $0x1  }
0x5d: {  	v4 =	vadd.s32 v1, v4;
	_ =	sdelay $0x3  }
0x5e: {  	s29 =	simm.s32 $0x4080  }
0x5f: {  	[tilespmem:s29], [sflag:$0x1] =	stream.indirect_vreg.gather [hbm4b:s1+s3], $0x80, v4, vm0, $0xb8;
	[tilespmem:$0x18080] =	vst v63  }
0x60: {  	s30 =	simm.s32 $0x4880;
	v3 =	vperm.xlane v3, v2  }
0x61: {  	[tilespmem:s30], [sflag:$0x1] =	stream.indirect_vreg.gather [hbm4b:s4+s3], $0x80, v4, vm0, $0xb8;
	[tilespmem:$0x18080] =	vst v63  }
0x62: {  	s31 =	simm.s32 $0x5080;
	v3 =	vadd.s32 v1, v3  }
0x63: {  	[tilespmem:s31], [sflag:$0x1] =	stream.indirect_vreg.gather [hbm4b:s5+s3], $0x80, v4, vm0, $0xb8;
	[tilespmem:$0x18080] =	vst v63  }
0x64: {  	s7 =	simm.s32 $0x5880  }
0x65: {  	[tilespmem:s7], [sflag:$0x1] =	stream.indirect_vreg.gather [hbm4b:s6+s3], $0x80, v4, vm0, $0xb8;
	[tilespmem:$0x18080] =	vst v63  }
0x66: {  	s9 =	simm.s32 $0x6080  }
0x67: {  	[tilespmem:s9], [sflag:$0x1] =	stream.indirect_vreg.gather [hbm4b:s1+s3], $0x80, v3, vm0, $0xb8;
	[tilespmem:$0x18080] =	vst v63  }
0x68: {  	s11 =	simm.s32 $0x6880  }
0x69: {  	[tilespmem:s11], [sflag:$0x1] =	stream.indirect_vreg.gather [hbm4b:s4+s3], $0x80, v3, vm0, $0xb8;
	[tilespmem:$0x18080] =	vst v63  }
0x6a: {  	s13 =	simm.s32 $0x7080  }
0x6b: {  	[tilespmem:s13], [sflag:$0x1] =	stream.indirect_vreg.gather [hbm4b:s5+s3], $0x80, v3, vm0, $0xb8;
	[tilespmem:$0x18080] =	vst v63  }
0x6c: {  	s14 =	simm.s32 $0x7880  }
0x6d: {  	[tilespmem:s14], [sflag:$0x1] =	stream.indirect_vreg.gather [hbm4b:s6+s3], $0x80, v3, vm0, $0xb8;
	[tilespmem:$0x18080] =	vst v63  }
0x6e: {  	v3 =	vld [tilespmem:$0x20];
	_ =	sdelay $0x4  }
0x6f: {  	v21 =	vshll.u32 v3, $0x3  }
0x70: {  	v3 =	vand.u32 $0x7, v3;
	v4 =	vand.u32 $0xFFFFFFC0, v21  }
0x71: {  	v3 =	vor.u32 v3, v4  }
0x72: {  	v4 =	vperm.xlane v3, v0;
	_ =	sdelay $0x1  }
0x73: {  	v4 =	vadd.s32 v1, v4;
	_ =	sdelay $0x3  }
0x74: {  	s15 =	simm.s32 $0x8080  }
0x75: {  	[tilespmem:s15], [sflag:$0x1] =	stream.indirect_vreg.gather [hbm4b:s1+s3], $0x80, v4, vm0, $0xb8;
	[tilespmem:$0x18080] =	vst v63  }
0x76: {  	s16 =	simm.s32 $0x8880;
	v3 =	vperm.xlane v3, v2  }
0x77: {  	[tilespmem:s16], [sflag:$0x1] =	stream.indirect_vreg.gather [hbm4b:s4+s3], $0x80, v4, vm0, $0xb8;
	[tilespmem:$0x18080] =	vst v63  }
0x78: {  	s17 =	simm.s32 $0x9080;
	v3 =	vadd.s32 v1, v3  }
0x79: {  	[tilespmem:s17], [sflag:$0x1] =	stream.indirect_vreg.gather [hbm4b:s5+s3], $0x80, v4, vm0, $0xb8;
	[tilespmem:$0x18080] =	vst v63  }
0x7a: {  	s18 =	simm.s32 $0x9880  }
0x7b: {  	[tilespmem:s18], [sflag:$0x1] =	stream.indirect_vreg.gather [hbm4b:s6+s3], $0x80, v4, vm0, $0xb8;
	[tilespmem:$0x18080] =	vst v63  }
0x7c: {  	s19 =	simm.s32 $0xA080  }
0x7d: {  	[tilespmem:s19], [sflag:$0x1] =	stream.indirect_vreg.gather [hbm4b:s1+s3], $0x80, v3, vm0, $0xb8;
	[tilespmem:$0x18080] =	vst v63  }
0x7e: {  	s20 =	simm.s32 $0xA880  }
0x7f: {  	[tilespmem:s20], [sflag:$0x1] =	stream.indirect_vreg.gather [hbm4b:s4+s3], $0x80, v3, vm0, $0xb8;
	[tilespmem:$0x18080] =	vst v63  }
0x80: {  	s21 =	simm.s32 $0xB080  }
0x81: {  	[tilespmem:s21], [sflag:$0x1] =	stream.indirect_vreg.gather [hbm4b:s5+s3], $0x80, v3, vm0, $0xb8;
	[tilespmem:$0x18080] =	vst v63  }
0x82: {  	s24 =	simm.s32 $0xB880  }
0x83: {  	[tilespmem:s24], [sflag:$0x1] =	stream.indirect_vreg.gather [hbm4b:s6+s3], $0x80, v3, vm0, $0xb8;
	[tilespmem:$0x18080] =	vst v63  }
0x84: {  	_ =	swait.ge [sflag:s10], $0xC000  }
0x85: {  	[sflag:s10] =	ssyncset.done $0x0  }
0x86: {  	s2 =	simm.s32 $0x80;
	s25 =	rddreg [dreg:$0x5];
	[sflag:s10] =	ssyncadd.s32 $0xFFFF4000  }
0x87: {  	[hbm4b:s25+s3] =	stream.linear.scatter [tilespmem:s2], [sflag:$0x2], $0xC000, $0x38;
	[tilespmem:$0x18080] =	vst v63  }
0x88: {  	s14 =	rddreg [dreg:$0x6]  }
0x89: {  	[tilespmem:s3], [sflag:$0x3] =	stream.linear.gather [hbm4b:s14+s3], $0x30, $0x38;
	[tilespmem:$0x18080] =	vst v63  }
0x8a: {  	_ =	swait.ge [sflag:s8], $0x30  }
0x8b: {  	[sflag:s8] =	ssyncset.done $0x0  }
0x8c: {  	[sflag:s8] =	ssyncadd.s32 $0xFFFFFFD0  }
0x8d: {  	v3 =	vld [tilespmem:$0x0];
	_ =	sdelay $0x4  }
0x8e: {  	v22 =	vshll.u32 v3, $0x3  }
0x8f: {  	v3 =	vand.u32 $0x7, v3;
	v4 =	vand.u32 $0xFFFFFFC0, v22  }
0x90: {  	v3 =	vor.u32 v3, v4  }
0x91: {  	v4 =	vperm.xlane v3, v0;
	_ =	sdelay $0x1  }
0x92: {  	v4 =	vadd.s32 v1, v4;
	_ =	sdelay $0x3  }
0x93: {  	s26 =	simm.s32 $0xC080  }
0x94: {  	[tilespmem:s26], [sflag:$0x1] =	stream.indirect_vreg.gather [hbm4b:s1+s3], $0x80, v4, vm0, $0xb8;
	[tilespmem:$0x18080] =	vst v63  }
0x95: {  	s28 =	simm.s32 $0xC880;
	v3 =	vperm.xlane v3, v2  }
0x96: {  	[tilespmem:s28], [sflag:$0x1] =	stream.indirect_vreg.gather [hbm4b:s4+s3], $0x80, v4, vm0, $0xb8;
	[tilespmem:$0x18080] =	vst v63  }
0x97: {  	s29 =	simm.s32 $0xD080;
	v3 =	vadd.s32 v1, v3  }
0x98: {  	[tilespmem:s29], [sflag:$0x1] =	stream.indirect_vreg.gather [hbm4b:s5+s3], $0x80, v4, vm0, $0xb8;
	[tilespmem:$0x18080] =	vst v63  }
0x99: {  	s30 =	simm.s32 $0xD880  }
0x9a: {  	[tilespmem:s30], [sflag:$0x1] =	stream.indirect_vreg.gather [hbm4b:s6+s3], $0x80, v4, vm0, $0xb8;
	[tilespmem:$0x18080] =	vst v63  }
0x9b: {  	s31 =	simm.s32 $0xE080  }
0x9c: {  	[tilespmem:s31], [sflag:$0x1] =	stream.indirect_vreg.gather [hbm4b:s1+s3], $0x80, v3, vm0, $0xb8;
	[tilespmem:$0x18080] =	vst v63  }
0x9d: {  	s7 =	simm.s32 $0xE880  }
0x9e: {  	[tilespmem:s7], [sflag:$0x1] =	stream.indirect_vreg.gather [hbm4b:s4+s3], $0x80, v3, vm0, $0xb8;
	[tilespmem:$0x18080] =	vst v63  }
0x9f: {  	s9 =	simm.s32 $0xF080  }
0xa0: {  	[tilespmem:s9], [sflag:$0x1] =	stream.indirect_vreg.gather [hbm4b:s5+s3], $0x80, v3, vm0, $0xb8;
	[tilespmem:$0x18080] =	vst v63  }
0xa1: {  	s11 =	simm.s32 $0xF880  }
0xa2: {  	[tilespmem:s11], [sflag:$0x1] =	stream.indirect_vreg.gather [hbm4b:s6+s3], $0x80, v3, vm0, $0xb8;
	[tilespmem:$0x18080] =	vst v63  }
0xa3: {  	v3 =	vld [tilespmem:$0x10];
	_ =	sdelay $0x4  }
0xa4: {  	v23 =	vshll.u32 v3, $0x3  }
0xa5: {  	v3 =	vand.u32 $0x7, v3;
	v4 =	vand.u32 $0xFFFFFFC0, v23  }
0xa6: {  	v3 =	vor.u32 v3, v4  }
0xa7: {  	v4 =	vperm.xlane v3, v0;
	_ =	sdelay $0x1  }
0xa8: {  	v4 =	vadd.s32 v1, v4;
	_ =	sdelay $0x3  }
0xa9: {  	s13 =	simm.s32 $0x10080  }
0xaa: {  	[tilespmem:s13], [sflag:$0x1] =	stream.indirect_vreg.gather [hbm4b:s1+s3], $0x80, v4, vm0, $0xb8;
	[tilespmem:$0x18080] =	vst v63  }
0xab: {  	s14 =	simm.s32 $0x10880;
	v3 =	vperm.xlane v3, v2  }
0xac: {  	[tilespmem:s14], [sflag:$0x1] =	stream.indirect_vreg.gather [hbm4b:s4+s3], $0x80, v4, vm0, $0xb8;
	[tilespmem:$0x18080] =	vst v63  }
0xad: {  	s15 =	simm.s32 $0x11080;
	v3 =	vadd.s32 v1, v3  }
0xae: {  	[tilespmem:s15], [sflag:$0x1] =	stream.indirect_vreg.gather [hbm4b:s5+s3], $0x80, v4, vm0, $0xb8;
	[tilespmem:$0x18080] =	vst v63  }
0xaf: {  	s16 =	simm.s32 $0x11880  }
0xb0: {  	[tilespmem:s16], [sflag:$0x1] =	stream.indirect_vreg.gather [hbm4b:s6+s3], $0x80, v4, vm0, $0xb8;
	[tilespmem:$0x18080] =	vst v63  }
0xb1: {  	s17 =	simm.s32 $0x12080  }
0xb2: {  	[tilespmem:s17], [sflag:$0x1] =	stream.indirect_vreg.gather [hbm4b:s1+s3], $0x80, v3, vm0, $0xb8;
	[tilespmem:$0x18080] =	vst v63  }
0xb3: {  	s18 =	simm.s32 $0x12880  }
0xb4: {  	[tilespmem:s18], [sflag:$0x1] =	stream.indirect_vreg.gather [hbm4b:s4+s3], $0x80, v3, vm0, $0xb8;
	[tilespmem:$0x18080] =	vst v63  }
0xb5: {  	s19 =	simm.s32 $0x13080  }
0xb6: {  	[tilespmem:s19], [sflag:$0x1] =	stream.indirect_vreg.gather [hbm4b:s5+s3], $0x80, v3, vm0, $0xb8;
	[tilespmem:$0x18080] =	vst v63  }
0xb7: {  	s20 =	simm.s32 $0x13880  }
0xb8: {  	[tilespmem:s20], [sflag:$0x1] =	stream.indirect_vreg.gather [hbm4b:s6+s3], $0x80, v3, vm0, $0xb8;
	[tilespmem:$0x18080] =	vst v63  }
0xb9: {  	v3 =	vld [tilespmem:$0x20];
	_ =	sdelay $0x4  }
0xba: {  	v24 =	vshll.u32 v3, $0x3  }
0xbb: {  	v3 =	vand.u32 $0x7, v3;
	v4 =	vand.u32 $0xFFFFFFC0, v24  }
0xbc: {  	v3 =	vor.u32 v3, v4  }
0xbd: {  	v4 =	vperm.xlane v3, v0;
	_ =	sdelay $0x1  }
0xbe: {  	v4 =	vadd.s32 v1, v4;
	_ =	sdelay $0x3  }
0xbf: {  	s21 =	simm.s32 $0x14080  }
0xc0: {  	[tilespmem:s21], [sflag:$0x1] =	stream.indirect_vreg.gather [hbm4b:s1+s3], $0x80, v4, vm0, $0xb8;
	[tilespmem:$0x18080] =	vst v63  }
0xc1: {  	s24 =	simm.s32 $0x14880;
	v3 =	vperm.xlane v3, v2  }
0xc2: {  	[tilespmem:s24], [sflag:$0x1] =	stream.indirect_vreg.gather [hbm4b:s4+s3], $0x80, v4, vm0, $0xb8;
	[tilespmem:$0x18080] =	vst v63  }
0xc3: {  	s25 =	simm.s32 $0x15080;
	v3 =	vadd.s32 v1, v3  }
0xc4: {  	[tilespmem:s25], [sflag:$0x1] =	stream.indirect_vreg.gather [hbm4b:s5+s3], $0x80, v4, vm0, $0xb8;
	[tilespmem:$0x18080] =	vst v63  }
0xc5: {  	s26 =	simm.s32 $0x15880  }
0xc6: {  	[tilespmem:s26], [sflag:$0x1] =	stream.indirect_vreg.gather [hbm4b:s6+s3], $0x80, v4, vm0, $0xb8;
	[tilespmem:$0x18080] =	vst v63  }
0xc7: {  	s28 =	simm.s32 $0x16080  }
0xc8: {  	[tilespmem:s28], [sflag:$0x1] =	stream.indirect_vreg.gather [hbm4b:s1+s3], $0x80, v3, vm0, $0xb8;
	[tilespmem:$0x18080] =	vst v63  }
0xc9: {  	s29 =	simm.s32 $0x16880  }
0xca: {  	[tilespmem:s29], [sflag:$0x1] =	stream.indirect_vreg.gather [hbm4b:s4+s3], $0x80, v3, vm0, $0xb8;
	[tilespmem:$0x18080] =	vst v63  }
0xcb: {  	s30 =	simm.s32 $0x17080  }
0xcc: {  	[tilespmem:s30], [sflag:$0x1] =	stream.indirect_vreg.gather [hbm4b:s5+s3], $0x80, v3, vm0, $0xb8;
	[tilespmem:$0x18080] =	vst v63  }
0xcd: {  	s31 =	simm.s32 $0x17880  }
0xce: {  	[tilespmem:s31], [sflag:$0x1] =	stream.indirect_vreg.gather [hbm4b:s6+s3], $0x80, v3, vm0, $0xb8;
	[tilespmem:$0x18080] =	vst v63  }
0xcf: {  	_ =	swait.ge [sflag:s10], $0xC000  }
0xd0: {  	[sflag:s10] =	ssyncset.done $0x0  }
0xd1: {  	s2 =	simm.s32 $0xC080;
	s0 =	rddreg [dreg:$0x7];
	[sflag:s10] =	ssyncadd.s32 $0xFFFF4000  }
0xd2: {  	[hbm4b:s0+s3] =	stream.linear.scatter [tilespmem:s2], [sflag:$0x2], $0xC000, $0x38;
	[tilespmem:$0x18080] =	vst v63  }
0xd3: {  	_ =	swait.ge [sflag:s12], $0xC000  }
0xd4: {  	[sflag:s12] =	ssyncset.done $0x0  }
0xd5: {  	s7 =	rddreg [dreg:$0x8];
	[sflag:s12] =	ssyncadd.s32 $0xFFFF4000  }
0xd6: {  	[tilespmem:s3], [sflag:$0x3] =	stream.linear.gather [hbm4b:s7+s3], $0x30, $0x38;
	[tilespmem:$0x18080] =	vst v63  }
0xd7: {  	_ =	swait.ge [sflag:s8], $0x30  }
0xd8: {  	[sflag:s8] =	ssyncset.done $0x0  }
0xd9: {  	[sflag:s8] =	ssyncadd.s32 $0xFFFFFFD0  }
0xda: {  	v3 =	vld [tilespmem:$0x0];
	_ =	sdelay $0x4  }
0xdb: {  	v25 =	vshll.u32 v3, $0x3  }
0xdc: {  	v3 =	vand.u32 $0x7, v3;
	v4 =	vand.u32 $0xFFFFFFC0, v25  }
0xdd: {  	v3 =	vor.u32 v3, v4  }
0xde: {  	v4 =	vperm.xlane v3, v0;
	_ =	sdelay $0x1  }
0xdf: {  	v4 =	vadd.s32 v1, v4;
	_ =	sdelay $0x3  }
0xe0: {  	s14 =	simm.s32 $0x80  }
0xe1: {  	[tilespmem:s14], [sflag:$0x1] =	stream.indirect_vreg.gather [hbm4b:s1+s3], $0x80, v4, vm0, $0xb8;
	[tilespmem:$0x18080] =	vst v63  }
0xe2: {  	s28 =	simm.s32 $0x880;
	v3 =	vperm.xlane v3, v2  }
0xe3: {  	[tilespmem:s28], [sflag:$0x1] =	stream.indirect_vreg.gather [hbm4b:s4+s3], $0x80, v4, vm0, $0xb8;
	[tilespmem:$0x18080] =	vst v63  }
0xe4: {  	s11 =	simm.s32 $0x1080;
	v3 =	vadd.s32 v1, v3  }
0xe5: {  	[tilespmem:s11], [sflag:$0x1] =	stream.indirect_vreg.gather [hbm4b:s5+s3], $0x80, v4, vm0, $0xb8;
	[tilespmem:$0x18080] =	vst v63  }
0xe6: {  	s2 =	simm.s32 $0x1880  }
0xe7: {  	[tilespmem:s2], [sflag:$0x1] =	stream.indirect_vreg.gather [hbm4b:s6+s3], $0x80, v4, vm0, $0xb8;
	[tilespmem:$0x18080] =	vst v63  }
0xe8: {  	s7 =	simm.s32 $0x2080  }
0xe9: {  	[tilespmem:s7], [sflag:$0x1] =	stream.indirect_vreg.gather [hbm4b:s1+s3], $0x80, v3, vm0, $0xb8;
	[tilespmem:$0x18080] =	vst v63  }
0xea: {  	s15 =	simm.s32 $0x2880  }
0xeb: {  	[tilespmem:s15], [sflag:$0x1] =	stream.indirect_vreg.gather [hbm4b:s4+s3], $0x80, v3, vm0, $0xb8;
	[tilespmem:$0x18080] =	vst v63  }
0xec: {  	s16 =	simm.s32 $0x3080  }
0xed: {  	[tilespmem:s16], [sflag:$0x1] =	stream.indirect_vreg.gather [hbm4b:s5+s3], $0x80, v3, vm0, $0xb8;
	[tilespmem:$0x18080] =	vst v63  }
0xee: {  	s29 =	simm.s32 $0x3880  }
0xef: {  	[tilespmem:s29], [sflag:$0x1] =	stream.indirect_vreg.gather [hbm4b:s6+s3], $0x80, v3, vm0, $0xb8;
	[tilespmem:$0x18080] =	vst v63  }
0xf0: {  	v3 =	vld [tilespmem:$0x10];
	_ =	sdelay $0x4  }
0xf1: {  	v26 =	vshll.u32 v3, $0x3  }
0xf2: {  	v3 =	vand.u32 $0x7, v3;
	v4 =	vand.u32 $0xFFFFFFC0, v26  }
0xf3: {  	v3 =	vor.u32 v3, v4  }
0xf4: {  	v4 =	vperm.xlane v3, v0;
	_ =	sdelay $0x1  }
0xf5: {  	v4 =	vadd.s32 v1, v4;
	_ =	sdelay $0x3  }
0xf6: {  	s30 =	simm.s32 $0x4080  }
0xf7: {  	[tilespmem:s30], [sflag:$0x1] =	stream.indirect_vreg.gather [hbm4b:s1+s3], $0x80, v4, vm0, $0xb8;
	[tilespmem:$0x18080] =	vst v63  }
0xf8: {  	s31 =	simm.s32 $0x4880;
	v3 =	vperm.xlane v3, v2  }
0xf9: {  	[tilespmem:s31], [sflag:$0x1] =	stream.indirect_vreg.gather [hbm4b:s4+s3], $0x80, v4, vm0, $0xb8;
	[tilespmem:$0x18080] =	vst v63  }
0xfa: {  	s17 =	simm.s32 $0x5080;
	v3 =	vadd.s32 v1, v3  }
0xfb: {  	[tilespmem:s17], [sflag:$0x1] =	stream.indirect_vreg.gather [hbm4b:s5+s3], $0x80, v4, vm0, $0xb8;
	[tilespmem:$0x18080] =	vst v63  }
0xfc: {  	s18 =	simm.s32 $0x5880  }
0xfd: {  	[tilespmem:s18], [sflag:$0x1] =	stream.indirect_vreg.gather [hbm4b:s6+s3], $0x80, v4, vm0, $0xb8;
	[tilespmem:$0x18080] =	vst v63  }
0xfe: {  	s19 =	simm.s32 $0x6080  }
0xff: {  	[tilespmem:s19], [sflag:$0x1] =	stream.indirect_vreg.gather [hbm4b:s1+s3], $0x80, v3, vm0, $0xb8;
	[tilespmem:$0x18080] =	vst v63  }
0x100: {  	s20 =	simm.s32 $0x6880  }
0x101: {  	[tilespmem:s20], [sflag:$0x1] =	stream.indirect_vreg.gather [hbm4b:s4+s3], $0x80, v3, vm0, $0xb8;
	[tilespmem:$0x18080] =	vst v63  }
0x102: {  	s21 =	simm.s32 $0x7080  }
0x103: {  	[tilespmem:s21], [sflag:$0x1] =	stream.indirect_vreg.gather [hbm4b:s5+s3], $0x80, v3, vm0, $0xb8;
	[tilespmem:$0x18080] =	vst v63  }
0x104: {  	s11 =	simm.s32 $0x7880  }
0x105: {  	[tilespmem:s11], [sflag:$0x1] =	stream.indirect_vreg.gather [hbm4b:s6+s3], $0x80, v3, vm0, $0xb8;
	[tilespmem:$0x18080] =	vst v63  }
0x106: {  	v3 =	vld [tilespmem:$0x20];
	_ =	sdelay $0x4  }
0x107: {  	v27 =	vshll.u32 v3, $0x3  }
0x108: {  	v3 =	vand.u32 $0x7, v3;
	v4 =	vand.u32 $0xFFFFFFC0, v27  }
0x109: {  	v3 =	vor.u32 v3, v4  }
0x10a: {  	v4 =	vperm.xlane v3, v0;
	_ =	sdelay $0x1  }
0x10b: {  	v4 =	vadd.s32 v1, v4;
	_ =	sdelay $0x3  }
0x10c: {  	s22 =	simm.s32 $0x8080  }
0x10d: {  	[tilespmem:s22], [sflag:$0x1] =	stream.indirect_vreg.gather [hbm4b:s1+s3], $0x80, v4, vm0, $0xb8;
	[tilespmem:$0x18080] =	vst v63  }
0x10e: {  	s23 =	simm.s32 $0x8880;
	v3 =	vperm.xlane v3, v2  }
0x10f: {  	[tilespmem:s23], [sflag:$0x1] =	stream.indirect_vreg.gather [hbm4b:s4+s3], $0x80, v4, vm0, $0xb8;
	[tilespmem:$0x18080] =	vst v63  }
0x110: {  	v3 =	vadd.s32 v1, v3;
	s22 =	simm.s32 $0x9080  }
0x111: {  	[tilespmem:s22], [sflag:$0x1] =	stream.indirect_vreg.gather [hbm4b:s5+s3], $0x80, v4, vm0, $0xb8;
	[tilespmem:$0x18080] =	vst v63  }
0x112: {  	s23 =	simm.s32 $0x9880  }
0x113: {  	[tilespmem:s23], [sflag:$0x1] =	stream.indirect_vreg.gather [hbm4b:s6+s3], $0x80, v4, vm0, $0xb8;
	[tilespmem:$0x18080] =	vst v63  }
0x114: {  	s24 =	simm.s32 $0xA080  }
0x115: {  	[tilespmem:s24], [sflag:$0x1] =	stream.indirect_vreg.gather [hbm4b:s1+s3], $0x80, v3, vm0, $0xb8;
	[tilespmem:$0x18080] =	vst v63  }
0x116: {  	s25 =	simm.s32 $0xA880  }
0x117: {  	[tilespmem:s25], [sflag:$0x1] =	stream.indirect_vreg.gather [hbm4b:s4+s3], $0x80, v3, vm0, $0xb8;
	[tilespmem:$0x18080] =	vst v63  }
0x118: {  	s26 =	simm.s32 $0xB080  }
0x119: {  	[tilespmem:s26], [sflag:$0x1] =	stream.indirect_vreg.gather [hbm4b:s5+s3], $0x80, v3, vm0, $0xb8;
	[tilespmem:$0x18080] =	vst v63  }
0x11a: {  	s13 =	simm.s32 $0xB880  }
0x11b: {  	[tilespmem:s13], [sflag:$0x1] =	stream.indirect_vreg.gather [hbm4b:s6+s3], $0x80, v3, vm0, $0xb8;
	[tilespmem:$0x18080] =	vst v63  }
0x11c: {  	_ =	swait.ge [sflag:s10], $0xC000  }
0x11d: {  	[sflag:s10] =	ssyncset.done $0x0  }
0x11e: {  	s0 =	rddreg [dreg:$0x9];
	[sflag:s10] =	ssyncadd.s32 $0xFFFF4000  }
0x11f: {  	[hbm4b:s0+s3] =	stream.linear.scatter [tilespmem:s14], [sflag:$0x2], $0xC000, $0x38;
	[tilespmem:$0x18080] =	vst v63  }
0x120: {  	_ =	swait.ge [sflag:s12], $0xC000  }
0x121: {  	[sflag:s12] =	ssyncset.done $0x0  }
0x122: {  	s0 =	rddreg [dreg:$0xa];
	[sflag:s12] =	ssyncadd.s32 $0xFFFF4000  }
0x123: {  	[tilespmem:s3], [sflag:$0x3] =	stream.linear.gather [hbm4b:s0+s3], $0x30, $0x38;
	[tilespmem:$0x18080] =	vst v63  }
0x124: {  	_ =	swait.ge [sflag:s8], $0x30  }
0x125: {  	[sflag:s8] =	ssyncset.done $0x0  }
0x126: {  	[sflag:s8] =	ssyncadd.s32 $0xFFFFFFD0  }
0x127: {  	v3 =	vld [tilespmem:$0x0];
	_ =	sdelay $0x4  }
0x128: {  	v28 =	vshll.u32 v3, $0x3  }
0x129: {  	v3 =	vand.u32 $0x7, v3;
	v4 =	vand.u32 $0xFFFFFFC0, v28  }
0x12a: {  	v3 =	vor.u32 v3, v4  }
0x12b: {  	v4 =	vperm.xlane v3, v0;
	_ =	sdelay $0x1  }
0x12c: {  	v4 =	vadd.s32 v1, v4;
	_ =	sdelay $0x3  }
0x12d: {  	s9 =	simm.s32 $0xC080  }
0x12e: {  	[tilespmem:s9], [sflag:$0x1] =	stream.indirect_vreg.gather [hbm4b:s1+s3], $0x80, v4, vm0, $0xb8;
	[tilespmem:$0x18080] =	vst v63  }
0x12f: {  	s14 =	simm.s32 $0xC880;
	v3 =	vperm.xlane v3, v2  }
0x130: {  	[tilespmem:s14], [sflag:$0x1] =	stream.indirect_vreg.gather [hbm4b:s4+s3], $0x80, v4, vm0, $0xb8;
	[tilespmem:$0x18080] =	vst v63  }
0x131: {  	v3 =	vadd.s32 v1, v3;
	s9 =	simm.s32 $0xD080  }
0x132: {  	[tilespmem:s9], [sflag:$0x1] =	stream.indirect_vreg.gather [hbm4b:s5+s3], $0x80, v4, vm0, $0xb8;
	[tilespmem:$0x18080] =	vst v63  }
0x133: {  	s14 =	simm.s32 $0xD880  }
0x134: {  	[tilespmem:s14], [sflag:$0x1] =	stream.indirect_vreg.gather [hbm4b:s6+s3], $0x80, v4, vm0, $0xb8;
	[tilespmem:$0x18080] =	vst v63  }
0x135: {  	s13 =	simm.s32 $0xE080  }
0x136: {  	[tilespmem:s13], [sflag:$0x1] =	stream.indirect_vreg.gather [hbm4b:s1+s3], $0x80, v3, vm0, $0xb8;
	[tilespmem:$0x18080] =	vst v63  }
0x137: {  	s13 =	simm.s32 $0xE880  }
0x138: {  	[tilespmem:s13], [sflag:$0x1] =	stream.indirect_vreg.gather [hbm4b:s4+s3], $0x80, v3, vm0, $0xb8;
	[tilespmem:$0x18080] =	vst v63  }
0x139: {  	s13 =	simm.s32 $0xF080  }
0x13a: {  	[tilespmem:s13], [sflag:$0x1] =	stream.indirect_vreg.gather [hbm4b:s5+s3], $0x80, v3, vm0, $0xb8;
	[tilespmem:$0x18080] =	vst v63  }
0x13b: {  	s13 =	simm.s32 $0xF880  }
0x13c: {  	[tilespmem:s13], [sflag:$0x1] =	stream.indirect_vreg.gather [hbm4b:s6+s3], $0x80, v3, vm0, $0xb8;
	[tilespmem:$0x18080] =	vst v63  }
0x13d: {  	v3 =	vld [tilespmem:$0x10];
	_ =	sdelay $0x4  }
0x13e: {  	v29 =	vshll.u32 v3, $0x3  }
0x13f: {  	v3 =	vand.u32 $0x7, v3;
	v4 =	vand.u32 $0xFFFFFFC0, v29  }
0x140: {  	v3 =	vor.u32 v3, v4  }
0x141: {  	v4 =	vperm.xlane v3, v0;
	_ =	sdelay $0x1  }
0x142: {  	v4 =	vadd.s32 v1, v4;
	_ =	sdelay $0x3  }
0x143: {  	s13 =	simm.s32 $0x10080  }
0x144: {  	[tilespmem:s13], [sflag:$0x1] =	stream.indirect_vreg.gather [hbm4b:s1+s3], $0x80, v4, vm0, $0xb8;
	[tilespmem:$0x18080] =	vst v63  }
0x145: {  	v3 =	vperm.xlane v3, v2;
	s13 =	simm.s32 $0x10880  }
0x146: {  	[tilespmem:s13], [sflag:$0x1] =	stream.indirect_vreg.gather [hbm4b:s4+s3], $0x80, v4, vm0, $0xb8;
	[tilespmem:$0x18080] =	vst v63  }
0x147: {  	v3 =	vadd.s32 v1, v3;
	s13 =	simm.s32 $0x11080  }
0x148: {  	[tilespmem:s13], [sflag:$0x1] =	stream.indirect_vreg.gather [hbm4b:s5+s3], $0x80, v4, vm0, $0xb8;
	[tilespmem:$0x18080] =	vst v63  }
0x149: {  	s13 =	simm.s32 $0x11880  }
0x14a: {  	[tilespmem:s13], [sflag:$0x1] =	stream.indirect_vreg.gather [hbm4b:s6+s3], $0x80, v4, vm0, $0xb8;
	[tilespmem:$0x18080] =	vst v63  }
0x14b: {  	s13 =	simm.s32 $0x12080  }
0x14c: {  	[tilespmem:s13], [sflag:$0x1] =	stream.indirect_vreg.gather [hbm4b:s1+s3], $0x80, v3, vm0, $0xb8;
	[tilespmem:$0x18080] =	vst v63  }
0x14d: {  	s13 =	simm.s32 $0x12880  }
0x14e: {  	[tilespmem:s13], [sflag:$0x1] =	stream.indirect_vreg.gather [hbm4b:s4+s3], $0x80, v3, vm0, $0xb8;
	[tilespmem:$0x18080] =	vst v63  }
0x14f: {  	s13 =	simm.s32 $0x13080  }
0x150: {  	[tilespmem:s13], [sflag:$0x1] =	stream.indirect_vreg.gather [hbm4b:s5+s3], $0x80, v3, vm0, $0xb8;
	[tilespmem:$0x18080] =	vst v63  }
0x151: {  	s13 =	simm.s32 $0x13880  }
0x152: {  	[tilespmem:s13], [sflag:$0x1] =	stream.indirect_vreg.gather [hbm4b:s6+s3], $0x80, v3, vm0, $0xb8;
	[tilespmem:$0x18080] =	vst v63  }
0x153: {  	v3 =	vld [tilespmem:$0x20];
	_ =	sdelay $0x4  }
0x154: {  	v30 =	vshll.u32 v3, $0x3  }
0x155: {  	v3 =	vand.u32 $0x7, v3;
	v4 =	vand.u32 $0xFFFFFFC0, v30  }
0x156: {  	v3 =	vor.u32 v3, v4  }
0x157: {  	v4 =	vperm.xlane v3, v0;
	_ =	sdelay $0x1  }
0x158: {  	v4 =	vadd.s32 v1, v4;
	_ =	sdelay $0x3  }
0x159: {  	s13 =	simm.s32 $0x14080  }
0x15a: {  	[tilespmem:s13], [sflag:$0x1] =	stream.indirect_vreg.gather [hbm4b:s1+s3], $0x80, v4, vm0, $0xb8;
	[tilespmem:$0x18080] =	vst v63  }
0x15b: {  	v3 =	vperm.xlane v3, v2;
	s13 =	simm.s32 $0x14880  }
0x15c: {  	[tilespmem:s13], [sflag:$0x1] =	stream.indirect_vreg.gather [hbm4b:s4+s3], $0x80, v4, vm0, $0xb8;
	[tilespmem:$0x18080] =	vst v63  }
0x15d: {  	v3 =	vadd.s32 v1, v3;
	s13 =	simm.s32 $0x15080  }
0x15e: {  	[tilespmem:s13], [sflag:$0x1] =	stream.indirect_vreg.gather [hbm4b:s5+s3], $0x80, v4, vm0, $0xb8;
	[tilespmem:$0x18080] =	vst v63  }
0x15f: {  	s13 =	simm.s32 $0x15880  }
0x160: {  	[tilespmem:s13], [sflag:$0x1] =	stream.indirect_vreg.gather [hbm4b:s6+s3], $0x80, v4, vm0, $0xb8;
	[tilespmem:$0x18080] =	vst v63  }
0x161: {  	s13 =	simm.s32 $0x16080  }
0x162: {  	[tilespmem:s13], [sflag:$0x1] =	stream.indirect_vreg.gather [hbm4b:s1+s3], $0x80, v3, vm0, $0xb8;
	[tilespmem:$0x18080] =	vst v63  }
0x163: {  	s13 =	simm.s32 $0x16880  }
0x164: {  	[tilespmem:s13], [sflag:$0x1] =	stream.indirect_vreg.gather [hbm4b:s4+s3], $0x80, v3, vm0, $0xb8;
	[tilespmem:$0x18080] =	vst v63  }
0x165: {  	s13 =	simm.s32 $0x17080  }
0x166: {  	[tilespmem:s13], [sflag:$0x1] =	stream.indirect_vreg.gather [hbm4b:s5+s3], $0x80, v3, vm0, $0xb8;
	[tilespmem:$0x18080] =	vst v63  }
0x167: {  	s13 =	simm.s32 $0x17880  }
0x168: {  	[tilespmem:s13], [sflag:$0x1] =	stream.indirect_vreg.gather [hbm4b:s6+s3], $0x80, v3, vm0, $0xb8;
	[tilespmem:$0x18080] =	vst v63  }
0x169: {  	_ =	swait.ge [sflag:s10], $0xC000  }
0x16a: {  	[sflag:s10] =	ssyncset.done $0x0  }
0x16b: {  	s0 =	simm.s32 $0xC080;
	s13 =	rddreg [dreg:$0xb];
	[sflag:s10] =	ssyncadd.s32 $0xFFFF4000  }
0x16c: {  	[hbm4b:s13+s3] =	stream.linear.scatter [tilespmem:s0], [sflag:$0x2], $0xC000, $0x38;
	[tilespmem:$0x18080] =	vst v63  }
0x16d: {  	_ =	swait.ge [sflag:s12], $0xC000  }
0x16e: {  	[sflag:s12] =	ssyncset.done $0x0  }
0x16f: {  	s0 =	rddreg [dreg:$0xc];
	[sflag:s12] =	ssyncadd.s32 $0xFFFF4000  }
0x170: {  	[tilespmem:s3], [sflag:$0x3] =	stream.linear.gather [hbm4b:s0+s3], $0x30, $0x38;
	[tilespmem:$0x18080] =	vst v63  }
0x171: {  	_ =	swait.ge [sflag:s8], $0x30  }
0x172: {  	[sflag:s8] =	ssyncset.done $0x0  }
0x173: {  	[sflag:s8] =	ssyncadd.s32 $0xFFFFFFD0  }
0x174: {  	v3 =	vld [tilespmem:$0x0];
	_ =	sdelay $0x4  }
0x175: {  	v31 =	vshll.u32 v3, $0x3  }
0x176: {  	v3 =	vand.u32 $0x7, v3;
	v4 =	vand.u32 $0xFFFFFFC0, v31  }
0x177: {  	v3 =	vor.u32 v3, v4  }
0x178: {  	v4 =	vperm.xlane v3, v0;
	_ =	sdelay $0x1  }
0x179: {  	v4 =	vadd.s32 v1, v4;
	_ =	sdelay $0x3  }
0x17a: {  	s13 =	simm.s32 $0x80  }
0x17b: {  	[tilespmem:s13], [sflag:$0x1] =	stream.indirect_vreg.gather [hbm4b:s1+s3], $0x80, v4, vm0, $0xb8;
	[tilespmem:$0x18080] =	vst v63  }
0x17c: {  	v3 =	vperm.xlane v3, v2  }
0x17d: {  	[tilespmem:s28], [sflag:$0x1] =	stream.indirect_vreg.gather [hbm4b:s4+s3], $0x80, v4, vm0, $0xb8;
	[tilespmem:$0x18080] =	vst v63  }
0x17e: {  	v3 =	vadd.s32 v1, v3;
	s28 =	simm.s32 $0x1080  }
0x17f: {  	[tilespmem:s28], [sflag:$0x1] =	stream.indirect_vreg.gather [hbm4b:s5+s3], $0x80, v4, vm0, $0xb8;
	[tilespmem:$0x18080] =	vst v63  }
0x180: {  	_ = 	snop  }
0x181: {  	[tilespmem:s2], [sflag:$0x1] =	stream.indirect_vreg.gather [hbm4b:s6+s3], $0x80, v4, vm0, $0xb8;
	[tilespmem:$0x18080] =	vst v63  }
0x182: {  	_ = 	snop  }
0x183: {  	[tilespmem:s7], [sflag:$0x1] =	stream.indirect_vreg.gather [hbm4b:s1+s3], $0x80, v3, vm0, $0xb8;
	[tilespmem:$0x18080] =	vst v63  }
0x184: {  	_ = 	snop  }
0x185: {  	[tilespmem:s15], [sflag:$0x1] =	stream.indirect_vreg.gather [hbm4b:s4+s3], $0x80, v3, vm0, $0xb8;
	[tilespmem:$0x18080] =	vst v63  }
0x186: {  	_ = 	snop  }
0x187: {  	[tilespmem:s16], [sflag:$0x1] =	stream.indirect_vreg.gather [hbm4b:s5+s3], $0x80, v3, vm0, $0xb8;
	[tilespmem:$0x18080] =	vst v63  }
0x188: {  	_ = 	snop  }
0x189: {  	[tilespmem:s29], [sflag:$0x1] =	stream.indirect_vreg.gather [hbm4b:s6+s3], $0x80, v3, vm0, $0xb8;
	[tilespmem:$0x18080] =	vst v63  }
0x18a: {  	v3 =	vld [tilespmem:$0x10];
	_ =	sdelay $0x4  }
0x18b: {  	v32 =	vshll.u32 v3, $0x3  }
0x18c: {  	v3 =	vand.u32 $0x7, v3;
	v4 =	vand.u32 $0xFFFFFFC0, v32  }
0x18d: {  	v3 =	vor.u32 v3, v4  }
0x18e: {  	v4 =	vperm.xlane v3, v0;
	_ =	sdelay $0x1  }
0x18f: {  	v4 =	vadd.s32 v1, v4;
	_ =	sdelay $0x4  }
0x190: {  	[tilespmem:s30], [sflag:$0x1] =	stream.indirect_vreg.gather [hbm4b:s1+s3], $0x80, v4, vm0, $0xb8;
	[tilespmem:$0x18080] =	vst v63  }
0x191: {  	v3 =	vperm.xlane v3, v2  }
0x192: {  	[tilespmem:s31], [sflag:$0x1] =	stream.indirect_vreg.gather [hbm4b:s4+s3], $0x80, v4, vm0, $0xb8;
	[tilespmem:$0x18080] =	vst v63  }
0x193: {  	v3 =	vadd.s32 v1, v3  }
0x194: {  	[tilespmem:s17], [sflag:$0x1] =	stream.indirect_vreg.gather [hbm4b:s5+s3], $0x80, v4, vm0, $0xb8;
	[tilespmem:$0x18080] =	vst v63  }
0x195: {  	_ = 	snop  }
0x196: {  	[tilespmem:s18], [sflag:$0x1] =	stream.indirect_vreg.gather [hbm4b:s6+s3], $0x80, v4, vm0, $0xb8;
	[tilespmem:$0x18080] =	vst v63  }
0x197: {  	_ = 	snop  }
0x198: {  	[tilespmem:s19], [sflag:$0x1] =	stream.indirect_vreg.gather [hbm4b:s1+s3], $0x80, v3, vm0, $0xb8;
	[tilespmem:$0x18080] =	vst v63  }
0x199: {  	_ = 	snop  }
0x19a: {  	[tilespmem:s20], [sflag:$0x1] =	stream.indirect_vreg.gather [hbm4b:s4+s3], $0x80, v3, vm0, $0xb8;
	[tilespmem:$0x18080] =	vst v63  }
0x19b: {  	_ = 	snop  }
0x19c: {  	[tilespmem:s21], [sflag:$0x1] =	stream.indirect_vreg.gather [hbm4b:s5+s3], $0x80, v3, vm0, $0xb8;
	[tilespmem:$0x18080] =	vst v63  }
0x19d: {  	_ = 	snop  }
0x19e: {  	[tilespmem:s11], [sflag:$0x1] =	stream.indirect_vreg.gather [hbm4b:s6+s3], $0x80, v3, vm0, $0xb8;
	[tilespmem:$0x18080] =	vst v63  }
0x19f: {  	v3 =	vld [tilespmem:$0x20];
	_ =	sdelay $0x4  }
0x1a0: {  	v33 =	vshll.u32 v3, $0x3  }
0x1a1: {  	v3 =	vand.u32 $0x7, v3;
	v4 =	vand.u32 $0xFFFFFFC0, v33  }
0x1a2: {  	v3 =	vor.u32 v3, v4  }
0x1a3: {  	v4 =	vperm.xlane v3, v0;
	_ =	sdelay $0x1  }
0x1a4: {  	v4 =	vadd.s32 v1, v4;
	_ =	sdelay $0x3  }
0x1a5: {  	s7 =	simm.s32 $0x8080  }
0x1a6: {  	[tilespmem:s7], [sflag:$0x1] =	stream.indirect_vreg.gather [hbm4b:s1+s3], $0x80, v4, vm0, $0xb8;
	[tilespmem:$0x18080] =	vst v63  }
0x1a7: {  	s28 =	simm.s32 $0x8880;
	v3 =	vperm.xlane v3, v2  }
0x1a8: {  	[tilespmem:s28], [sflag:$0x1] =	stream.indirect_vreg.gather [hbm4b:s4+s3], $0x80, v4, vm0, $0xb8;
	[tilespmem:$0x18080] =	vst v63  }
0x1a9: {  	v3 =	vadd.s32 v1, v3  }
0x1aa: {  	[tilespmem:s22], [sflag:$0x1] =	stream.indirect_vreg.gather [hbm4b:s5+s3], $0x80, v4, vm0, $0xb8;
	[tilespmem:$0x18080] =	vst v63  }
0x1ab: {  	_ = 	snop  }
0x1ac: {  	[tilespmem:s23], [sflag:$0x1] =	stream.indirect_vreg.gather [hbm4b:s6+s3], $0x80, v4, vm0, $0xb8;
	[tilespmem:$0x18080] =	vst v63  }
0x1ad: {  	_ = 	snop  }
0x1ae: {  	[tilespmem:s24], [sflag:$0x1] =	stream.indirect_vreg.gather [hbm4b:s1+s3], $0x80, v3, vm0, $0xb8;
	[tilespmem:$0x18080] =	vst v63  }
0x1af: {  	_ = 	snop  }
0x1b0: {  	[tilespmem:s25], [sflag:$0x1] =	stream.indirect_vreg.gather [hbm4b:s4+s3], $0x80, v3, vm0, $0xb8;
	[tilespmem:$0x18080] =	vst v63  }
0x1b1: {  	_ = 	snop  }
0x1b2: {  	[tilespmem:s26], [sflag:$0x1] =	stream.indirect_vreg.gather [hbm4b:s5+s3], $0x80, v3, vm0, $0xb8;
	[tilespmem:$0x18080] =	vst v63  }
0x1b3: {  	s11 =	simm.s32 $0xB880  }
0x1b4: {  	[tilespmem:s11], [sflag:$0x1] =	stream.indirect_vreg.gather [hbm4b:s6+s3], $0x80, v3, vm0, $0xb8;
	[tilespmem:$0x18080] =	vst v63  }
0x1b5: {  	_ =	swait.ge [sflag:s10], $0xC000  }
0x1b6: {  	[sflag:s10] =	ssyncset.done $0x0  }
0x1b7: {  	s0 =	simm.s32 $0x80;
	s15 =	rddreg [dreg:$0xd];
	[sflag:s10] =	ssyncadd.s32 $0xFFFF4000  }
0x1b8: {  	[hbm4b:s15+s3] =	stream.linear.scatter [tilespmem:s0], [sflag:$0x2], $0xC000, $0x38;
	[tilespmem:$0x18080] =	vst v63  }
0x1b9: {  	_ =	swait.ge [sflag:s12], $0xC000  }
0x1ba: {  	[sflag:s12] =	ssyncset.done $0x0  }
0x1bb: {  	s0 =	rddreg [dreg:$0xe];
	[sflag:s12] =	ssyncadd.s32 $0xFFFF4000  }
0x1bc: {  	[tilespmem:s3], [sflag:$0x3] =	stream.linear.gather [hbm4b:s0+s3], $0x30, $0x38;
	[tilespmem:$0x18080] =	vst v63  }
0x1bd: {  	_ =	swait.ge [sflag:s8], $0x30  }
0x1be: {  	[sflag:s8] =	ssyncset.done $0x0  }
0x1bf: {  	[sflag:s8] =	ssyncadd.s32 $0xFFFFFFD0  }
0x1c0: {  	v3 =	vld [tilespmem:$0x0];
	_ =	sdelay $0x4  }
0x1c1: {  	v34 =	vshll.u32 v3, $0x3  }
0x1c2: {  	v3 =	vand.u32 $0x7, v3;
	v4 =	vand.u32 $0xFFFFFFC0, v34  }
0x1c3: {  	v3 =	vor.u32 v3, v4  }
0x1c4: {  	v4 =	vperm.xlane v3, v0;
	_ =	sdelay $0x1  }
0x1c5: {  	v4 =	vadd.s32 v1, v4;
	_ =	sdelay $0x3  }
0x1c6: {  	s15 =	simm.s32 $0xC080  }
0x1c7: {  	[tilespmem:s15], [sflag:$0x1] =	stream.indirect_vreg.gather [hbm4b:s1+s3], $0x80, v4, vm0, $0xb8;
	[tilespmem:$0x18080] =	vst v63  }
0x1c8: {  	v3 =	vperm.xlane v3, v2;
	s15 =	simm.s32 $0xC880  }
0x1c9: {  	[tilespmem:s15], [sflag:$0x1] =	stream.indirect_vreg.gather [hbm4b:s4+s3], $0x80, v4, vm0, $0xb8;
	[tilespmem:$0x18080] =	vst v63  }
0x1ca: {  	v3 =	vadd.s32 v1, v3  }
0x1cb: {  	[tilespmem:s9], [sflag:$0x1] =	stream.indirect_vreg.gather [hbm4b:s5+s3], $0x80, v4, vm0, $0xb8;
	[tilespmem:$0x18080] =	vst v63  }
0x1cc: {  	_ = 	snop  }
0x1cd: {  	[tilespmem:s14], [sflag:$0x1] =	stream.indirect_vreg.gather [hbm4b:s6+s3], $0x80, v4, vm0, $0xb8;
	[tilespmem:$0x18080] =	vst v63  }
0x1ce: {  	s13 =	simm.s32 $0xE080  }
0x1cf: {  	[tilespmem:s13], [sflag:$0x1] =	stream.indirect_vreg.gather [hbm4b:s1+s3], $0x80, v3, vm0, $0xb8;
	[tilespmem:$0x18080] =	vst v63  }
0x1d0: {  	s14 =	simm.s32 $0xE880  }
0x1d1: {  	[tilespmem:s14], [sflag:$0x1] =	stream.indirect_vreg.gather [hbm4b:s4+s3], $0x80, v3, vm0, $0xb8;
	[tilespmem:$0x18080] =	vst v63  }
0x1d2: {  	s13 =	simm.s32 $0xF080  }
0x1d3: {  	[tilespmem:s13], [sflag:$0x1] =	stream.indirect_vreg.gather [hbm4b:s5+s3], $0x80, v3, vm0, $0xb8;
	[tilespmem:$0x18080] =	vst v63  }
0x1d4: {  	s14 =	simm.s32 $0xF880  }
0x1d5: {  	[tilespmem:s14], [sflag:$0x1] =	stream.indirect_vreg.gather [hbm4b:s6+s3], $0x80, v3, vm0, $0xb8;
	[tilespmem:$0x18080] =	vst v63  }
0x1d6: {  	v3 =	vld [tilespmem:$0x10];
	_ =	sdelay $0x4  }
0x1d7: {  	v35 =	vshll.u32 v3, $0x3  }
0x1d8: {  	v3 =	vand.u32 $0x7, v3;
	v4 =	vand.u32 $0xFFFFFFC0, v35  }
0x1d9: {  	v3 =	vor.u32 v3, v4  }
0x1da: {  	v4 =	vperm.xlane v3, v0;
	_ =	sdelay $0x1  }
0x1db: {  	v4 =	vadd.s32 v1, v4;
	_ =	sdelay $0x3  }
0x1dc: {  	s13 =	simm.s32 $0x10080  }
0x1dd: {  	[tilespmem:s13], [sflag:$0x1] =	stream.indirect_vreg.gather [hbm4b:s1+s3], $0x80, v4, vm0, $0xb8;
	[tilespmem:$0x18080] =	vst v63  }
0x1de: {  	s14 =	simm.s32 $0x10880;
	v3 =	vperm.xlane v3, v2  }
0x1df: {  	[tilespmem:s14], [sflag:$0x1] =	stream.indirect_vreg.gather [hbm4b:s4+s3], $0x80, v4, vm0, $0xb8;
	[tilespmem:$0x18080] =	vst v63  }
0x1e0: {  	v3 =	vadd.s32 v1, v3;
	s13 =	simm.s32 $0x11080  }
0x1e1: {  	[tilespmem:s13], [sflag:$0x1] =	stream.indirect_vreg.gather [hbm4b:s5+s3], $0x80, v4, vm0, $0xb8;
	[tilespmem:$0x18080] =	vst v63  }
0x1e2: {  	s14 =	simm.s32 $0x11880  }
0x1e3: {  	[tilespmem:s14], [sflag:$0x1] =	stream.indirect_vreg.gather [hbm4b:s6+s3], $0x80, v4, vm0, $0xb8;
	[tilespmem:$0x18080] =	vst v63  }
0x1e4: {  	s13 =	simm.s32 $0x12080  }
0x1e5: {  	[tilespmem:s13], [sflag:$0x1] =	stream.indirect_vreg.gather [hbm4b:s1+s3], $0x80, v3, vm0, $0xb8;
	[tilespmem:$0x18080] =	vst v63  }
0x1e6: {  	s14 =	simm.s32 $0x12880  }
0x1e7: {  	[tilespmem:s14], [sflag:$0x1] =	stream.indirect_vreg.gather [hbm4b:s4+s3], $0x80, v3, vm0, $0xb8;
	[tilespmem:$0x18080] =	vst v63  }
0x1e8: {  	s13 =	simm.s32 $0x13080  }
0x1e9: {  	[tilespmem:s13], [sflag:$0x1] =	stream.indirect_vreg.gather [hbm4b:s5+s3], $0x80, v3, vm0, $0xb8;
	[tilespmem:$0x18080] =	vst v63  }
0x1ea: {  	s14 =	simm.s32 $0x13880  }
0x1eb: {  	[tilespmem:s14], [sflag:$0x1] =	stream.indirect_vreg.gather [hbm4b:s6+s3], $0x80, v3, vm0, $0xb8;
	[tilespmem:$0x18080] =	vst v63  }
0x1ec: {  	v3 =	vld [tilespmem:$0x20];
	_ =	sdelay $0x4  }
0x1ed: {  	v36 =	vshll.u32 v3, $0x3  }
0x1ee: {  	v3 =	vand.u32 $0x7, v3;
	v4 =	vand.u32 $0xFFFFFFC0, v36  }
0x1ef: {  	v3 =	vor.u32 v3, v4  }
0x1f0: {  	v4 =	vperm.xlane v3, v0;
	_ =	sdelay $0x1  }
0x1f1: {  	v4 =	vadd.s32 v1, v4;
	_ =	sdelay $0x3  }
0x1f2: {  	s13 =	simm.s32 $0x14080  }
0x1f3: {  	[tilespmem:s13], [sflag:$0x1] =	stream.indirect_vreg.gather [hbm4b:s1+s3], $0x80, v4, vm0, $0xb8;
	[tilespmem:$0x18080] =	vst v63  }
0x1f4: {  	s14 =	simm.s32 $0x14880;
	v3 =	vperm.xlane v3, v2  }
0x1f5: {  	[tilespmem:s14], [sflag:$0x1] =	stream.indirect_vreg.gather [hbm4b:s4+s3], $0x80, v4, vm0, $0xb8;
	[tilespmem:$0x18080] =	vst v63  }
0x1f6: {  	v3 =	vadd.s32 v1, v3;
	s13 =	simm.s32 $0x15080  }
0x1f7: {  	[tilespmem:s13], [sflag:$0x1] =	stream.indirect_vreg.gather [hbm4b:s5+s3], $0x80, v4, vm0, $0xb8;
	[tilespmem:$0x18080] =	vst v63  }
0x1f8: {  	s14 =	simm.s32 $0x15880  }
0x1f9: {  	[tilespmem:s14], [sflag:$0x1] =	stream.indirect_vreg.gather [hbm4b:s6+s3], $0x80, v4, vm0, $0xb8;
	[tilespmem:$0x18080] =	vst v63  }
0x1fa: {  	s13 =	simm.s32 $0x16080  }
0x1fb: {  	[tilespmem:s13], [sflag:$0x1] =	stream.indirect_vreg.gather [hbm4b:s1+s3], $0x80, v3, vm0, $0xb8;
	[tilespmem:$0x18080] =	vst v63  }
0x1fc: {  	s14 =	simm.s32 $0x16880  }
0x1fd: {  	[tilespmem:s14], [sflag:$0x1] =	stream.indirect_vreg.gather [hbm4b:s4+s3], $0x80, v3, vm0, $0xb8;
	[tilespmem:$0x18080] =	vst v63  }
0x1fe: {  	s13 =	simm.s32 $0x17080  }
0x1ff: {  	[tilespmem:s13], [sflag:$0x1] =	stream.indirect_vreg.gather [hbm4b:s5+s3], $0x80, v3, vm0, $0xb8;
	[tilespmem:$0x18080] =	vst v63  }
0x200: {  	s14 =	simm.s32 $0x17880  }
0x201: {  	[tilespmem:s14], [sflag:$0x1] =	stream.indirect_vreg.gather [hbm4b:s6+s3], $0x80, v3, vm0, $0xb8;
	[tilespmem:$0x18080] =	vst v63  }
0x202: {  	_ =	swait.ge [sflag:s10], $0xC000  }
0x203: {  	[sflag:s10] =	ssyncset.done $0x0  }
0x204: {  	s0 =	simm.s32 $0xC080;
	s9 =	rddreg [dreg:$0xf];
	[sflag:s10] =	ssyncadd.s32 $0xFFFF4000  }
0x205: {  	[hbm4b:s9+s3] =	stream.linear.scatter [tilespmem:s0], [sflag:$0x2], $0xC000, $0x38;
	[tilespmem:$0x18080] =	vst v63  }
0x206: {  	_ =	swait.ge [sflag:s12], $0xC000  }
0x207: {  	[sflag:s12] =	ssyncset.done $0x0  }
0x208: {  	s14 =	rddreg [dreg:$0x10];
	[sflag:s12] =	ssyncadd.s32 $0xFFFF4000  }
0x209: {  	[tilespmem:s3], [sflag:$0x3] =	stream.linear.gather [hbm4b:s14+s3], $0x30, $0x38;
	[tilespmem:$0x18080] =	vst v63  }
0x20a: {  	_ =	swait.ge [sflag:s8], $0x30  }
0x20b: {  	[sflag:s8] =	ssyncset.done $0x0  }
0x20c: {  	[sflag:s8] =	ssyncadd.s32 $0xFFFFFFD0  }
0x20d: {  	v3 =	vld [tilespmem:$0x0];
	_ =	sdelay $0x4  }
0x20e: {  	v37 =	vshll.u32 v3, $0x3  }
0x20f: {  	v3 =	vand.u32 $0x7, v3;
	v4 =	vand.u32 $0xFFFFFFC0, v37  }
0x210: {  	v3 =	vor.u32 v3, v4  }
0x211: {  	v4 =	vperm.xlane v3, v0;
	_ =	sdelay $0x1  }
0x212: {  	v4 =	vadd.s32 v1, v4;
	_ =	sdelay $0x3  }
0x213: {  	s2 =	simm.s32 $0x80  }
0x214: {  	[tilespmem:s2], [sflag:$0x1] =	stream.indirect_vreg.gather [hbm4b:s1+s3], $0x80, v4, vm0, $0xb8;
	[tilespmem:$0x18080] =	vst v63  }
0x215: {  	s9 =	simm.s32 $0x880;
	v3 =	vperm.xlane v3, v2  }
0x216: {  	[tilespmem:s9], [sflag:$0x1] =	stream.indirect_vreg.gather [hbm4b:s4+s3], $0x80, v4, vm0, $0xb8;
	[tilespmem:$0x18080] =	vst v63  }
0x217: {  	s14 =	simm.s32 $0x1080;
	v3 =	vadd.s32 v1, v3  }
0x218: {  	[tilespmem:s14], [sflag:$0x1] =	stream.indirect_vreg.gather [hbm4b:s5+s3], $0x80, v4, vm0, $0xb8;
	[tilespmem:$0x18080] =	vst v63  }
0x219: {  	s13 =	simm.s32 $0x1880  }
0x21a: {  	[tilespmem:s13], [sflag:$0x1] =	stream.indirect_vreg.gather [hbm4b:s6+s3], $0x80, v4, vm0, $0xb8;
	[tilespmem:$0x18080] =	vst v63  }
0x21b: {  	s13 =	simm.s32 $0x2080  }
0x21c: {  	[tilespmem:s13], [sflag:$0x1] =	stream.indirect_vreg.gather [hbm4b:s1+s3], $0x80, v3, vm0, $0xb8;
	[tilespmem:$0x18080] =	vst v63  }
0x21d: {  	s13 =	simm.s32 $0x2880  }
0x21e: {  	[tilespmem:s13], [sflag:$0x1] =	stream.indirect_vreg.gather [hbm4b:s4+s3], $0x80, v3, vm0, $0xb8;
	[tilespmem:$0x18080] =	vst v63  }
0x21f: {  	s16 =	simm.s32 $0x3080  }
0x220: {  	[tilespmem:s16], [sflag:$0x1] =	stream.indirect_vreg.gather [hbm4b:s5+s3], $0x80, v3, vm0, $0xb8;
	[tilespmem:$0x18080] =	vst v63  }
0x221: {  	s29 =	simm.s32 $0x3880  }
0x222: {  	[tilespmem:s29], [sflag:$0x1] =	stream.indirect_vreg.gather [hbm4b:s6+s3], $0x80, v3, vm0, $0xb8;
	[tilespmem:$0x18080] =	vst v63  }
0x223: {  	v3 =	vld [tilespmem:$0x10];
	_ =	sdelay $0x4  }
0x224: {  	v38 =	vshll.u32 v3, $0x3  }
0x225: {  	v3 =	vand.u32 $0x7, v3;
	v4 =	vand.u32 $0xFFFFFFC0, v38  }
0x226: {  	v3 =	vor.u32 v3, v4  }
0x227: {  	v4 =	vperm.xlane v3, v0;
	_ =	sdelay $0x1  }
0x228: {  	v4 =	vadd.s32 v1, v4;
	_ =	sdelay $0x3  }
0x229: {  	s30 =	simm.s32 $0x4080  }
0x22a: {  	[tilespmem:s30], [sflag:$0x1] =	stream.indirect_vreg.gather [hbm4b:s1+s3], $0x80, v4, vm0, $0xb8;
	[tilespmem:$0x18080] =	vst v63  }
0x22b: {  	s31 =	simm.s32 $0x4880;
	v3 =	vperm.xlane v3, v2  }
0x22c: {  	[tilespmem:s31], [sflag:$0x1] =	stream.indirect_vreg.gather [hbm4b:s4+s3], $0x80, v4, vm0, $0xb8;
	[tilespmem:$0x18080] =	vst v63  }
0x22d: {  	s17 =	simm.s32 $0x5080;
	v3 =	vadd.s32 v1, v3  }
0x22e: {  	[tilespmem:s17], [sflag:$0x1] =	stream.indirect_vreg.gather [hbm4b:s5+s3], $0x80, v4, vm0, $0xb8;
	[tilespmem:$0x18080] =	vst v63  }
0x22f: {  	s18 =	simm.s32 $0x5880  }
0x230: {  	[tilespmem:s18], [sflag:$0x1] =	stream.indirect_vreg.gather [hbm4b:s6+s3], $0x80, v4, vm0, $0xb8;
	[tilespmem:$0x18080] =	vst v63  }
0x231: {  	s19 =	simm.s32 $0x6080  }
0x232: {  	[tilespmem:s19], [sflag:$0x1] =	stream.indirect_vreg.gather [hbm4b:s1+s3], $0x80, v3, vm0, $0xb8;
	[tilespmem:$0x18080] =	vst v63  }
0x233: {  	s20 =	simm.s32 $0x6880  }
0x234: {  	[tilespmem:s20], [sflag:$0x1] =	stream.indirect_vreg.gather [hbm4b:s4+s3], $0x80, v3, vm0, $0xb8;
	[tilespmem:$0x18080] =	vst v63  }
0x235: {  	s21 =	simm.s32 $0x7080  }
0x236: {  	[tilespmem:s21], [sflag:$0x1] =	stream.indirect_vreg.gather [hbm4b:s5+s3], $0x80, v3, vm0, $0xb8;
	[tilespmem:$0x18080] =	vst v63  }
0x237: {  	s16 =	simm.s32 $0x7880  }
0x238: {  	[tilespmem:s16], [sflag:$0x1] =	stream.indirect_vreg.gather [hbm4b:s6+s3], $0x80, v3, vm0, $0xb8;
	[tilespmem:$0x18080] =	vst v63  }
0x239: {  	v3 =	vld [tilespmem:$0x20];
	_ =	sdelay $0x4  }
0x23a: {  	v39 =	vshll.u32 v3, $0x3  }
0x23b: {  	v3 =	vand.u32 $0x7, v3;
	v4 =	vand.u32 $0xFFFFFFC0, v39  }
0x23c: {  	v3 =	vor.u32 v3, v4  }
0x23d: {  	v4 =	vperm.xlane v3, v0;
	_ =	sdelay $0x1  }
0x23e: {  	v4 =	vadd.s32 v1, v4;
	_ =	sdelay $0x4  }
0x23f: {  	[tilespmem:s7], [sflag:$0x1] =	stream.indirect_vreg.gather [hbm4b:s1+s3], $0x80, v4, vm0, $0xb8;
	[tilespmem:$0x18080] =	vst v63  }
0x240: {  	v3 =	vperm.xlane v3, v2  }
0x241: {  	[tilespmem:s28], [sflag:$0x1] =	stream.indirect_vreg.gather [hbm4b:s4+s3], $0x80, v4, vm0, $0xb8;
	[tilespmem:$0x18080] =	vst v63  }
0x242: {  	s22 =	simm.s32 $0x9080;
	v3 =	vadd.s32 v1, v3  }
0x243: {  	[tilespmem:s22], [sflag:$0x1] =	stream.indirect_vreg.gather [hbm4b:s5+s3], $0x80, v4, vm0, $0xb8;
	[tilespmem:$0x18080] =	vst v63  }
0x244: {  	s23 =	simm.s32 $0x9880  }
0x245: {  	[tilespmem:s23], [sflag:$0x1] =	stream.indirect_vreg.gather [hbm4b:s6+s3], $0x80, v4, vm0, $0xb8;
	[tilespmem:$0x18080] =	vst v63  }
0x246: {  	s24 =	simm.s32 $0xA080  }
0x247: {  	[tilespmem:s24], [sflag:$0x1] =	stream.indirect_vreg.gather [hbm4b:s1+s3], $0x80, v3, vm0, $0xb8;
	[tilespmem:$0x18080] =	vst v63  }
0x248: {  	s25 =	simm.s32 $0xA880  }
0x249: {  	[tilespmem:s25], [sflag:$0x1] =	stream.indirect_vreg.gather [hbm4b:s4+s3], $0x80, v3, vm0, $0xb8;
	[tilespmem:$0x18080] =	vst v63  }
0x24a: {  	s26 =	simm.s32 $0xB080  }
0x24b: {  	[tilespmem:s26], [sflag:$0x1] =	stream.indirect_vreg.gather [hbm4b:s5+s3], $0x80, v3, vm0, $0xb8;
	[tilespmem:$0x18080] =	vst v63  }
0x24c: {  	_ = 	snop  }
0x24d: {  	[tilespmem:s11], [sflag:$0x1] =	stream.indirect_vreg.gather [hbm4b:s6+s3], $0x80, v3, vm0, $0xb8;
	[tilespmem:$0x18080] =	vst v63  }
0x24e: {  	_ =	swait.ge [sflag:s10], $0xC000  }
0x24f: {  	[sflag:s10] =	ssyncset.done $0x0  }
0x250: {  	s28 =	rddreg [dreg:$0x11];
	[sflag:s10] =	ssyncadd.s32 $0xFFFF4000  }
0x251: {  	[hbm4b:s28+s3] =	stream.linear.scatter [tilespmem:s2], [sflag:$0x2], $0xC000, $0x38;
	[tilespmem:$0x18080] =	vst v63  }
0x252: {  	_ =	swait.ge [sflag:s12], $0xC000  }
0x253: {  	[sflag:s12] =	ssyncset.done $0x0  }
0x254: {  	s11 =	rddreg [dreg:$0x12];
	[sflag:s12] =	ssyncadd.s32 $0xFFFF4000  }
0x255: {  	[tilespmem:s3], [sflag:$0x3] =	stream.linear.gather [hbm4b:s11+s3], $0x30, $0x38;
	[tilespmem:$0x18080] =	vst v63  }
0x256: {  	_ =	swait.ge [sflag:s8], $0x30  }
0x257: {  	[sflag:s8] =	ssyncset.done $0x0  }
0x258: {  	[sflag:s8] =	ssyncadd.s32 $0xFFFFFFD0  }
0x259: {  	v3 =	vld [tilespmem:$0x0];
	_ =	sdelay $0x4  }
0x25a: {  	v40 =	vshll.u32 v3, $0x3  }
0x25b: {  	v3 =	vand.u32 $0x7, v3;
	v4 =	vand.u32 $0xFFFFFFC0, v40  }
0x25c: {  	v3 =	vor.u32 v3, v4  }
0x25d: {  	v4 =	vperm.xlane v3, v0;
	_ =	sdelay $0x1  }
0x25e: {  	v4 =	vadd.s32 v1, v4;
	_ =	sdelay $0x4  }
0x25f: {  	[tilespmem:s0], [sflag:$0x1] =	stream.indirect_vreg.gather [hbm4b:s1+s3], $0x80, v4, vm0, $0xb8;
	[tilespmem:$0x18080] =	vst v63  }
0x260: {  	v3 =	vperm.xlane v3, v2  }
0x261: {  	[tilespmem:s15], [sflag:$0x1] =	stream.indirect_vreg.gather [hbm4b:s4+s3], $0x80, v4, vm0, $0xb8;
	[tilespmem:$0x18080] =	vst v63  }
0x262: {  	s13 =	simm.s32 $0xD080;
	v3 =	vadd.s32 v1, v3  }
0x263: {  	[tilespmem:s13], [sflag:$0x1] =	stream.indirect_vreg.gather [hbm4b:s5+s3], $0x80, v4, vm0, $0xb8;
	[tilespmem:$0x18080] =	vst v63  }
0x264: {  	s28 =	simm.s32 $0xD880  }
0x265: {  	[tilespmem:s28], [sflag:$0x1] =	stream.indirect_vreg.gather [hbm4b:s6+s3], $0x80, v4, vm0, $0xb8;
	[tilespmem:$0x18080] =	vst v63  }
0x266: {  	s13 =	simm.s32 $0xE080  }
0x267: {  	[tilespmem:s13], [sflag:$0x1] =	stream.indirect_vreg.gather [hbm4b:s1+s3], $0x80, v3, vm0, $0xb8;
	[tilespmem:$0x18080] =	vst v63  }
0x268: {  	s13 =	simm.s32 $0xE880  }
0x269: {  	[tilespmem:s13], [sflag:$0x1] =	stream.indirect_vreg.gather [hbm4b:s4+s3], $0x80, v3, vm0, $0xb8;
	[tilespmem:$0x18080] =	vst v63  }
0x26a: {  	s13 =	simm.s32 $0xF080  }
0x26b: {  	[tilespmem:s13], [sflag:$0x1] =	stream.indirect_vreg.gather [hbm4b:s5+s3], $0x80, v3, vm0, $0xb8;
	[tilespmem:$0x18080] =	vst v63  }
0x26c: {  	s13 =	simm.s32 $0xF880  }
0x26d: {  	[tilespmem:s13], [sflag:$0x1] =	stream.indirect_vreg.gather [hbm4b:s6+s3], $0x80, v3, vm0, $0xb8;
	[tilespmem:$0x18080] =	vst v63  }
0x26e: {  	v3 =	vld [tilespmem:$0x10];
	_ =	sdelay $0x4  }
0x26f: {  	v41 =	vshll.u32 v3, $0x3  }
0x270: {  	v3 =	vand.u32 $0x7, v3;
	v4 =	vand.u32 $0xFFFFFFC0, v41  }
0x271: {  	v3 =	vor.u32 v3, v4  }
0x272: {  	v4 =	vperm.xlane v3, v0;
	_ =	sdelay $0x1  }
0x273: {  	v4 =	vadd.s32 v1, v4;
	_ =	sdelay $0x3  }
0x274: {  	s13 =	simm.s32 $0x10080  }
0x275: {  	[tilespmem:s13], [sflag:$0x1] =	stream.indirect_vreg.gather [hbm4b:s1+s3], $0x80, v4, vm0, $0xb8;
	[tilespmem:$0x18080] =	vst v63  }
0x276: {  	v3 =	vperm.xlane v3, v2;
	s13 =	simm.s32 $0x10880  }
0x277: {  	[tilespmem:s13], [sflag:$0x1] =	stream.indirect_vreg.gather [hbm4b:s4+s3], $0x80, v4, vm0, $0xb8;
	[tilespmem:$0x18080] =	vst v63  }
0x278: {  	v3 =	vadd.s32 v1, v3;
	s13 =	simm.s32 $0x11080  }
0x279: {  	[tilespmem:s13], [sflag:$0x1] =	stream.indirect_vreg.gather [hbm4b:s5+s3], $0x80, v4, vm0, $0xb8;
	[tilespmem:$0x18080] =	vst v63  }
0x27a: {  	s13 =	simm.s32 $0x11880  }
0x27b: {  	[tilespmem:s13], [sflag:$0x1] =	stream.indirect_vreg.gather [hbm4b:s6+s3], $0x80, v4, vm0, $0xb8;
	[tilespmem:$0x18080] =	vst v63  }
0x27c: {  	s13 =	simm.s32 $0x12080  }
0x27d: {  	[tilespmem:s13], [sflag:$0x1] =	stream.indirect_vreg.gather [hbm4b:s1+s3], $0x80, v3, vm0, $0xb8;
	[tilespmem:$0x18080] =	vst v63  }
0x27e: {  	s13 =	simm.s32 $0x12880  }
0x27f: {  	[tilespmem:s13], [sflag:$0x1] =	stream.indirect_vreg.gather [hbm4b:s4+s3], $0x80, v3, vm0, $0xb8;
	[tilespmem:$0x18080] =	vst v63  }
0x280: {  	s13 =	simm.s32 $0x13080  }
0x281: {  	[tilespmem:s13], [sflag:$0x1] =	stream.indirect_vreg.gather [hbm4b:s5+s3], $0x80, v3, vm0, $0xb8;
	[tilespmem:$0x18080] =	vst v63  }
0x282: {  	s13 =	simm.s32 $0x13880  }
0x283: {  	[tilespmem:s13], [sflag:$0x1] =	stream.indirect_vreg.gather [hbm4b:s6+s3], $0x80, v3, vm0, $0xb8;
	[tilespmem:$0x18080] =	vst v63  }
0x284: {  	v3 =	vld [tilespmem:$0x20];
	_ =	sdelay $0x4  }
0x285: {  	v42 =	vshll.u32 v3, $0x3  }
0x286: {  	v3 =	vand.u32 $0x7, v3;
	v4 =	vand.u32 $0xFFFFFFC0, v42  }
0x287: {  	v3 =	vor.u32 v3, v4  }
0x288: {  	v4 =	vperm.xlane v3, v0;
	_ =	sdelay $0x1  }
0x289: {  	v4 =	vadd.s32 v1, v4;
	_ =	sdelay $0x3  }
0x28a: {  	s13 =	simm.s32 $0x14080  }
0x28b: {  	[tilespmem:s13], [sflag:$0x1] =	stream.indirect_vreg.gather [hbm4b:s1+s3], $0x80, v4, vm0, $0xb8;
	[tilespmem:$0x18080] =	vst v63  }
0x28c: {  	v3 =	vperm.xlane v3, v2;
	s13 =	simm.s32 $0x14880  }
0x28d: {  	[tilespmem:s13], [sflag:$0x1] =	stream.indirect_vreg.gather [hbm4b:s4+s3], $0x80, v4, vm0, $0xb8;
	[tilespmem:$0x18080] =	vst v63  }
0x28e: {  	v3 =	vadd.s32 v1, v3;
	s13 =	simm.s32 $0x15080  }
0x28f: {  	[tilespmem:s13], [sflag:$0x1] =	stream.indirect_vreg.gather [hbm4b:s5+s3], $0x80, v4, vm0, $0xb8;
	[tilespmem:$0x18080] =	vst v63  }
0x290: {  	s13 =	simm.s32 $0x15880  }
0x291: {  	[tilespmem:s13], [sflag:$0x1] =	stream.indirect_vreg.gather [hbm4b:s6+s3], $0x80, v4, vm0, $0xb8;
	[tilespmem:$0x18080] =	vst v63  }
0x292: {  	s13 =	simm.s32 $0x16080  }
0x293: {  	[tilespmem:s13], [sflag:$0x1] =	stream.indirect_vreg.gather [hbm4b:s1+s3], $0x80, v3, vm0, $0xb8;
	[tilespmem:$0x18080] =	vst v63  }
0x294: {  	s13 =	simm.s32 $0x16880  }
0x295: {  	[tilespmem:s13], [sflag:$0x1] =	stream.indirect_vreg.gather [hbm4b:s4+s3], $0x80, v3, vm0, $0xb8;
	[tilespmem:$0x18080] =	vst v63  }
0x296: {  	s13 =	simm.s32 $0x17080  }
0x297: {  	[tilespmem:s13], [sflag:$0x1] =	stream.indirect_vreg.gather [hbm4b:s5+s3], $0x80, v3, vm0, $0xb8;
	[tilespmem:$0x18080] =	vst v63  }
0x298: {  	s13 =	simm.s32 $0x17880  }
0x299: {  	[tilespmem:s13], [sflag:$0x1] =	stream.indirect_vreg.gather [hbm4b:s6+s3], $0x80, v3, vm0, $0xb8;
	[tilespmem:$0x18080] =	vst v63  }
0x29a: {  	_ =	swait.ge [sflag:s10], $0xC000  }
0x29b: {  	[sflag:s10] =	ssyncset.done $0x0  }
0x29c: {  	s13 =	rddreg [dreg:$0x13];
	[sflag:s10] =	ssyncadd.s32 $0xFFFF4000  }
0x29d: {  	[hbm4b:s13+s3] =	stream.linear.scatter [tilespmem:s0], [sflag:$0x2], $0xC000, $0x38;
	[tilespmem:$0x18080] =	vst v63  }
0x29e: {  	_ =	swait.ge [sflag:s12], $0xC000  }
0x29f: {  	[sflag:s12] =	ssyncset.done $0x0  }
0x2a0: {  	s13 =	rddreg [dreg:$0x14];
	[sflag:s12] =	ssyncadd.s32 $0xFFFF4000  }
0x2a1: {  	[tilespmem:s3], [sflag:$0x3] =	stream.linear.gather [hbm4b:s13+s3], $0x30, $0x38;
	[tilespmem:$0x18080] =	vst v63  }
0x2a2: {  	_ =	swait.ge [sflag:s8], $0x30  }
0x2a3: {  	[sflag:s8] =	ssyncset.done $0x0  }
0x2a4: {  	[sflag:s8] =	ssyncadd.s32 $0xFFFFFFD0  }
0x2a5: {  	v3 =	vld [tilespmem:$0x0];
	_ =	sdelay $0x4  }
0x2a6: {  	v43 =	vshll.u32 v3, $0x3  }
0x2a7: {  	v3 =	vand.u32 $0x7, v3;
	v4 =	vand.u32 $0xFFFFFFC0, v43  }
0x2a8: {  	v3 =	vor.u32 v3, v4  }
0x2a9: {  	v4 =	vperm.xlane v3, v0;
	_ =	sdelay $0x1  }
0x2aa: {  	v4 =	vadd.s32 v1, v4;
	_ =	sdelay $0x4  }
0x2ab: {  	[tilespmem:s2], [sflag:$0x1] =	stream.indirect_vreg.gather [hbm4b:s1+s3], $0x80, v4, vm0, $0xb8;
	[tilespmem:$0x18080] =	vst v63  }
0x2ac: {  	v3 =	vperm.xlane v3, v2  }
0x2ad: {  	[tilespmem:s9], [sflag:$0x1] =	stream.indirect_vreg.gather [hbm4b:s4+s3], $0x80, v4, vm0, $0xb8;
	[tilespmem:$0x18080] =	vst v63  }
0x2ae: {  	v3 =	vadd.s32 v1, v3  }
0x2af: {  	[tilespmem:s14], [sflag:$0x1] =	stream.indirect_vreg.gather [hbm4b:s5+s3], $0x80, v4, vm0, $0xb8;
	[tilespmem:$0x18080] =	vst v63  }
0x2b0: {  	s13 =	simm.s32 $0x1880  }
0x2b1: {  	[tilespmem:s13], [sflag:$0x1] =	stream.indirect_vreg.gather [hbm4b:s6+s3], $0x80, v4, vm0, $0xb8;
	[tilespmem:$0x18080] =	vst v63  }
0x2b2: {  	s13 =	simm.s32 $0x2080  }
0x2b3: {  	[tilespmem:s13], [sflag:$0x1] =	stream.indirect_vreg.gather [hbm4b:s1+s3], $0x80, v3, vm0, $0xb8;
	[tilespmem:$0x18080] =	vst v63  }
0x2b4: {  	s13 =	simm.s32 $0x2880  }
0x2b5: {  	[tilespmem:s13], [sflag:$0x1] =	stream.indirect_vreg.gather [hbm4b:s4+s3], $0x80, v3, vm0, $0xb8;
	[tilespmem:$0x18080] =	vst v63  }
0x2b6: {  	s13 =	simm.s32 $0x3080  }
0x2b7: {  	[tilespmem:s13], [sflag:$0x1] =	stream.indirect_vreg.gather [hbm4b:s5+s3], $0x80, v3, vm0, $0xb8;
	[tilespmem:$0x18080] =	vst v63  }
0x2b8: {  	s29 =	simm.s32 $0x3880  }
0x2b9: {  	[tilespmem:s29], [sflag:$0x1] =	stream.indirect_vreg.gather [hbm4b:s6+s3], $0x80, v3, vm0, $0xb8;
	[tilespmem:$0x18080] =	vst v63  }
0x2ba: {  	v3 =	vld [tilespmem:$0x10];
	_ =	sdelay $0x4  }
0x2bb: {  	v44 =	vshll.u32 v3, $0x3  }
0x2bc: {  	v3 =	vand.u32 $0x7, v3;
	v4 =	vand.u32 $0xFFFFFFC0, v44  }
0x2bd: {  	v3 =	vor.u32 v3, v4  }
0x2be: {  	v4 =	vperm.xlane v3, v0;
	_ =	sdelay $0x1  }
0x2bf: {  	v4 =	vadd.s32 v1, v4;
	_ =	sdelay $0x3  }
0x2c0: {  	s30 =	simm.s32 $0x4080  }
0x2c1: {  	[tilespmem:s30], [sflag:$0x1] =	stream.indirect_vreg.gather [hbm4b:s1+s3], $0x80, v4, vm0, $0xb8;
	[tilespmem:$0x18080] =	vst v63  }
0x2c2: {  	v3 =	vperm.xlane v3, v2;
	s30 =	simm.s32 $0x4880  }
0x2c3: {  	[tilespmem:s30], [sflag:$0x1] =	stream.indirect_vreg.gather [hbm4b:s4+s3], $0x80, v4, vm0, $0xb8;
	[tilespmem:$0x18080] =	vst v63  }
0x2c4: {  	s17 =	simm.s32 $0x5080;
	v3 =	vadd.s32 v1, v3  }
0x2c5: {  	[tilespmem:s17], [sflag:$0x1] =	stream.indirect_vreg.gather [hbm4b:s5+s3], $0x80, v4, vm0, $0xb8;
	[tilespmem:$0x18080] =	vst v63  }
0x2c6: {  	s18 =	simm.s32 $0x5880  }
0x2c7: {  	[tilespmem:s18], [sflag:$0x1] =	stream.indirect_vreg.gather [hbm4b:s6+s3], $0x80, v4, vm0, $0xb8;
	[tilespmem:$0x18080] =	vst v63  }
0x2c8: {  	s19 =	simm.s32 $0x6080  }
0x2c9: {  	[tilespmem:s19], [sflag:$0x1] =	stream.indirect_vreg.gather [hbm4b:s1+s3], $0x80, v3, vm0, $0xb8;
	[tilespmem:$0x18080] =	vst v63  }
0x2ca: {  	s20 =	simm.s32 $0x6880  }
0x2cb: {  	[tilespmem:s20], [sflag:$0x1] =	stream.indirect_vreg.gather [hbm4b:s4+s3], $0x80, v3, vm0, $0xb8;
	[tilespmem:$0x18080] =	vst v63  }
0x2cc: {  	s21 =	simm.s32 $0x7080  }
0x2cd: {  	[tilespmem:s21], [sflag:$0x1] =	stream.indirect_vreg.gather [hbm4b:s5+s3], $0x80, v3, vm0, $0xb8;
	[tilespmem:$0x18080] =	vst v63  }
0x2ce: {  	s18 =	simm.s32 $0x7880  }
0x2cf: {  	[tilespmem:s18], [sflag:$0x1] =	stream.indirect_vreg.gather [hbm4b:s6+s3], $0x80, v3, vm0, $0xb8;
	[tilespmem:$0x18080] =	vst v63  }
0x2d0: {  	v3 =	vld [tilespmem:$0x20];
	_ =	sdelay $0x4  }
0x2d1: {  	v45 =	vshll.u32 v3, $0x3  }
0x2d2: {  	v3 =	vand.u32 $0x7, v3;
	v4 =	vand.u32 $0xFFFFFFC0, v45  }
0x2d3: {  	v3 =	vor.u32 v3, v4  }
0x2d4: {  	v4 =	vperm.xlane v3, v0;
	_ =	sdelay $0x1  }
0x2d5: {  	v4 =	vadd.s32 v1, v4;
	_ =	sdelay $0x3  }
0x2d6: {  	s31 =	simm.s32 $0x8080  }
0x2d7: {  	[tilespmem:s31], [sflag:$0x1] =	stream.indirect_vreg.gather [hbm4b:s1+s3], $0x80, v4, vm0, $0xb8;
	[tilespmem:$0x18080] =	vst v63  }
0x2d8: {  	s7 =	simm.s32 $0x8880;
	v3 =	vperm.xlane v3, v2  }
0x2d9: {  	[tilespmem:s7], [sflag:$0x1] =	stream.indirect_vreg.gather [hbm4b:s4+s3], $0x80, v4, vm0, $0xb8;
	[tilespmem:$0x18080] =	vst v63  }
0x2da: {  	s22 =	simm.s32 $0x9080;
	v3 =	vadd.s32 v1, v3  }
0x2db: {  	[tilespmem:s22], [sflag:$0x1] =	stream.indirect_vreg.gather [hbm4b:s5+s3], $0x80, v4, vm0, $0xb8;
	[tilespmem:$0x18080] =	vst v63  }
0x2dc: {  	s23 =	simm.s32 $0x9880  }
0x2dd: {  	[tilespmem:s23], [sflag:$0x1] =	stream.indirect_vreg.gather [hbm4b:s6+s3], $0x80, v4, vm0, $0xb8;
	[tilespmem:$0x18080] =	vst v63  }
0x2de: {  	s24 =	simm.s32 $0xA080  }
0x2df: {  	[tilespmem:s24], [sflag:$0x1] =	stream.indirect_vreg.gather [hbm4b:s1+s3], $0x80, v3, vm0, $0xb8;
	[tilespmem:$0x18080] =	vst v63  }
0x2e0: {  	s25 =	simm.s32 $0xA880  }
0x2e1: {  	[tilespmem:s25], [sflag:$0x1] =	stream.indirect_vreg.gather [hbm4b:s4+s3], $0x80, v3, vm0, $0xb8;
	[tilespmem:$0x18080] =	vst v63  }
0x2e2: {  	s26 =	simm.s32 $0xB080  }
0x2e3: {  	[tilespmem:s26], [sflag:$0x1] =	stream.indirect_vreg.gather [hbm4b:s5+s3], $0x80, v3, vm0, $0xb8;
	[tilespmem:$0x18080] =	vst v63  }
0x2e4: {  	s16 =	simm.s32 $0xB880  }
0x2e5: {  	[tilespmem:s16], [sflag:$0x1] =	stream.indirect_vreg.gather [hbm4b:s6+s3], $0x80, v3, vm0, $0xb8;
	[tilespmem:$0x18080] =	vst v63  }
0x2e6: {  	_ =	swait.ge [sflag:s10], $0xC000  }
0x2e7: {  	[sflag:s10] =	ssyncset.done $0x0  }
0x2e8: {  	s16 =	rddreg [dreg:$0x15];
	[sflag:s10] =	ssyncadd.s32 $0xFFFF4000  }
0x2e9: {  	[hbm4b:s16+s3] =	stream.linear.scatter [tilespmem:s2], [sflag:$0x2], $0xC000, $0x38;
	[tilespmem:$0x18080] =	vst v63  }
0x2ea: {  	_ =	swait.ge [sflag:s12], $0xC000  }
0x2eb: {  	[sflag:s12] =	ssyncset.done $0x0  }
0x2ec: {  	s26 =	rddreg [dreg:$0x16];
	[sflag:s12] =	ssyncadd.s32 $0xFFFF4000  }
0x2ed: {  	[tilespmem:s3], [sflag:$0x3] =	stream.linear.gather [hbm4b:s26+s3], $0x30, $0x38;
	[tilespmem:$0x18080] =	vst v63  }
0x2ee: {  	_ =	swait.ge [sflag:s8], $0x30  }
0x2ef: {  	[sflag:s8] =	ssyncset.done $0x0  }
0x2f0: {  	[sflag:s8] =	ssyncadd.s32 $0xFFFFFFD0  }
0x2f1: {  	v3 =	vld [tilespmem:$0x0];
	_ =	sdelay $0x4  }
0x2f2: {  	v46 =	vshll.u32 v3, $0x3  }
0x2f3: {  	v3 =	vand.u32 $0x7, v3;
	v4 =	vand.u32 $0xFFFFFFC0, v46  }
0x2f4: {  	v3 =	vor.u32 v3, v4  }
0x2f5: {  	v4 =	vperm.xlane v3, v0;
	_ =	sdelay $0x1  }
0x2f6: {  	v4 =	vadd.s32 v1, v4;
	_ =	sdelay $0x4  }
0x2f7: {  	[tilespmem:s0], [sflag:$0x1] =	stream.indirect_vreg.gather [hbm4b:s1+s3], $0x80, v4, vm0, $0xb8;
	[tilespmem:$0x18080] =	vst v63  }
0x2f8: {  	v3 =	vperm.xlane v3, v2  }
0x2f9: {  	[tilespmem:s15], [sflag:$0x1] =	stream.indirect_vreg.gather [hbm4b:s4+s3], $0x80, v4, vm0, $0xb8;
	[tilespmem:$0x18080] =	vst v63  }
0x2fa: {  	s11 =	simm.s32 $0xD080;
	v3 =	vadd.s32 v1, v3  }
0x2fb: {  	[tilespmem:s11], [sflag:$0x1] =	stream.indirect_vreg.gather [hbm4b:s5+s3], $0x80, v4, vm0, $0xb8;
	[tilespmem:$0x18080] =	vst v63  }
0x2fc: {  	s28 =	simm.s32 $0xD880  }
0x2fd: {  	[tilespmem:s28], [sflag:$0x1] =	stream.indirect_vreg.gather [hbm4b:s6+s3], $0x80, v4, vm0, $0xb8;
	[tilespmem:$0x18080] =	vst v63  }
0x2fe: {  	s28 =	simm.s32 $0xE080  }
0x2ff: {  	[tilespmem:s28], [sflag:$0x1] =	stream.indirect_vreg.gather [hbm4b:s1+s3], $0x80, v3, vm0, $0xb8;
	[tilespmem:$0x18080] =	vst v63  }
0x300: {  	s26 =	simm.s32 $0xE880  }
0x301: {  	[tilespmem:s26], [sflag:$0x1] =	stream.indirect_vreg.gather [hbm4b:s4+s3], $0x80, v3, vm0, $0xb8;
	[tilespmem:$0x18080] =	vst v63  }
0x302: {  	s26 =	simm.s32 $0xF080  }
0x303: {  	[tilespmem:s26], [sflag:$0x1] =	stream.indirect_vreg.gather [hbm4b:s5+s3], $0x80, v3, vm0, $0xb8;
	[tilespmem:$0x18080] =	vst v63  }
0x304: {  	s13 =	simm.s32 $0xF880  }
0x305: {  	[tilespmem:s13], [sflag:$0x1] =	stream.indirect_vreg.gather [hbm4b:s6+s3], $0x80, v3, vm0, $0xb8;
	[tilespmem:$0x18080] =	vst v63  }
0x306: {  	v3 =	vld [tilespmem:$0x10];
	_ =	sdelay $0x4  }
0x307: {  	v47 =	vshll.u32 v3, $0x3  }
0x308: {  	v3 =	vand.u32 $0x7, v3;
	v4 =	vand.u32 $0xFFFFFFC0, v47  }
0x309: {  	v3 =	vor.u32 v3, v4  }
0x30a: {  	v4 =	vperm.xlane v3, v0;
	_ =	sdelay $0x1  }
0x30b: {  	v4 =	vadd.s32 v1, v4;
	_ =	sdelay $0x3  }
0x30c: {  	s13 =	simm.s32 $0x10080  }
0x30d: {  	[tilespmem:s13], [sflag:$0x1] =	stream.indirect_vreg.gather [hbm4b:s1+s3], $0x80, v4, vm0, $0xb8;
	[tilespmem:$0x18080] =	vst v63  }
0x30e: {  	v3 =	vperm.xlane v3, v2;
	s13 =	simm.s32 $0x10880  }
0x30f: {  	[tilespmem:s13], [sflag:$0x1] =	stream.indirect_vreg.gather [hbm4b:s4+s3], $0x80, v4, vm0, $0xb8;
	[tilespmem:$0x18080] =	vst v63  }
0x310: {  	v3 =	vadd.s32 v1, v3;
	s13 =	simm.s32 $0x11080  }
0x311: {  	[tilespmem:s13], [sflag:$0x1] =	stream.indirect_vreg.gather [hbm4b:s5+s3], $0x80, v4, vm0, $0xb8;
	[tilespmem:$0x18080] =	vst v63  }
0x312: {  	s13 =	simm.s32 $0x11880  }
0x313: {  	[tilespmem:s13], [sflag:$0x1] =	stream.indirect_vreg.gather [hbm4b:s6+s3], $0x80, v4, vm0, $0xb8;
	[tilespmem:$0x18080] =	vst v63  }
0x314: {  	s13 =	simm.s32 $0x12080  }
0x315: {  	[tilespmem:s13], [sflag:$0x1] =	stream.indirect_vreg.gather [hbm4b:s1+s3], $0x80, v3, vm0, $0xb8;
	[tilespmem:$0x18080] =	vst v63  }
0x316: {  	s13 =	simm.s32 $0x12880  }
0x317: {  	[tilespmem:s13], [sflag:$0x1] =	stream.indirect_vreg.gather [hbm4b:s4+s3], $0x80, v3, vm0, $0xb8;
	[tilespmem:$0x18080] =	vst v63  }
0x318: {  	s13 =	simm.s32 $0x13080  }
0x319: {  	[tilespmem:s13], [sflag:$0x1] =	stream.indirect_vreg.gather [hbm4b:s5+s3], $0x80, v3, vm0, $0xb8;
	[tilespmem:$0x18080] =	vst v63  }
0x31a: {  	s13 =	simm.s32 $0x13880  }
0x31b: {  	[tilespmem:s13], [sflag:$0x1] =	stream.indirect_vreg.gather [hbm4b:s6+s3], $0x80, v3, vm0, $0xb8;
	[tilespmem:$0x18080] =	vst v63  }
0x31c: {  	v3 =	vld [tilespmem:$0x20];
	_ =	sdelay $0x4  }
0x31d: {  	v48 =	vshll.u32 v3, $0x3  }
0x31e: {  	v3 =	vand.u32 $0x7, v3;
	v4 =	vand.u32 $0xFFFFFFC0, v48  }
0x31f: {  	v3 =	vor.u32 v3, v4  }
0x320: {  	v4 =	vperm.xlane v3, v0;
	_ =	sdelay $0x1  }
0x321: {  	v4 =	vadd.s32 v1, v4;
	_ =	sdelay $0x3  }
0x322: {  	s13 =	simm.s32 $0x14080  }
0x323: {  	[tilespmem:s13], [sflag:$0x1] =	stream.indirect_vreg.gather [hbm4b:s1+s3], $0x80, v4, vm0, $0xb8;
	[tilespmem:$0x18080] =	vst v63  }
0x324: {  	v3 =	vperm.xlane v3, v2;
	s13 =	simm.s32 $0x14880  }
0x325: {  	[tilespmem:s13], [sflag:$0x1] =	stream.indirect_vreg.gather [hbm4b:s4+s3], $0x80, v4, vm0, $0xb8;
	[tilespmem:$0x18080] =	vst v63  }
0x326: {  	v3 =	vadd.s32 v1, v3;
	s13 =	simm.s32 $0x15080  }
0x327: {  	[tilespmem:s13], [sflag:$0x1] =	stream.indirect_vreg.gather [hbm4b:s5+s3], $0x80, v4, vm0, $0xb8;
	[tilespmem:$0x18080] =	vst v63  }
0x328: {  	s13 =	simm.s32 $0x15880  }
0x329: {  	[tilespmem:s13], [sflag:$0x1] =	stream.indirect_vreg.gather [hbm4b:s6+s3], $0x80, v4, vm0, $0xb8;
	[tilespmem:$0x18080] =	vst v63  }
0x32a: {  	s13 =	simm.s32 $0x16080  }
0x32b: {  	[tilespmem:s13], [sflag:$0x1] =	stream.indirect_vreg.gather [hbm4b:s1+s3], $0x80, v3, vm0, $0xb8;
	[tilespmem:$0x18080] =	vst v63  }
0x32c: {  	s13 =	simm.s32 $0x16880  }
0x32d: {  	[tilespmem:s13], [sflag:$0x1] =	stream.indirect_vreg.gather [hbm4b:s4+s3], $0x80, v3, vm0, $0xb8;
	[tilespmem:$0x18080] =	vst v63  }
0x32e: {  	s13 =	simm.s32 $0x17080  }
0x32f: {  	[tilespmem:s13], [sflag:$0x1] =	stream.indirect_vreg.gather [hbm4b:s5+s3], $0x80, v3, vm0, $0xb8;
	[tilespmem:$0x18080] =	vst v63  }
0x330: {  	s13 =	simm.s32 $0x17880  }
0x331: {  	[tilespmem:s13], [sflag:$0x1] =	stream.indirect_vreg.gather [hbm4b:s6+s3], $0x80, v3, vm0, $0xb8;
	[tilespmem:$0x18080] =	vst v63  }
0x332: {  	_ =	swait.ge [sflag:s10], $0xC000  }
0x333: {  	[sflag:s10] =	ssyncset.done $0x0  }
0x334: {  	s13 =	rddreg [dreg:$0x17];
	[sflag:s10] =	ssyncadd.s32 $0xFFFF4000  }
0x335: {  	[hbm4b:s13+s3] =	stream.linear.scatter [tilespmem:s0], [sflag:$0x2], $0xC000, $0x38;
	[tilespmem:$0x18080] =	vst v63  }
0x336: {  	_ =	swait.ge [sflag:s12], $0xC000  }
0x337: {  	[sflag:s12] =	ssyncset.done $0x0  }
0x338: {  	s13 =	rddreg [dreg:$0x18];
	[sflag:s12] =	ssyncadd.s32 $0xFFFF4000  }
0x339: {  	[tilespmem:s3], [sflag:$0x3] =	stream.linear.gather [hbm4b:s13+s3], $0x30, $0x38;
	[tilespmem:$0x18080] =	vst v63  }
0x33a: {  	_ =	swait.ge [sflag:s8], $0x30  }
0x33b: {  	[sflag:s8] =	ssyncset.done $0x0  }
0x33c: {  	[sflag:s8] =	ssyncadd.s32 $0xFFFFFFD0  }
0x33d: {  	v3 =	vld [tilespmem:$0x0];
	_ =	sdelay $0x4  }
0x33e: {  	v49 =	vshll.u32 v3, $0x3  }
0x33f: {  	v3 =	vand.u32 $0x7, v3;
	v4 =	vand.u32 $0xFFFFFFC0, v49  }
0x340: {  	v3 =	vor.u32 v3, v4  }
0x341: {  	v4 =	vperm.xlane v3, v0;
	_ =	sdelay $0x1  }
0x342: {  	v4 =	vadd.s32 v1, v4;
	_ =	sdelay $0x4  }
0x343: {  	[tilespmem:s2], [sflag:$0x1] =	stream.indirect_vreg.gather [hbm4b:s1+s3], $0x80, v4, vm0, $0xb8;
	[tilespmem:$0x18080] =	vst v63  }
0x344: {  	v3 =	vperm.xlane v3, v2  }
0x345: {  	[tilespmem:s9], [sflag:$0x1] =	stream.indirect_vreg.gather [hbm4b:s4+s3], $0x80, v4, vm0, $0xb8;
	[tilespmem:$0x18080] =	vst v63  }
0x346: {  	v3 =	vadd.s32 v1, v3  }
0x347: {  	[tilespmem:s14], [sflag:$0x1] =	stream.indirect_vreg.gather [hbm4b:s5+s3], $0x80, v4, vm0, $0xb8;
	[tilespmem:$0x18080] =	vst v63  }
0x348: {  	s14 =	simm.s32 $0x1880  }
0x349: {  	[tilespmem:s14], [sflag:$0x1] =	stream.indirect_vreg.gather [hbm4b:s6+s3], $0x80, v4, vm0, $0xb8;
	[tilespmem:$0x18080] =	vst v63  }
0x34a: {  	s13 =	simm.s32 $0x2080  }
0x34b: {  	[tilespmem:s13], [sflag:$0x1] =	stream.indirect_vreg.gather [hbm4b:s1+s3], $0x80, v3, vm0, $0xb8;
	[tilespmem:$0x18080] =	vst v63  }
0x34c: {  	s14 =	simm.s32 $0x2880  }
0x34d: {  	[tilespmem:s14], [sflag:$0x1] =	stream.indirect_vreg.gather [hbm4b:s4+s3], $0x80, v3, vm0, $0xb8;
	[tilespmem:$0x18080] =	vst v63  }
0x34e: {  	s13 =	simm.s32 $0x3080  }
0x34f: {  	[tilespmem:s13], [sflag:$0x1] =	stream.indirect_vreg.gather [hbm4b:s5+s3], $0x80, v3, vm0, $0xb8;
	[tilespmem:$0x18080] =	vst v63  }
0x350: {  	s14 =	simm.s32 $0x3880  }
0x351: {  	[tilespmem:s14], [sflag:$0x1] =	stream.indirect_vreg.gather [hbm4b:s6+s3], $0x80, v3, vm0, $0xb8;
	[tilespmem:$0x18080] =	vst v63  }
0x352: {  	v3 =	vld [tilespmem:$0x10];
	_ =	sdelay $0x4  }
0x353: {  	v50 =	vshll.u32 v3, $0x3  }
0x354: {  	v3 =	vand.u32 $0x7, v3;
	v4 =	vand.u32 $0xFFFFFFC0, v50  }
0x355: {  	v3 =	vor.u32 v3, v4  }
0x356: {  	v4 =	vperm.xlane v3, v0;
	_ =	sdelay $0x1  }
0x357: {  	v4 =	vadd.s32 v1, v4;
	_ =	sdelay $0x3  }
0x358: {  	s13 =	simm.s32 $0x4080  }
0x359: {  	[tilespmem:s13], [sflag:$0x1] =	stream.indirect_vreg.gather [hbm4b:s1+s3], $0x80, v4, vm0, $0xb8;
	[tilespmem:$0x18080] =	vst v63  }
0x35a: {  	s14 =	simm.s32 $0x4880;
	v3 =	vperm.xlane v3, v2  }
0x35b: {  	[tilespmem:s14], [sflag:$0x1] =	stream.indirect_vreg.gather [hbm4b:s4+s3], $0x80, v4, vm0, $0xb8;
	[tilespmem:$0x18080] =	vst v63  }
0x35c: {  	s29 =	simm.s32 $0x5080;
	v3 =	vadd.s32 v1, v3  }
0x35d: {  	[tilespmem:s29], [sflag:$0x1] =	stream.indirect_vreg.gather [hbm4b:s5+s3], $0x80, v4, vm0, $0xb8;
	[tilespmem:$0x18080] =	vst v63  }
0x35e: {  	s30 =	simm.s32 $0x5880  }
0x35f: {  	[tilespmem:s30], [sflag:$0x1] =	stream.indirect_vreg.gather [hbm4b:s6+s3], $0x80, v4, vm0, $0xb8;
	[tilespmem:$0x18080] =	vst v63  }
0x360: {  	s19 =	simm.s32 $0x6080  }
0x361: {  	[tilespmem:s19], [sflag:$0x1] =	stream.indirect_vreg.gather [hbm4b:s1+s3], $0x80, v3, vm0, $0xb8;
	[tilespmem:$0x18080] =	vst v63  }
0x362: {  	s20 =	simm.s32 $0x6880  }
0x363: {  	[tilespmem:s20], [sflag:$0x1] =	stream.indirect_vreg.gather [hbm4b:s4+s3], $0x80, v3, vm0, $0xb8;
	[tilespmem:$0x18080] =	vst v63  }
0x364: {  	s21 =	simm.s32 $0x7080  }
0x365: {  	[tilespmem:s21], [sflag:$0x1] =	stream.indirect_vreg.gather [hbm4b:s5+s3], $0x80, v3, vm0, $0xb8;
	[tilespmem:$0x18080] =	vst v63  }
0x366: {  	s30 =	simm.s32 $0x7880  }
0x367: {  	[tilespmem:s30], [sflag:$0x1] =	stream.indirect_vreg.gather [hbm4b:s6+s3], $0x80, v3, vm0, $0xb8;
	[tilespmem:$0x18080] =	vst v63  }
0x368: {  	v3 =	vld [tilespmem:$0x20];
	_ =	sdelay $0x4  }
0x369: {  	v51 =	vshll.u32 v3, $0x3  }
0x36a: {  	v3 =	vand.u32 $0x7, v3;
	v4 =	vand.u32 $0xFFFFFFC0, v51  }
0x36b: {  	v3 =	vor.u32 v3, v4  }
0x36c: {  	v4 =	vperm.xlane v3, v0;
	_ =	sdelay $0x1  }
0x36d: {  	v4 =	vadd.s32 v1, v4;
	_ =	sdelay $0x3  }
0x36e: {  	s18 =	simm.s32 $0x8080  }
0x36f: {  	[tilespmem:s18], [sflag:$0x1] =	stream.indirect_vreg.gather [hbm4b:s1+s3], $0x80, v4, vm0, $0xb8;
	[tilespmem:$0x18080] =	vst v63  }
0x370: {  	s31 =	simm.s32 $0x8880;
	v3 =	vperm.xlane v3, v2  }
0x371: {  	[tilespmem:s31], [sflag:$0x1] =	stream.indirect_vreg.gather [hbm4b:s4+s3], $0x80, v4, vm0, $0xb8;
	[tilespmem:$0x18080] =	vst v63  }
0x372: {  	s7 =	simm.s32 $0x9080;
	v3 =	vadd.s32 v1, v3  }
0x373: {  	[tilespmem:s7], [sflag:$0x1] =	stream.indirect_vreg.gather [hbm4b:s5+s3], $0x80, v4, vm0, $0xb8;
	[tilespmem:$0x18080] =	vst v63  }
0x374: {  	s22 =	simm.s32 $0x9880  }
0x375: {  	[tilespmem:s22], [sflag:$0x1] =	stream.indirect_vreg.gather [hbm4b:s6+s3], $0x80, v4, vm0, $0xb8;
	[tilespmem:$0x18080] =	vst v63  }
0x376: {  	s23 =	simm.s32 $0xA080  }
0x377: {  	[tilespmem:s23], [sflag:$0x1] =	stream.indirect_vreg.gather [hbm4b:s1+s3], $0x80, v3, vm0, $0xb8;
	[tilespmem:$0x18080] =	vst v63  }
0x378: {  	s24 =	simm.s32 $0xA880  }
0x379: {  	[tilespmem:s24], [sflag:$0x1] =	stream.indirect_vreg.gather [hbm4b:s4+s3], $0x80, v3, vm0, $0xb8;
	[tilespmem:$0x18080] =	vst v63  }
0x37a: {  	s25 =	simm.s32 $0xB080  }
0x37b: {  	[tilespmem:s25], [sflag:$0x1] =	stream.indirect_vreg.gather [hbm4b:s5+s3], $0x80, v3, vm0, $0xb8;
	[tilespmem:$0x18080] =	vst v63  }
0x37c: {  	s17 =	simm.s32 $0xB880  }
0x37d: {  	[tilespmem:s17], [sflag:$0x1] =	stream.indirect_vreg.gather [hbm4b:s6+s3], $0x80, v3, vm0, $0xb8;
	[tilespmem:$0x18080] =	vst v63  }
0x37e: {  	_ =	swait.ge [sflag:s10], $0xC000  }
0x37f: {  	[sflag:s10] =	ssyncset.done $0x0  }
0x380: {  	s9 =	rddreg [dreg:$0x19];
	[sflag:s10] =	ssyncadd.s32 $0xFFFF4000  }
0x381: {  	[hbm4b:s9+s3] =	stream.linear.scatter [tilespmem:s2], [sflag:$0x2], $0xC000, $0x38;
	[tilespmem:$0x18080] =	vst v63  }
0x382: {  	_ =	swait.ge [sflag:s12], $0xC000  }
0x383: {  	[sflag:s12] =	ssyncset.done $0x0  }
0x384: {  	s14 =	rddreg [dreg:$0x1a];
	[sflag:s12] =	ssyncadd.s32 $0xFFFF4000  }
0x385: {  	[tilespmem:s3], [sflag:$0x3] =	stream.linear.gather [hbm4b:s14+s3], $0x30, $0x38;
	[tilespmem:$0x18080] =	vst v63  }
0x386: {  	_ =	swait.ge [sflag:s8], $0x30  }
0x387: {  	[sflag:s8] =	ssyncset.done $0x0  }
0x388: {  	[sflag:s8] =	ssyncadd.s32 $0xFFFFFFD0  }
0x389: {  	v3 =	vld [tilespmem:$0x0];
	_ =	sdelay $0x4  }
0x38a: {  	v52 =	vshll.u32 v3, $0x3  }
0x38b: {  	v3 =	vand.u32 $0x7, v3;
	v4 =	vand.u32 $0xFFFFFFC0, v52  }
0x38c: {  	v3 =	vor.u32 v3, v4  }
0x38d: {  	v4 =	vperm.xlane v3, v0;
	_ =	sdelay $0x1  }
0x38e: {  	v4 =	vadd.s32 v1, v4;
	_ =	sdelay $0x4  }
0x38f: {  	[tilespmem:s0], [sflag:$0x1] =	stream.indirect_vreg.gather [hbm4b:s1+s3], $0x80, v4, vm0, $0xb8;
	[tilespmem:$0x18080] =	vst v63  }
0x390: {  	s16 =	simm.s32 $0xC880;
	v3 =	vperm.xlane v3, v2  }
0x391: {  	[tilespmem:s16], [sflag:$0x1] =	stream.indirect_vreg.gather [hbm4b:s4+s3], $0x80, v4, vm0, $0xb8;
	[tilespmem:$0x18080] =	vst v63  }
0x392: {  	s11 =	simm.s32 $0xD080;
	v3 =	vadd.s32 v1, v3  }
0x393: {  	[tilespmem:s11], [sflag:$0x1] =	stream.indirect_vreg.gather [hbm4b:s5+s3], $0x80, v4, vm0, $0xb8;
	[tilespmem:$0x18080] =	vst v63  }
0x394: {  	s15 =	simm.s32 $0xD880  }
0x395: {  	[tilespmem:s15], [sflag:$0x1] =	stream.indirect_vreg.gather [hbm4b:s6+s3], $0x80, v4, vm0, $0xb8;
	[tilespmem:$0x18080] =	vst v63  }
0x396: {  	s28 =	simm.s32 $0xE080  }
0x397: {  	[tilespmem:s28], [sflag:$0x1] =	stream.indirect_vreg.gather [hbm4b:s1+s3], $0x80, v3, vm0, $0xb8;
	[tilespmem:$0x18080] =	vst v63  }
0x398: {  	s17 =	simm.s32 $0xE880  }
0x399: {  	[tilespmem:s17], [sflag:$0x1] =	stream.indirect_vreg.gather [hbm4b:s4+s3], $0x80, v3, vm0, $0xb8;
	[tilespmem:$0x18080] =	vst v63  }
0x39a: {  	s26 =	simm.s32 $0xF080  }
0x39b: {  	[tilespmem:s26], [sflag:$0x1] =	stream.indirect_vreg.gather [hbm4b:s5+s3], $0x80, v3, vm0, $0xb8;
	[tilespmem:$0x18080] =	vst v63  }
0x39c: {  	s19 =	simm.s32 $0xF880  }
0x39d: {  	[tilespmem:s19], [sflag:$0x1] =	stream.indirect_vreg.gather [hbm4b:s6+s3], $0x80, v3, vm0, $0xb8;
	[tilespmem:$0x18080] =	vst v63  }
0x39e: {  	v3 =	vld [tilespmem:$0x10];
	_ =	sdelay $0x4  }
0x39f: {  	v53 =	vshll.u32 v3, $0x3  }
0x3a0: {  	v3 =	vand.u32 $0x7, v3;
	v4 =	vand.u32 $0xFFFFFFC0, v53  }
0x3a1: {  	v3 =	vor.u32 v3, v4  }
0x3a2: {  	v4 =	vperm.xlane v3, v0;
	_ =	sdelay $0x1  }
0x3a3: {  	v4 =	vadd.s32 v1, v4;
	_ =	sdelay $0x3  }
0x3a4: {  	s20 =	simm.s32 $0x10080  }
0x3a5: {  	[tilespmem:s20], [sflag:$0x1] =	stream.indirect_vreg.gather [hbm4b:s1+s3], $0x80, v4, vm0, $0xb8;
	[tilespmem:$0x18080] =	vst v63  }
0x3a6: {  	s21 =	simm.s32 $0x10880;
	v3 =	vperm.xlane v3, v2  }
0x3a7: {  	[tilespmem:s21], [sflag:$0x1] =	stream.indirect_vreg.gather [hbm4b:s4+s3], $0x80, v4, vm0, $0xb8;
	[tilespmem:$0x18080] =	vst v63  }
0x3a8: {  	s22 =	simm.s32 $0x11080;
	v3 =	vadd.s32 v1, v3  }
0x3a9: {  	[tilespmem:s22], [sflag:$0x1] =	stream.indirect_vreg.gather [hbm4b:s5+s3], $0x80, v4, vm0, $0xb8;
	[tilespmem:$0x18080] =	vst v63  }
0x3aa: {  	s23 =	simm.s32 $0x11880  }
0x3ab: {  	[tilespmem:s23], [sflag:$0x1] =	stream.indirect_vreg.gather [hbm4b:s6+s3], $0x80, v4, vm0, $0xb8;
	[tilespmem:$0x18080] =	vst v63  }
0x3ac: {  	s29 =	simm.s32 $0x12080  }
0x3ad: {  	[tilespmem:s29], [sflag:$0x1] =	stream.indirect_vreg.gather [hbm4b:s1+s3], $0x80, v3, vm0, $0xb8;
	[tilespmem:$0x18080] =	vst v63  }
0x3ae: {  	s30 =	simm.s32 $0x12880  }
0x3af: {  	[tilespmem:s30], [sflag:$0x1] =	stream.indirect_vreg.gather [hbm4b:s4+s3], $0x80, v3, vm0, $0xb8;
	[tilespmem:$0x18080] =	vst v63  }
0x3b0: {  	s31 =	simm.s32 $0x13080  }
0x3b1: {  	[tilespmem:s31], [sflag:$0x1] =	stream.indirect_vreg.gather [hbm4b:s5+s3], $0x80, v3, vm0, $0xb8;
	[tilespmem:$0x18080] =	vst v63  }
0x3b2: {  	s14 =	simm.s32 $0x13880  }
0x3b3: {  	[tilespmem:s14], [sflag:$0x1] =	stream.indirect_vreg.gather [hbm4b:s6+s3], $0x80, v3, vm0, $0xb8;
	[tilespmem:$0x18080] =	vst v63  }
0x3b4: {  	v3 =	vld [tilespmem:$0x20];
	_ =	sdelay $0x4  }
0x3b5: {  	v54 =	vshll.u32 v3, $0x3  }
0x3b6: {  	v3 =	vand.u32 $0x7, v3;
	v4 =	vand.u32 $0xFFFFFFC0, v54  }
0x3b7: {  	v3 =	vor.u32 v3, v4  }
0x3b8: {  	v4 =	vperm.xlane v3, v0;
	_ =	sdelay $0x1  }
0x3b9: {  	v4 =	vadd.s32 v1, v4;
	_ =	sdelay $0x3  }
0x3ba: {  	s17 =	simm.s32 $0x14080  }
0x3bb: {  	[tilespmem:s17], [sflag:$0x1] =	stream.indirect_vreg.gather [hbm4b:s1+s3], $0x80, v4, vm0, $0xb8;
	[tilespmem:$0x18080] =	vst v63  }
0x3bc: {  	s21 =	simm.s32 $0x14880;
	v3 =	vperm.xlane v3, v2  }
0x3bd: {  	[tilespmem:s21], [sflag:$0x1] =	stream.indirect_vreg.gather [hbm4b:s4+s3], $0x80, v4, vm0, $0xb8;
	[tilespmem:$0x18080] =	vst v63  }
0x3be: {  	s22 =	simm.s32 $0x15080;
	v3 =	vadd.s32 v1, v3  }
0x3bf: {  	[tilespmem:s22], [sflag:$0x1] =	stream.indirect_vreg.gather [hbm4b:s5+s3], $0x80, v4, vm0, $0xb8;
	[tilespmem:$0x18080] =	vst v63  }
0x3c0: {  	s23 =	simm.s32 $0x15880  }
0x3c1: {  	[tilespmem:s23], [sflag:$0x1] =	stream.indirect_vreg.gather [hbm4b:s6+s3], $0x80, v4, vm0, $0xb8;
	[tilespmem:$0x18080] =	vst v63  }
0x3c2: {  	s29 =	simm.s32 $0x16080  }
0x3c3: {  	[tilespmem:s29], [sflag:$0x1] =	stream.indirect_vreg.gather [hbm4b:s1+s3], $0x80, v3, vm0, $0xb8;
	[tilespmem:$0x18080] =	vst v63  }
0x3c4: {  	s30 =	simm.s32 $0x16880  }
0x3c5: {  	[tilespmem:s30], [sflag:$0x1] =	stream.indirect_vreg.gather [hbm4b:s4+s3], $0x80, v3, vm0, $0xb8;
	[tilespmem:$0x18080] =	vst v63  }
0x3c6: {  	s31 =	simm.s32 $0x17080  }
0x3c7: {  	[tilespmem:s31], [sflag:$0x1] =	stream.indirect_vreg.gather [hbm4b:s5+s3], $0x80, v3, vm0, $0xb8;
	[tilespmem:$0x18080] =	vst v63  }
0x3c8: {  	s14 =	simm.s32 $0x17880  }
0x3c9: {  	[tilespmem:s14], [sflag:$0x1] =	stream.indirect_vreg.gather [hbm4b:s6+s3], $0x80, v3, vm0, $0xb8;
	[tilespmem:$0x18080] =	vst v63  }
0x3ca: {  	_ =	swait.ge [sflag:s10], $0xC000  }
0x3cb: {  	[sflag:s10] =	ssyncset.done $0x0  }
0x3cc: {  	s17 =	rddreg [dreg:$0x1b];
	[sflag:s10] =	ssyncadd.s32 $0xFFFF4000  }
0x3cd: {  	[hbm4b:s17+s3] =	stream.linear.scatter [tilespmem:s0], [sflag:$0x2], $0xC000, $0x38;
	[tilespmem:$0x18080] =	vst v63  }
0x3ce: {  	_ =	swait.ge [sflag:s12], $0xC000  }
0x3cf: {  	[sflag:s12] =	ssyncset.done $0x0  }
0x3d0: {  	s31 =	rddreg [dreg:$0x1c];
	[sflag:s12] =	ssyncadd.s32 $0xFFFF4000  }
0x3d1: {  	[tilespmem:s3], [sflag:$0x3] =	stream.linear.gather [hbm4b:s31+s3], $0x30, $0x38;
	[tilespmem:$0x18080] =	vst v63  }
0x3d2: {  	_ =	swait.ge [sflag:s8], $0x30  }
0x3d3: {  	[sflag:s8] =	ssyncset.done $0x0  }
0x3d4: {  	[sflag:s8] =	ssyncadd.s32 $0xFFFFFFD0  }
0x3d5: {  	v3 =	vld [tilespmem:$0x0];
	_ =	sdelay $0x4  }
0x3d6: {  	v55 =	vshll.u32 v3, $0x3  }
0x3d7: {  	v3 =	vand.u32 $0x7, v3;
	v4 =	vand.u32 $0xFFFFFFC0, v55  }
0x3d8: {  	v3 =	vor.u32 v3, v4  }
0x3d9: {  	v4 =	vperm.xlane v3, v0;
	_ =	sdelay $0x1  }
0x3da: {  	v4 =	vadd.s32 v1, v4;
	_ =	sdelay $0x4  }
0x3db: {  	[tilespmem:s2], [sflag:$0x1] =	stream.indirect_vreg.gather [hbm4b:s1+s3], $0x80, v4, vm0, $0xb8;
	[tilespmem:$0x18080] =	vst v63  }
0x3dc: {  	s14 =	simm.s32 $0x880;
	v3 =	vperm.xlane v3, v2  }
0x3dd: {  	[tilespmem:s14], [sflag:$0x1] =	stream.indirect_vreg.gather [hbm4b:s4+s3], $0x80, v4, vm0, $0xb8;
	[tilespmem:$0x18080] =	vst v63  }
0x3de: {  	s17 =	simm.s32 $0x1080;
	v3 =	vadd.s32 v1, v3  }
0x3df: {  	[tilespmem:s17], [sflag:$0x1] =	stream.indirect_vreg.gather [hbm4b:s5+s3], $0x80, v4, vm0, $0xb8;
	[tilespmem:$0x18080] =	vst v63  }
0x3e0: {  	s31 =	simm.s32 $0x1880  }
0x3e1: {  	[tilespmem:s31], [sflag:$0x1] =	stream.indirect_vreg.gather [hbm4b:s6+s3], $0x80, v4, vm0, $0xb8;
	[tilespmem:$0x18080] =	vst v63  }
0x3e2: {  	s31 =	simm.s32 $0x2080  }
0x3e3: {  	[tilespmem:s31], [sflag:$0x1] =	stream.indirect_vreg.gather [hbm4b:s1+s3], $0x80, v3, vm0, $0xb8;
	[tilespmem:$0x18080] =	vst v63  }
0x3e4: {  	s31 =	simm.s32 $0x2880  }
0x3e5: {  	[tilespmem:s31], [sflag:$0x1] =	stream.indirect_vreg.gather [hbm4b:s4+s3], $0x80, v3, vm0, $0xb8;
	[tilespmem:$0x18080] =	vst v63  }
0x3e6: {  	s31 =	simm.s32 $0x3080  }
0x3e7: {  	[tilespmem:s31], [sflag:$0x1] =	stream.indirect_vreg.gather [hbm4b:s5+s3], $0x80, v3, vm0, $0xb8;
	[tilespmem:$0x18080] =	vst v63  }
0x3e8: {  	s31 =	simm.s32 $0x3880  }
0x3e9: {  	[tilespmem:s31], [sflag:$0x1] =	stream.indirect_vreg.gather [hbm4b:s6+s3], $0x80, v3, vm0, $0xb8;
	[tilespmem:$0x18080] =	vst v63  }
0x3ea: {  	v3 =	vld [tilespmem:$0x10];
	_ =	sdelay $0x4  }
0x3eb: {  	v56 =	vshll.u32 v3, $0x3  }
0x3ec: {  	v3 =	vand.u32 $0x7, v3;
	v4 =	vand.u32 $0xFFFFFFC0, v56  }
0x3ed: {  	v3 =	vor.u32 v3, v4  }
0x3ee: {  	v4 =	vperm.xlane v3, v0;
	_ =	sdelay $0x1  }
0x3ef: {  	v4 =	vadd.s32 v1, v4;
	_ =	sdelay $0x3  }
0x3f0: {  	s31 =	simm.s32 $0x4080  }
0x3f1: {  	[tilespmem:s31], [sflag:$0x1] =	stream.indirect_vreg.gather [hbm4b:s1+s3], $0x80, v4, vm0, $0xb8;
	[tilespmem:$0x18080] =	vst v63  }
0x3f2: {  	v3 =	vperm.xlane v3, v2;
	s31 =	simm.s32 $0x4880  }
0x3f3: {  	[tilespmem:s31], [sflag:$0x1] =	stream.indirect_vreg.gather [hbm4b:s4+s3], $0x80, v4, vm0, $0xb8;
	[tilespmem:$0x18080] =	vst v63  }
0x3f4: {  	v3 =	vadd.s32 v1, v3;
	s31 =	simm.s32 $0x5080  }
0x3f5: {  	[tilespmem:s31], [sflag:$0x1] =	stream.indirect_vreg.gather [hbm4b:s5+s3], $0x80, v4, vm0, $0xb8;
	[tilespmem:$0x18080] =	vst v63  }
0x3f6: {  	s31 =	simm.s32 $0x5880  }
0x3f7: {  	[tilespmem:s31], [sflag:$0x1] =	stream.indirect_vreg.gather [hbm4b:s6+s3], $0x80, v4, vm0, $0xb8;
	[tilespmem:$0x18080] =	vst v63  }
0x3f8: {  	s31 =	simm.s32 $0x6080  }
0x3f9: {  	[tilespmem:s31], [sflag:$0x1] =	stream.indirect_vreg.gather [hbm4b:s1+s3], $0x80, v3, vm0, $0xb8;
	[tilespmem:$0x18080] =	vst v63  }
0x3fa: {  	s31 =	simm.s32 $0x6880  }
0x3fb: {  	[tilespmem:s31], [sflag:$0x1] =	stream.indirect_vreg.gather [hbm4b:s4+s3], $0x80, v3, vm0, $0xb8;
	[tilespmem:$0x18080] =	vst v63  }
0x3fc: {  	s31 =	simm.s32 $0x7080  }
0x3fd: {  	[tilespmem:s31], [sflag:$0x1] =	stream.indirect_vreg.gather [hbm4b:s5+s3], $0x80, v3, vm0, $0xb8;
	[tilespmem:$0x18080] =	vst v63  }
0x3fe: {  	s31 =	simm.s32 $0x7880  }
0x3ff: {  	[tilespmem:s31], [sflag:$0x1] =	stream.indirect_vreg.gather [hbm4b:s6+s3], $0x80, v3, vm0, $0xb8;
	[tilespmem:$0x18080] =	vst v63  }
0x400: {  	v3 =	vld [tilespmem:$0x20];
	_ =	sdelay $0x4  }
0x401: {  	v57 =	vshll.u32 v3, $0x3  }
0x402: {  	v3 =	vand.u32 $0x7, v3;
	v4 =	vand.u32 $0xFFFFFFC0, v57  }
0x403: {  	v3 =	vor.u32 v3, v4  }
0x404: {  	v4 =	vperm.xlane v3, v0;
	_ =	sdelay $0x1  }
0x405: {  	v4 =	vadd.s32 v1, v4;
	_ =	sdelay $0x3  }
0x406: {  	s31 =	simm.s32 $0x8080  }
0x407: {  	[tilespmem:s31], [sflag:$0x1] =	stream.indirect_vreg.gather [hbm4b:s1+s3], $0x80, v4, vm0, $0xb8;
	[tilespmem:$0x18080] =	vst v63  }
0x408: {  	s13 =	simm.s32 $0x8880;
	v3 =	vperm.xlane v3, v2  }
0x409: {  	[tilespmem:s13], [sflag:$0x1] =	stream.indirect_vreg.gather [hbm4b:s4+s3], $0x80, v4, vm0, $0xb8;
	[tilespmem:$0x18080] =	vst v63  }
0x40a: {  	v3 =	vadd.s32 v1, v3;
	s13 =	simm.s32 $0x9080  }
0x40b: {  	[tilespmem:s13], [sflag:$0x1] =	stream.indirect_vreg.gather [hbm4b:s5+s3], $0x80, v4, vm0, $0xb8;
	[tilespmem:$0x18080] =	vst v63  }
0x40c: {  	s13 =	simm.s32 $0x9880  }
0x40d: {  	[tilespmem:s13], [sflag:$0x1] =	stream.indirect_vreg.gather [hbm4b:s6+s3], $0x80, v4, vm0, $0xb8;
	[tilespmem:$0x18080] =	vst v63  }
0x40e: {  	s13 =	simm.s32 $0xA080  }
0x40f: {  	[tilespmem:s13], [sflag:$0x1] =	stream.indirect_vreg.gather [hbm4b:s1+s3], $0x80, v3, vm0, $0xb8;
	[tilespmem:$0x18080] =	vst v63  }
0x410: {  	s13 =	simm.s32 $0xA880  }
0x411: {  	[tilespmem:s13], [sflag:$0x1] =	stream.indirect_vreg.gather [hbm4b:s4+s3], $0x80, v3, vm0, $0xb8;
	[tilespmem:$0x18080] =	vst v63  }
0x412: {  	s13 =	simm.s32 $0xB080  }
0x413: {  	[tilespmem:s13], [sflag:$0x1] =	stream.indirect_vreg.gather [hbm4b:s5+s3], $0x80, v3, vm0, $0xb8;
	[tilespmem:$0x18080] =	vst v63  }
0x414: {  	s18 =	simm.s32 $0xB880  }
0x415: {  	[tilespmem:s18], [sflag:$0x1] =	stream.indirect_vreg.gather [hbm4b:s6+s3], $0x80, v3, vm0, $0xb8;
	[tilespmem:$0x18080] =	vst v63  }
0x416: {  	_ =	swait.ge [sflag:s10], $0xC000  }
0x417: {  	[sflag:s10] =	ssyncset.done $0x0  }
0x418: {  	s13 =	rddreg [dreg:$0x1d];
	[sflag:s10] =	ssyncadd.s32 $0xFFFF4000  }
0x419: {  	[hbm4b:s13+s3] =	stream.linear.scatter [tilespmem:s2], [sflag:$0x2], $0xC000, $0x38;
	[tilespmem:$0x18080] =	vst v63  }
0x41a: {  	_ =	swait.ge [sflag:s12], $0xC000  }
0x41b: {  	[sflag:s12] =	ssyncset.done $0x0  }
0x41c: {  	s13 =	rddreg [dreg:$0x1e];
	[sflag:s12] =	ssyncadd.s32 $0xFFFF4000  }
0x41d: {  	[tilespmem:s3], [sflag:$0x3] =	stream.linear.gather [hbm4b:s13+s3], $0x30, $0x38;
	[tilespmem:$0x18080] =	vst v63  }
0x41e: {  	_ =	swait.ge [sflag:s8], $0x30  }
0x41f: {  	[sflag:s8] =	ssyncset.done $0x0  }
0x420: {  	[sflag:s8] =	ssyncadd.s32 $0xFFFFFFD0  }
0x421: {  	v3 =	vld [tilespmem:$0x0];
	_ =	sdelay $0x4  }
0x422: {  	v58 =	vshll.u32 v3, $0x3  }
0x423: {  	v3 =	vand.u32 $0x7, v3;
	v4 =	vand.u32 $0xFFFFFFC0, v58  }
0x424: {  	v3 =	vor.u32 v3, v4  }
0x425: {  	v4 =	vperm.xlane v3, v0;
	_ =	sdelay $0x1  }
0x426: {  	v4 =	vadd.s32 v1, v4;
	_ =	sdelay $0x4  }
0x427: {  	[tilespmem:s0], [sflag:$0x1] =	stream.indirect_vreg.gather [hbm4b:s1+s3], $0x80, v4, vm0, $0xb8;
	[tilespmem:$0x18080] =	vst v63  }
0x428: {  	s25 =	simm.s32 $0xC880;
	v3 =	vperm.xlane v3, v2  }
0x429: {  	[tilespmem:s25], [sflag:$0x1] =	stream.indirect_vreg.gather [hbm4b:s4+s3], $0x80, v4, vm0, $0xb8;
	[tilespmem:$0x18080] =	vst v63  }
0x42a: {  	s24 =	simm.s32 $0xD080;
	v3 =	vadd.s32 v1, v3  }
0x42b: {  	[tilespmem:s24], [sflag:$0x1] =	stream.indirect_vreg.gather [hbm4b:s5+s3], $0x80, v4, vm0, $0xb8;
	[tilespmem:$0x18080] =	vst v63  }
0x42c: {  	s11 =	simm.s32 $0xD880  }
0x42d: {  	[tilespmem:s11], [sflag:$0x1] =	stream.indirect_vreg.gather [hbm4b:s6+s3], $0x80, v4, vm0, $0xb8;
	[tilespmem:$0x18080] =	vst v63  }
0x42e: {  	s16 =	simm.s32 $0xE080  }
0x42f: {  	[tilespmem:s16], [sflag:$0x1] =	stream.indirect_vreg.gather [hbm4b:s1+s3], $0x80, v3, vm0, $0xb8;
	[tilespmem:$0x18080] =	vst v63  }
0x430: {  	s28 =	simm.s32 $0xE880  }
0x431: {  	[tilespmem:s28], [sflag:$0x1] =	stream.indirect_vreg.gather [hbm4b:s4+s3], $0x80, v3, vm0, $0xb8;
	[tilespmem:$0x18080] =	vst v63  }
0x432: {  	s15 =	simm.s32 $0xF080  }
0x433: {  	[tilespmem:s15], [sflag:$0x1] =	stream.indirect_vreg.gather [hbm4b:s5+s3], $0x80, v3, vm0, $0xb8;
	[tilespmem:$0x18080] =	vst v63  }
0x434: {  	s15 =	simm.s32 $0xF880  }
0x435: {  	[tilespmem:s15], [sflag:$0x1] =	stream.indirect_vreg.gather [hbm4b:s6+s3], $0x80, v3, vm0, $0xb8;
	[tilespmem:$0x18080] =	vst v63  }
0x436: {  	v3 =	vld [tilespmem:$0x10];
	_ =	sdelay $0x4  }
0x437: {  	v59 =	vshll.u32 v3, $0x3  }
0x438: {  	v3 =	vand.u32 $0x7, v3;
	v4 =	vand.u32 $0xFFFFFFC0, v59  }
0x439: {  	v3 =	vor.u32 v3, v4  }
0x43a: {  	v4 =	vperm.xlane v3, v0;
	_ =	sdelay $0x1  }
0x43b: {  	v4 =	vadd.s32 v1, v4;
	_ =	sdelay $0x3  }
0x43c: {  	s16 =	simm.s32 $0x10080  }
0x43d: {  	[tilespmem:s16], [sflag:$0x1] =	stream.indirect_vreg.gather [hbm4b:s1+s3], $0x80, v4, vm0, $0xb8;
	[tilespmem:$0x18080] =	vst v63  }
0x43e: {  	s24 =	simm.s32 $0x10880;
	v3 =	vperm.xlane v3, v2  }
0x43f: {  	[tilespmem:s24], [sflag:$0x1] =	stream.indirect_vreg.gather [hbm4b:s4+s3], $0x80, v4, vm0, $0xb8;
	[tilespmem:$0x18080] =	vst v63  }
0x440: {  	s26 =	simm.s32 $0x11080;
	v3 =	vadd.s32 v1, v3  }
0x441: {  	[tilespmem:s26], [sflag:$0x1] =	stream.indirect_vreg.gather [hbm4b:s5+s3], $0x80, v4, vm0, $0xb8;
	[tilespmem:$0x18080] =	vst v63  }
0x442: {  	s7 =	simm.s32 $0x11880  }
0x443: {  	[tilespmem:s7], [sflag:$0x1] =	stream.indirect_vreg.gather [hbm4b:s6+s3], $0x80, v4, vm0, $0xb8;
	[tilespmem:$0x18080] =	vst v63  }
0x444: {  	s9 =	simm.s32 $0x12080  }
0x445: {  	[tilespmem:s9], [sflag:$0x1] =	stream.indirect_vreg.gather [hbm4b:s1+s3], $0x80, v3, vm0, $0xb8;
	[tilespmem:$0x18080] =	vst v63  }
0x446: {  	s19 =	simm.s32 $0x12880  }
0x447: {  	[tilespmem:s19], [sflag:$0x1] =	stream.indirect_vreg.gather [hbm4b:s4+s3], $0x80, v3, vm0, $0xb8;
	[tilespmem:$0x18080] =	vst v63  }
0x448: {  	s20 =	simm.s32 $0x13080  }
0x449: {  	[tilespmem:s20], [sflag:$0x1] =	stream.indirect_vreg.gather [hbm4b:s5+s3], $0x80, v3, vm0, $0xb8;
	[tilespmem:$0x18080] =	vst v63  }
0x44a: {  	s25 =	simm.s32 $0x13880  }
0x44b: {  	[tilespmem:s25], [sflag:$0x1] =	stream.indirect_vreg.gather [hbm4b:s6+s3], $0x80, v3, vm0, $0xb8;
	[tilespmem:$0x18080] =	vst v63  }
0x44c: {  	v3 =	vld [tilespmem:$0x20];
	_ =	sdelay $0x4  }
0x44d: {  	v60 =	vshll.u32 v3, $0x3  }
0x44e: {  	v3 =	vand.u32 $0x7, v3;
	v4 =	vand.u32 $0xFFFFFFC0, v60  }
0x44f: {  	v3 =	vor.u32 v3, v4  }
0x450: {  	v4 =	vperm.xlane v3, v0;
	_ =	sdelay $0x1  }
0x451: {  	v4 =	vadd.s32 v1, v4;
	_ =	sdelay $0x3  }
0x452: {  	s26 =	simm.s32 $0x14080  }
0x453: {  	[tilespmem:s26], [sflag:$0x1] =	stream.indirect_vreg.gather [hbm4b:s1+s3], $0x80, v4, vm0, $0xb8;
	[tilespmem:$0x18080] =	vst v63  }
0x454: {  	s28 =	simm.s32 $0x14880;
	v3 =	vperm.xlane v3, v2  }
0x455: {  	[tilespmem:s28], [sflag:$0x1] =	stream.indirect_vreg.gather [hbm4b:s4+s3], $0x80, v4, vm0, $0xb8;
	[tilespmem:$0x18080] =	vst v63  }
0x456: {  	s21 =	simm.s32 $0x15080;
	v3 =	vadd.s32 v1, v3  }
0x457: {  	[tilespmem:s21], [sflag:$0x1] =	stream.indirect_vreg.gather [hbm4b:s5+s3], $0x80, v4, vm0, $0xb8;
	[tilespmem:$0x18080] =	vst v63  }
0x458: {  	s22 =	simm.s32 $0x15880  }
0x459: {  	[tilespmem:s22], [sflag:$0x1] =	stream.indirect_vreg.gather [hbm4b:s6+s3], $0x80, v4, vm0, $0xb8;
	[tilespmem:$0x18080] =	vst v63  }
0x45a: {  	s23 =	simm.s32 $0x16080  }
0x45b: {  	[tilespmem:s23], [sflag:$0x1] =	stream.indirect_vreg.gather [hbm4b:s1+s3], $0x80, v3, vm0, $0xb8;
	[tilespmem:$0x18080] =	vst v63  }
0x45c: {  	s29 =	simm.s32 $0x16880  }
0x45d: {  	[tilespmem:s29], [sflag:$0x1] =	stream.indirect_vreg.gather [hbm4b:s4+s3], $0x80, v3, vm0, $0xb8;
	[tilespmem:$0x18080] =	vst v63  }
0x45e: {  	s30 =	simm.s32 $0x17080  }
0x45f: {  	[tilespmem:s30], [sflag:$0x1] =	stream.indirect_vreg.gather [hbm4b:s5+s3], $0x80, v3, vm0, $0xb8;
	[tilespmem:$0x18080] =	vst v63  }
0x460: {  	s29 =	simm.s32 $0x17880  }
0x461: {  	[tilespmem:s29], [sflag:$0x1] =	stream.indirect_vreg.gather [hbm4b:s6+s3], $0x80, v3, vm0, $0xb8;
	[tilespmem:$0x18080] =	vst v63  }
0x462: {  	_ =	swait.ge [sflag:s10], $0xC000  }
0x463: {  	[sflag:s10] =	ssyncset.done $0x0  }
0x464: {  	s30 =	rddreg [dreg:$0x1f];
	[sflag:s10] =	ssyncadd.s32 $0xFFFF4000  }
0x465: {  	[hbm4b:s30+s3] =	stream.linear.scatter [tilespmem:s0], [sflag:$0x2], $0xC000, $0x38;
	[tilespmem:$0x18080] =	vst v63  }
0x466: {  	_ =	swait.ge [sflag:s12], $0xC000  }
0x467: {  	s0 =	sld [smem:$0x7FC]  }
0x468: {  	[sflag:s12] =	ssyncset.done $0x0  }
0x469: {  	[sflag:s12] =	ssyncadd.s32 $0xFFFF4000  }
0x46a: {  	[tilespmem:s3], [sflag:$0x3] =	stream.linear.gather [hbm4b:s0+s3], $0x30, $0x38;
	[tilespmem:$0x18080] =	vst v63  }
0x46b: {  	_ =	swait.ge [sflag:s8], $0x30  }
0x46c: {  	[sflag:s8] =	ssyncset.done $0x0  }
0x46d: {  	[sflag:s8] =	ssyncadd.s32 $0xFFFFFFD0  }
0x46e: {  	v3 =	vld [tilespmem:$0x0];
	_ =	sdelay $0x4  }
0x46f: {  	v61 =	vshll.u32 v3, $0x3  }
0x470: {  	v3 =	vand.u32 $0x7, v3;
	v4 =	vand.u32 $0xFFFFFFC0, v61  }
0x471: {  	v3 =	vor.u32 v3, v4  }
0x472: {  	v4 =	vperm.xlane v3, v0;
	_ =	sdelay $0x1  }
0x473: {  	v4 =	vadd.s32 v1, v4;
	_ =	sdelay $0x4  }
0x474: {  	[tilespmem:s2], [sflag:$0x1] =	stream.indirect_vreg.gather [hbm4b:s1+s3], $0x80, v4, vm0, $0xb8;
	[tilespmem:$0x18080] =	vst v63  }
0x475: {  	s14 =	simm.s32 $0x880;
	v3 =	vperm.xlane v3, v2  }
0x476: {  	[tilespmem:s14], [sflag:$0x1] =	stream.indirect_vreg.gather [hbm4b:s4+s3], $0x80, v4, vm0, $0xb8;
	[tilespmem:$0x18080] =	vst v63  }
0x477: {  	s17 =	simm.s32 $0x1080;
	v3 =	vadd.s32 v1, v3  }
0x478: {  	[tilespmem:s17], [sflag:$0x1] =	stream.indirect_vreg.gather [hbm4b:s5+s3], $0x80, v4, vm0, $0xb8;
	[tilespmem:$0x18080] =	vst v63  }
0x479: {  	s7 =	simm.s32 $0x1880  }
0x47a: {  	[tilespmem:s7], [sflag:$0x1] =	stream.indirect_vreg.gather [hbm4b:s6+s3], $0x80, v4, vm0, $0xb8;
	[tilespmem:$0x18080] =	vst v63  }
0x47b: {  	s9 =	simm.s32 $0x2080  }
0x47c: {  	[tilespmem:s9], [sflag:$0x1] =	stream.indirect_vreg.gather [hbm4b:s1+s3], $0x80, v3, vm0, $0xb8;
	[tilespmem:$0x18080] =	vst v63  }
0x47d: {  	s11 =	simm.s32 $0x2880  }
0x47e: {  	[tilespmem:s11], [sflag:$0x1] =	stream.indirect_vreg.gather [hbm4b:s4+s3], $0x80, v3, vm0, $0xb8;
	[tilespmem:$0x18080] =	vst v63  }
0x47f: {  	s13 =	simm.s32 $0x3080  }
0x480: {  	[tilespmem:s13], [sflag:$0x1] =	stream.indirect_vreg.gather [hbm4b:s5+s3], $0x80, v3, vm0, $0xb8;
	[tilespmem:$0x18080] =	vst v63  }
0x481: {  	s14 =	simm.s32 $0x3880  }
0x482: {  	[tilespmem:s14], [sflag:$0x1] =	stream.indirect_vreg.gather [hbm4b:s6+s3], $0x80, v3, vm0, $0xb8;
	[tilespmem:$0x18080] =	vst v63  }
0x483: {  	v3 =	vld [tilespmem:$0x10];
	_ =	sdelay $0x4  }
0x484: {  	v62 =	vshll.u32 v3, $0x3  }
0x485: {  	v3 =	vand.u32 $0x7, v3;
	v4 =	vand.u32 $0xFFFFFFC0, v62  }
0x486: {  	v3 =	vor.u32 v3, v4  }
0x487: {  	v4 =	vperm.xlane v3, v0;
	_ =	sdelay $0x1  }
0x488: {  	v4 =	vadd.s32 v1, v4;
	_ =	sdelay $0x3  }
0x489: {  	s15 =	simm.s32 $0x4080  }
0x48a: {  	[tilespmem:s15], [sflag:$0x1] =	stream.indirect_vreg.gather [hbm4b:s1+s3], $0x80, v4, vm0, $0xb8;
	[tilespmem:$0x18080] =	vst v63  }
0x48b: {  	s16 =	simm.s32 $0x4880;
	v3 =	vperm.xlane v3, v2  }
0x48c: {  	[tilespmem:s16], [sflag:$0x1] =	stream.indirect_vreg.gather [hbm4b:s4+s3], $0x80, v4, vm0, $0xb8;
	[tilespmem:$0x18080] =	vst v63  }
0x48d: {  	s17 =	simm.s32 $0x5080;
	v3 =	vadd.s32 v1, v3  }
0x48e: {  	[tilespmem:s17], [sflag:$0x1] =	stream.indirect_vreg.gather [hbm4b:s5+s3], $0x80, v4, vm0, $0xb8;
	[tilespmem:$0x18080] =	vst v63  }
0x48f: {  	s19 =	simm.s32 $0x5880  }
0x490: {  	[tilespmem:s19], [sflag:$0x1] =	stream.indirect_vreg.gather [hbm4b:s6+s3], $0x80, v4, vm0, $0xb8;
	[tilespmem:$0x18080] =	vst v63  }
0x491: {  	s20 =	simm.s32 $0x6080  }
0x492: {  	[tilespmem:s20], [sflag:$0x1] =	stream.indirect_vreg.gather [hbm4b:s1+s3], $0x80, v3, vm0, $0xb8;
	[tilespmem:$0x18080] =	vst v63  }
0x493: {  	s21 =	simm.s32 $0x6880  }
0x494: {  	[tilespmem:s21], [sflag:$0x1] =	stream.indirect_vreg.gather [hbm4b:s4+s3], $0x80, v3, vm0, $0xb8;
	[tilespmem:$0x18080] =	vst v63  }
0x495: {  	s22 =	simm.s32 $0x7080  }
0x496: {  	[tilespmem:s22], [sflag:$0x1] =	stream.indirect_vreg.gather [hbm4b:s5+s3], $0x80, v3, vm0, $0xb8;
	[tilespmem:$0x18080] =	vst v63  }
0x497: {  	s23 =	simm.s32 $0x7880  }
0x498: {  	[tilespmem:s23], [sflag:$0x1] =	stream.indirect_vreg.gather [hbm4b:s6+s3], $0x80, v3, vm0, $0xb8;
	[tilespmem:$0x18080] =	vst v63  }
0x499: {  	v3 =	vld [tilespmem:$0x20];
	_ =	sdelay $0x4  }
0x49a: {  	v63 =	vshll.u32 v3, $0x3  }
0x49b: {  	v3 =	vand.u32 $0x7, v3;
	v4 =	vand.u32 $0xFFFFFFC0, v63  }
0x49c: {  	v3 =	vor.u32 v3, v4  }
0x49d: {  	v4 =	vperm.xlane v3, v0;
	_ =	sdelay $0x1  }
0x49e: {  	v4 =	vadd.s32 v1, v4;
	_ =	sdelay $0x3  }
0x49f: {  	s31 =	simm.s32 $0x8080  }
0x4a0: {  	[tilespmem:s31], [sflag:$0x1] =	stream.indirect_vreg.gather [hbm4b:s1+s3], $0x80, v4, vm0, $0xb8;
	[tilespmem:$0x18080] =	vst v63  }
0x4a1: {  	s24 =	simm.s32 $0x8880;
	v3 =	vperm.xlane v3, v2  }
0x4a2: {  	[tilespmem:s24], [sflag:$0x1] =	stream.indirect_vreg.gather [hbm4b:s4+s3], $0x80, v4, vm0, $0xb8;
	[tilespmem:$0x18080] =	vst v63  }
0x4a3: {  	s25 =	simm.s32 $0x9080;
	v3 =	vadd.s32 v1, v3  }
0x4a4: {  	[tilespmem:s25], [sflag:$0x1] =	stream.indirect_vreg.gather [hbm4b:s5+s3], $0x80, v4, vm0, $0xb8;
	[tilespmem:$0x18080] =	vst v63  }
0x4a5: {  	s26 =	simm.s32 $0x9880  }
0x4a6: {  	[tilespmem:s26], [sflag:$0x1] =	stream.indirect_vreg.gather [hbm4b:s6+s3], $0x80, v4, vm0, $0xb8;
	[tilespmem:$0x18080] =	vst v63  }
0x4a7: {  	s28 =	simm.s32 $0xA080  }
0x4a8: {  	[tilespmem:s28], [sflag:$0x1] =	stream.indirect_vreg.gather [hbm4b:s1+s3], $0x80, v3, vm0, $0xb8;
	[tilespmem:$0x18080] =	vst v63  }
0x4a9: {  	s29 =	simm.s32 $0xA880  }
0x4aa: {  	[tilespmem:s29], [sflag:$0x1] =	stream.indirect_vreg.gather [hbm4b:s4+s3], $0x80, v3, vm0, $0xb8;
	[tilespmem:$0x18080] =	vst v63  }
0x4ab: {  	s30 =	simm.s32 $0xB080  }
0x4ac: {  	[tilespmem:s30], [sflag:$0x1] =	stream.indirect_vreg.gather [hbm4b:s5+s3], $0x80, v3, vm0, $0xb8;
	[tilespmem:$0x18080] =	vst v63  }
0x4ad: {  	s18 =	simm.s32 $0xB880  }
0x4ae: {  	[tilespmem:s18], [sflag:$0x1] =	stream.indirect_vreg.gather [hbm4b:s6+s3], $0x80, v3, vm0, $0xb8;
	[tilespmem:$0x18080] =	vst v63  }
0x4af: {  	s0 =	sld [smem:$0x7FB];
	_ =	swait.ge [sflag:s10], $0xC000  }
0x4b0: {  	s31 =	sld [smem:$0x7FD]  }
0x4b1: {  	[sflag:s10] =	ssyncset.done $0x0  }
0x4b2: {  	[sflag:s10] =	ssyncadd.s32 $0xFFFF4000  }
0x4b3: {  	[hbm4b:s31+s3] =	stream.linear.scatter [tilespmem:s2], [sflag:$0x2], $0xC000, $0x38;
	[tilespmem:$0x18080] =	vst v63  }
0x4b4: {  	p0 =	sne.s32 s0, $0x1;
	_ =	swait.ge [sflag:s12], $0xC000  }
.Ltmp0:
0x4b5: {  	[sflag:s12] =	ssyncset.done $0x0;
	(pc) =	sbr.rel @p0 .LBB2_1-.Ltmp0, $4  }
0x4b6: {  	[sflag:s12] =	ssyncadd.s32 $0xFFFF4000  }
0x4b7: {  	_ =	swait.ge [sflag:s12], $0xC000  }
0x4b8: {  	[sflag:s12] =	ssyncset.done $0x0  }
0x4b9: {  	s0 =	sadd.s32 $0xFFFFFFFF, s0;
	[sflag:s12] =	ssyncadd.s32 $0xFFFF4000  }
0x4ba: {  	_ =	sfence.sel $0x180000  }
0x4bb: {  	[bflag:$0x0] =	sbarrier.arrive $0xFFFF  }
0x4bc: {  	_ =	strace $0x9000004A  }
0x4bd: {  	s0 =	stileid.u32;
	[bflag:$0x2] =	sbarrier.arrive $0xFFFF  }
0x4be: {  	p0 =	sne.s32 s0, $0x0;
	s0 =	rddreg [dreg:$0x3]  }
0x4bf: {  	s0 =	sadd.s32 @!p0 $0x100000, s0  }
0x4c0: {  	[sflag:s0] =	ssyncadd.tile.s32 @!p0 $0x1;
	_ =	shalt  }
.Lfunc_end2:
_tile_overlayer_lowered:
.L_overlay_start_2:
0x4c1: {  	(tag) =	ssettag $0x2  }
0x4c2: {  	s0 =	rddreg [dreg:$0x0];
	s2 =	stileid.u32  }
0x4c3: {  	s1 =	rddreg [dreg:$0x1];
	p0 =	sne.s32 s2, $0x0  }
0x4c4: {  	s3 =	rddreg [dreg:$0x2];
	[bflag:$0x3] =	sbarrier.arrive $0xFFFF;
	s2 =	simm.s32 @!p0 $0x1C03  }
0x4c5: {  	[timem:s3], [sflag:s2] =	dma.local @!p0 [hbm:s0], s1  }
0x4c6: {  	s0 =	simm.s32 @!p0 $0x3  }
0x4c7: {  	_ =	swait.ge @!p0 [sflag:s0], s1  }
0x4c8: {  	s1 =	ssub.s32 @!p0 $0x0, s1;
	[sflag:s0] =	ssyncset.done @!p0 $0x0  }
0x4c9: {  	[sflag:s0] =	ssyncadd.s32 @!p0 s1  }
0x4ca: {  	[bflag:$0x3] =	sbarrier.arrive $0xFFFF  }
0x4cb: {  	_ =	shalt  }

// kernel: sparse-core-data-format-call.cloned.1.call-start
scs
called_computation_lowered:
.L_overlay_start_0:
0x0: {  	s2 =	sld [smem:$0x3FD9]  }
0x1: {  	s3 =	sld [smem:$0x3FFE];
	_ =	sdelay $0x1  }
0x2: {  	s1 =	srdreg.scid  }
0x3: {  	s0 =	sand.u32 $0x1, s1  }
0x4: {  	s15 =	sshll.u32 s0, $0xA;
	s2 =	sadd.s32 s3, s2  }
0x5: {  	s2 =	sadd.s32 s2, s15  }
0x6: {  	[smem:$0x3FC3] =	sst s2  }
0x7: {  	_ = 	snop  }
0x8: {  	s2 =	sld [smem:$0x3FD0];
	_ =	sdelay $0x2  }
0x9: {  	s16 =	simm.s32 $0xA;
	s4 =	simm.s32 $0x10  }
0xa: {  	[smem:s4], [sflag:s16] =	dma.local [hbm:s2], $0x1  }
0xb: {  	_ =	swait.eq [sflag:s16], $0x1  }
0xc: {  	[sflag:s16] =	ssyncset.done $0x0  }
0xd: {  	[sflag:s16] =	ssyncadd.s32 $0xFFFFFFFF  }
0xe: {  	s17 =	sld [smem:$0x10];
	(tm) =	ssettm $0x1  }
0xf: {  	s18 =	sld [smem:$0x3FFB];
	_ =	sdelay $0x3  }
0x10: {  	_ =	strace s18  }
0x11: {  	s3 =	sld [smem:$0x3FFC];
	_ =	sdelay $0x3  }
0x12: {  	_ =	strace s3  }
0x13: {  	s3 =	sld [smem:$0x3FFD];
	_ =	sdelay $0x3  }
0x14: {  	_ =	strace s3  }
0x15: {  	_ =	strace $0x8FFFFFFF  }
0x16: {  	s19 =	sld [smem:$0x3FDB];
	_ =	sdelay $0x1  }
0x17: {  	s20 =	simm.s32 $_scs_section_size  }
0x18: {  	s5 =	simm.s32 $_size__tile_overlayer_lowered;
	s6 =	simm.s32 $_tile_overlayer_lowered  }
0x19: {  	s23 =	simm.s32 $0x1BFF;
	s22 =	sshll.u32 s6, $0x1;
	s3 =	sadd.s32 s20, s19  }
0x1a: {  	s7 =	simm.s32 $0x0;
	s21 =	sshll.u32 s5, $0x1;
	s5 =	sadd.s32 s22, s3  }
0x1b: {  	[timem:s7], [sflag:s23] =	dma.local [hbm:s5], s21  }
0x1c: {  	_ =	swait.ge [sflag:s23], s21  }
0x1d: {  	s4 =	ssub.s32 $0x0, s21;
	[sflag:s23] =	ssyncset.done $0x0  }
0x1e: {  	[sflag:s23] =	ssyncadd.s32 s4;
	_ =	sdelay $0x1  }
0x1f: {  	s24 =	simm.s32 $0x1B8B  }
0x20: {  	_ =	swait.ge [sflag:s24], $0x1  }
0x21: {  	[sflag:s24] =	ssyncset.done $0x0  }
0x22: {  	s26 =	simm.s32 $0x1B8E;
	s25 =	sld [smem:$0x3FFE];
	[sflag:s24] =	ssyncadd.s32 $0xFFFFFFFF  }
0x23: {  	s27 =	simm.s32 $execute0_lowered;
	[smem:$0x3FD2] =	sst s26  }
0x24: {  	s5 =	sshll.u32 s27, $0x1;
	_ =	strace $0x8000004C;
	[dreg:$0x1] =	wrdreg $0xFFFFFFFF  }
0x25: {  	s28 =	simm.s32 $_size_execute0_lowered;
	s3 =	sadd.s32 s3, s5;
	[dreg:$0x0] =	wrdreg $0x0  }
0x26: {  	s5 =	sshll.u32 s28, $0x1;
	[dreg:$0x2] =	wrdreg s3  }
0x27: {  	[dreg:$0x3] =	wrdreg s5  }
0x28: {  	[dreg:$0x4] =	wrdreg $0xC0  }
0x29: {  	_ =	task [dreg:s7], $0x5FFFF  }
0x2a: {  	[dreg:$0x1] =	wrdreg $0xFFFFFFFF  }
0x2b: {  	[dreg:$0x0] =	wrdreg $0x60  }
0x2c: {  	[dreg:$0x2] =	wrdreg s25  }
0x2d: {  	[dreg:$0x3] =	wrdreg s17  }
0x2e: {  	[dreg:$0x4] =	wrdreg $0x9  }
0x2f: {  	_ =	task.clear_ibuf [dreg:s7], $0x5FFFF;
	_ =	strace $0x9000004C  }
0x30: {  	s29 =	simm.s32 $0x9;
	_ =	strace $0x8000004E  }
0x31: {  	_ =	swait.ge [sflag:s29], $0x1  }
0x32: {  	[sflag:s29] =	ssyncadd.s32 $0xFFFFFFFF  }
0x33: {  	_ =	strace $0x9000004E  }
0x34: {  	_ =	sfence  }
0x35: {  	s30 =	sld [smem:$0x0];
	_ =	sdelay $0x2  }
0x36: {  	s31 =	sshll.u32 s1, $0xD;
	s1 =	sshrl.u32 s1, $0x2  }
0x37: {  	s3 =	sand.u32 $0x4000, s31;
	s1 =	sadd.s32 s1, s30  }
0x38: {  	s0 =	sor.u32 s3, s0;
	s1 =	sshll.u32 s1, $0x11  }
0x39: {  	s0 =	sor.u32 s1, s0  }
0x3a: {  	s0 =	sadd.s32 $0x8F2B, s0  }
0x3b: {  	[sflag:s0] =	ssyncadd.remote.s32 $0x1  }
0x3c: {  	_ =	sfence.sel $0xFFFF  }
0x3d: {  	[dreg:$0x0] =	wrdreg $0xFFFFFFFF;
	(pc) =	sbr.abs _section_cstart, $3  }
0x3e: {  	[dreg:$0x1] =	wrdreg $0xFFFFFFFF  }
0x3f: {  	_ =	task.clear_ibuf [dreg:s7], $0x2FFFF;
	_ =	strace $0x9FFFFFFF  }
0x40: {  	(tm) =	ssettm $0x7FFFFFFF  }
0x41: {  	_ =	shalt  }
tec
execute0_lowered:
.L_overlay_start_1:
0x0: {  	(tag) =	ssettag $0x1  }
0x1: {  	s4 =	stileid.u32;
	s0 =	srdreg.scid  }
0x2: {  	s2 =	rddreg [dreg:$0x0];
	_ =	strace $0x8000004D;
	s31 =	simm.s32 $0x2  }
0x3: {  	s18 =	simm.s32 $0x0;
	s10 =	simm.s32 $0x800;
	s11 =	simm.s32 $0x2000  }
0x4: {  	s12 =	simm.s32 $0x0;
	s1 =	sshll.u32 s4, $0x5;
	s0 =	sshll.u32 s0, $0x9  }
0x5: {  	s19 =	simm.s32 $0x0;
	s20 =	simm.s32 $0x0;
	s0 =	sor.u32 s1, s0  }
0x6: {  	s13 =	simm.s32 $0x0;
	s28 =	sshll.u32 s4, $0x3;
	s3 =	sand.u32 $0x300, s0  }
0x7: {  	s14 =	simm.s32 $0x0;
	s4 =	sand.u32 $0x38, s28;
	s29 =	ssub.s32 $0x400, s3  }
0x8: {  	s16 =	simm.s32 $0x0;
	s5 =	ssub.s32 $0xB30, s4;
	s30 =	sand.u32 $0x300, s29  }
0x9: {  	s0 =	simm.s32 $0x1;
	s6 =	sshrl.u32 s5, $0x6;
	p0 =	sne.s32 s30, $0x0  }
.Ltmp0:
0xa: {  	s1 =	sshrl.u32 s29, $0xA;
	s0 =	simm.s32 @!p0 $0x0;
	(pc) =	sbr.rel .LBB1_1-.Ltmp0, $4  }
0xb: {  	s17 =	simm.s32 $0x0;
	s6 =	sadd.s32 $0x1, s6;
	s0 =	sadd.s32 s0, s1  }
0xc: {  	s26 =	simm.s32 $0x0;
	s5 =	simm.s32 $0x1;
	s6 =	smul.u32 s6, s0  }
0xd: {  	s7 =	sadd.s32 $0x2D1C00, s2;
	s15 =	smov.u32 s4;
	[sflag:s5] =	ssyncpa.u1 $0x0  }
0xe: {  	s8 =	sshll.u32 s3, $0x3;
	[sflag:s31] =	ssyncpa.u1 $0x0;
	s9 =	sadd.s32 $0x1, s6  }
.LBB1_7:
0xf: {  	p0 =	slt.u32 s17, $0x2  }
0x10: {  	p1 =	sgt.s32 @!p0 s18, $0xB2B  }
0x11: {  	s0 =	smov.u32 s18;
	s1 =	sshra.s32 @!p0 s18, $0x1F;
	p1 =	por !p1, p0  }
0x12: {  	s1 =	sand.u32 @!p0 s1, s18;
	s0 =	simm.s32 @p1 $0xB2B  }
0x13: {  	s0 =	ssub.s32 @!p0 s0, s1  }
0x14: {  	s2 =	ssub.s32 @!p0 $0x0, s19;
	s1 =	sadd.s32 @!p0 $0xFFFFF4D5, s0  }
0x15: {  	p1 =	sgt.s32 @!p0 s1, $0x7;
	s1 =	smin.u32 @!p0 s19, s2  }
0x16: {  	s0 =	ssub.s32 @!p0 $0xB33, s0;
	p2 =	sgt.s32 @!p0 s1, $0x7;
	s1 =	sshll.u32 @!p0 s1, $0x8  }
0x17: {  	p1 =	por !p1, p0;
	s1 =	ssub.s32 @!p0 $0x800, s1;
	p2 =	por !p2, p0  }
0x18: {  	s0 =	simm.s32 @!p1 $0x0;
	s1 =	simm.s32 @!p2 $0x0  }
0x19: {  	s0 =	smul.u32 @!p0 s0, s1;
	s1 =	sadd.s32 $0x40, s15  }
0x1a: {  	s21 =	smov.u32 s16;
	s18 =	sadd.s32 $0x8, s16;
	p1 =	sgt.s32 s1, $0xB32  }
0x1b: {  	s21 =	smov.u32 @p1 s18  }
0x1c: {  	s1 =	smov.u32 @p1 s4;
	p1 =	sgt.s32 s21, $0x7  }
0x1d: {  	s12 =	sadd.s32 $0x4000, s12;
	s21 =	simm.s32 @p1 $0x0;
	p1 =	sne.s32 s17, s9  }
.Ltmp1:
0x1e: {  	s20 =	smov.u32 s3;
	s2 =	simm.s32 @!p0 $0x2;
	(pc) =	sbr.rel @!p1 .LBB1_8-.Ltmp1, $4  }
0x1f: {  	s19 =	smov.u32 s14;
	s14 =	smov.u32 s16;
	s0 =	sand.u32 @!p0 $0x3FFFFF00, s0  }
0x20: {  	s18 =	smov.u32 s13;
	s13 =	smov.u32 s15;
	_ =	swait.ge @!p0 [sflag:s2], s0  }
0x21: {  	s0 =	ssub.s32 @!p0 $0x0, s0;
	s15 =	smov.u32 s1;
	[sflag:s2] =	ssyncset.done @!p0 $0x0  }
0x22: {  	s17 =	sadd.s32 $0x1, s17;
	[sflag:s2] =	ssyncadd.s32 @!p0 s0;
	s16 =	smov.u32 s21  }
.LBB1_1:
0x23: {  	p0 =	sge.u32 s17, s6  }
0x24: {  	s0 =	sshll.u32 @!p0 s15, $0xA  }
0x25: {  	s0 =	sand.u32 @!p0 $0xFFFFE000, s0  }
0x26: {  	s0 =	sor.u32 @!p0 s8, s0  }
0x27: {  	s0 =	sshrl.u32 @!p0 s0, $0xA  }
0x28: {  	s1 =	smulhi.u32 @!p0 $0x2DA34D, s0;
	_ =	sdelay $0x1  }
0x29: {  	s1 =	sshrl.u32 @!p0 s1, $0x1  }
0x2a: {  	s1 =	smul.u32 @!p0 $0xB38, s1  }
0x2b: {  	s31 =	sadd.s32 $0xFFFFFFFF, s17;
	s2 =	smul.u32 @!p0 $0x59C00, s16  }
0x2c: {  	s21 =	sxor.u32 @!p0 $0xFFFFFFFF, s17;
	s0 =	ssub.s32 @!p0 s0, s1;
	s1 =	sshll.u32 @!p0 s15, $0x4  }
0x2d: {  	s21 =	sshll.u32 @!p0 s21, $0xE;
	s2 =	sadd.s32 @!p0 s7, s2;
	s1 =	sand.u32 @!p0 $0x70, s1  }
0x2e: {  	s21 =	sand.u32 @!p0 $0x4000, s21;
	s0 =	sshll.u32 @!p0 s0, $0x7;
	s1 =	sadd.s32 @!p0 s1, s2  }
0x2f: {  	s2 =	simm.s32 @!p0 $0x2CE000;
	s0 =	sadd.s32 @!p0 s0, s1;
	s1 =	simm.s32 @!p0 $0x800  }
0x30: {  	[tilespmem:s21], [sflag:$0x1] =	stream.strided.gather @!p0 [hbm4b:s0+s1], $0x4000, s2, s1, $0x38;
	[tilespmem:$0x10000] =	vst v63  }
0x31: {  	p0 =	sge.u32 s31, s6  }
.Ltmp2:
0x32: {  	_ = 	snop;
	(pc) =	sbr.rel @p0 .LBB1_7-.Ltmp2, $1  }
0x33: {  	_ =	sdelay $0x3  }
0x34: {  	s0 =	sshll.u32 s12, $0x2;
	_ =	swait.ge [sflag:s5], $0x4000;
	s1 =	sshll.u32 s17, $0xE  }
0x35: {  	p0 =	por $0x0, $0x0;
	s27 =	simm.s32 $0x0;
	s28 =	simm.s32 $0x0  }
0x36: {  	s0 =	sand.u32 $0x10000, s0;
	[sflag:s5] =	ssyncset.done $0x0;
	s24 =	sand.u32 $0x4000, s1  }
0x37: {  	s0 =	sshrl.u32 s0, $0x2;
	[sflag:s5] =	ssyncadd.s32 $0xFFFFC000;
	s21 =	sor.u32 $0x8000, s24  }
0x38: {  	s22 =	sor.u32 $0x40, s0;
	s23 =	sor.u32 $0x8410, s0;
	s25 =	sadd.s32 $0x8400, s0  }
.LBB1_3:
0x39: {  	v1 =	vld [tilespmem:s22+$0xFFFFFFD0]  }
0x3a: {  	v2 =	vld [tilespmem:s22+$0x430]  }
0x3b: {  	s0 =	sshll.u32 s28, $0xB;
	v4 =	vld [tilespmem:s22+$0xFFFFFFE0]  }
0x3c: {  	v7 =	vld [tilespmem:s22+$0xFFFFFFF0];
	v0 =	vmov s0  }
0x3d: {  	v8 =	vld [tilespmem:s22+$0x0]  }
0x3e: {  	s2 =	sand.u32 $0x300, s26;
	v9 =	vld [tilespmem:s22+$0x10]  }
0x3f: {  	s1 =	sand.u32 $0x80, s26;
	v10 =	vld [tilespmem:s22+$0x20];
	s0 =	sadd.s32 s2, s24  }
0x40: {  	v11 =	vld [tilespmem:s22+$0x30];
	s0 =	sadd.s32 s1, s0;
	s1 =	simm.s32 $0x1;
	[tilespmem:s23+$0x60] =	vst v2  }
0x41: {  	s2 =	sshll.u32 s27, $0x2;
	s1 =	simm.s32 @!p0 $0x0;
	[tilespmem:s23+$0xFFFFFC00] =	vst v1;
	v3 =	vld.idx.msk [tilespmem:v0+s0+$0x400 ss:$0x1], $0xffff  }
0x42: {  	v6 =	vld [tilespmem:s22+$0x3D0];
	s1 =	sshll.u32 s1, $0x9;
	[tilespmem:s23+$0xFFFFFC10] =	vst v4;
	s0 =	sand.u32 $0xFFFFFC00, s2  }
0x43: {  	v5 =	vld [tilespmem:s22+$0x3E0];
	[tilespmem:s23+$0xFFFFFC20] =	vst v7;
	s0 =	sor.u32 s1, s0  }
0x44: {  	[tilespmem:s23+$0xFFFFFC30] =	vst v8;
	v4 =	vld [tilespmem:s22+$0x400];
	s0 =	sshrl.u32 s0, $0x2  }
0x45: {  	[tilespmem:s23+$0xFFFFFC40] =	vst v9;
	v1 =	vld [tilespmem:s22+$0x410];
	s29 =	sadd.s32 s0, s25  }
0x46: {  	[tilespmem:s29+$0x0] =	vst v3;
	v3 =	vld [tilespmem:s22+$0x3F0]  }
0x47: {  	s30 =	sadd.s32 $0x80, s22;
	[tilespmem:s23+$0xFFFFFC50] =	vst v10;
	v2 =	vld [tilespmem:s22+$0x420];
	s0 =	simm.s32 $0x80  }
0x48: {  	s31 =	smov.u32 s23;
	v7 =	vld [tilespmem:s22+$0xFFFFFFC0];
	[tilespmem:s23+$0xFFFFFC60] =	vst v11;
	s1 =	simm.s32 $0x100;
	s2 =	sand.u32 $0x300, s0  }
.LBB1_4:
0x49: {  	p1 =	sne.s32 s1, $0x380;
	v8 =	vld [tilespmem:s30+$0xFFFFFFD0];
	s0 =	sand.u32 $0x80, s0;
	s2 =	sadd.s32 s2, s24;
	[tilespmem:s31+$0x0] =	vst v6  }
0x4a: {  	s2 =	sadd.s32 s0, s2;
	v6 =	vld [tilespmem:s30+$0x430];
	[tilespmem:s31+$0x10] =	vst v5;
	s0 =	smov.u32 s1  }
0x4b: {  	v5 =	vld.idx.msk [tilespmem:v0+s2+$0x400 ss:$0x1], $0xffff;
	[tilespmem:s31+$0x20] =	vst v3  }
0x4c: {  	v3 =	vld [tilespmem:s30+$0xFFFFFFE0];
	[tilespmem:s31+$0x30] =	vst v4  }
0x4d: {  	v4 =	vld [tilespmem:s30+$0xFFFFFFF0];
	[tilespmem:s31+$0xFFFFFBF0] =	vst v7  }
0x4e: {  	v7 =	vld [tilespmem:s30+$0x0];
	[tilespmem:s31+$0x40] =	vst v1  }
0x4f: {  	v1 =	vld [tilespmem:s30+$0x10];
	[tilespmem:s31+$0x50] =	vst v2;
	s31 =	sadd.s32 $0x800, s31  }
0x50: {  	s29 =	sadd.s32 $0x800, s29;
	v2 =	vld [tilespmem:s30+$0x20];
	[tilespmem:s31+$0x60] =	vst v6  }
0x51: {  	v9 =	vld [tilespmem:s30+$0x30];
	[tilespmem:s29+$0x0] =	vst v5  }
0x52: {  	[tilespmem:s31+$0xFFFFFC00] =	vst v8;
	v6 =	vld [tilespmem:s30+$0x3D0]  }
0x53: {  	[tilespmem:s31+$0xFFFFFC10] =	vst v3;
	v5 =	vld [tilespmem:s30+$0x3E0]  }
.Ltmp3:
0x54: {  	[tilespmem:s31+$0xFFFFFC20] =	vst v4;
	v3 =	vld [tilespmem:s30+$0x3F0];
	(pc) =	sbr.rel @p1 .LBB1_4-.Ltmp3, $4  }
0x55: {  	[tilespmem:s31+$0xFFFFFC30] =	vst v7;
	v4 =	vld [tilespmem:s30+$0x400]  }
0x56: {  	[tilespmem:s31+$0xFFFFFC40] =	vst v1;
	v1 =	vld [tilespmem:s30+$0x410]  }
0x57: {  	[tilespmem:s31+$0xFFFFFC50] =	vst v2;
	v2 =	vld [tilespmem:s30+$0x420]  }
0x58: {  	s1 =	sadd.s32 $0x80, s1;
	s2 =	sand.u32 $0x300, s0;
	v7 =	vld [tilespmem:s30+$0xFFFFFFC0];
	[tilespmem:s31+$0xFFFFFC60] =	vst v9;
	s30 =	sadd.s32 $0x80, s30  }
0x59: {  	[tilespmem:s31+$0x0] =	vst v6  }
0x5a: {  	[tilespmem:s31+$0x10] =	vst v5  }
0x5b: {  	v49 =	vld [tilespmem:s30+$0x430];
	[tilespmem:s31+$0x20] =	vst v3  }
0x5c: {  	v50 =	vld [tilespmem:s30+$0xFFFFFFD0];
	[tilespmem:s31+$0x30] =	vst v4  }
0x5d: {  	v51 =	vld [tilespmem:s30+$0xFFFFFFE0];
	[tilespmem:s31+$0x40] =	vst v1  }
0x5e: {  	v52 =	vld [tilespmem:s30+$0xFFFFFFF0];
	[tilespmem:s31+$0x50] =	vst v2  }
0x5f: {  	s1 =	sadd.s32 s2, s24;
	s2 =	sadd.s32 $0x800, s31;
	v53 =	vld [tilespmem:s30+$0x0];
	[tilespmem:s31+$0xFFFFFBF0] =	vst v7  }
0x60: {  	v54 =	vld [tilespmem:s30+$0x10];
	[tilespmem:s2+$0x60] =	vst v49  }
0x61: {  	v55 =	vld [tilespmem:s30+$0x20];
	[tilespmem:s2+$0xFFFFFC00] =	vst v50  }
0x62: {  	v56 =	vld [tilespmem:s30+$0x30];
	[tilespmem:s2+$0xFFFFFC10] =	vst v51  }
0x63: {  	v57 =	vld [tilespmem:s30+$0x3D0];
	[tilespmem:s2+$0xFFFFFC20] =	vst v52  }
0x64: {  	v58 =	vld [tilespmem:s30+$0x3E0];
	[tilespmem:s2+$0xFFFFFC30] =	vst v53  }
0x65: {  	v59 =	vld [tilespmem:s30+$0x3F0];
	[tilespmem:s2+$0xFFFFFC40] =	vst v54  }
0x66: {  	v60 =	vld [tilespmem:s30+$0x400];
	[tilespmem:s2+$0xFFFFFC50] =	vst v55  }
0x67: {  	v61 =	vld [tilespmem:s30+$0xFFFFFFC0];
	[tilespmem:s2+$0xFFFFFC60] =	vst v56  }
0x68: {  	s0 =	sand.u32 $0x80, s0;
	v62 =	vld [tilespmem:s30+$0x410];
	[tilespmem:s2+$0x0] =	vst v57  }
0x69: {  	v63 =	vld [tilespmem:s30+$0x420];
	s28 =	sadd.s32 $0x1, s28;
	s0 =	sadd.s32 s0, s1;
	[tilespmem:s2+$0x10] =	vst v58  }
0x6a: {  	p1 =	sne.s32 s28, $0x8;
	v0 =	vld.idx.msk [tilespmem:v0+s0+$0x400 ss:$0x1], $0xffff;
	[tilespmem:s2+$0x20] =	vst v59  }
.Ltmp4:
0x6b: {  	[tilespmem:s2+$0x30] =	vst v60;
	(pc) =	sbr.rel @p1 .LBB1_3-.Ltmp4, $4  }
0x6c: {  	[tilespmem:s2+$0xFFFFFBF0] =	vst v61  }
0x6d: {  	[tilespmem:s2+$0x40] =	vst v62  }
0x6e: {  	s22 =	sadd.s32 $0x800, s22;
	s31 =	sadd.s32 $0x800, s29;
	[tilespmem:s2+$0x50] =	vst v63  }
0x6f: {  	s27 =	sadd.s32 $0x80, s27;
	p0 =	por !p0, !p0;
	s23 =	sadd.s32 $0x80, s23;
	[tilespmem:s31+$0x0] =	vst v0  }
0x70: {  	p0 =	sgt.s32 s13, $0xB2B  }
0x71: {  	s0 =	smov.u32 s13;
	s1 =	sshra.s32 s13, $0x1F;
	s28 =	ssub.s32 $0x0, s14  }
0x72: {  	s30 =	sshll.u32 s13, $0xA;
	s0 =	simm.s32 @!p0 $0xB2B;
	s1 =	sand.u32 s1, s13  }
0x73: {  	s22 =	rddreg [dreg:$0x1];
	s0 =	ssub.s32 s0, s1;
	s1 =	smin.u32 s14, s28  }
0x74: {  	s2 =	sadd.s32 $0xFFFFF4D5, s0;
	s29 =	sshll.u32 s1, $0x8;
	s0 =	ssub.s32 $0xB33, s0  }
0x75: {  	p1 =	sgt.s32 s1, $0x7;
	p0 =	sgt.s32 s2, $0x7;
	s1 =	ssub.s32 $0x800, s29  }
.Ltmp5:
0x76: {  	s0 =	simm.s32 @p0 $0x0;
	s1 =	simm.s32 @p1 $0x0;
	(pc) =	sbr.rel .LBB1_7-.Ltmp5, $4  }
0x77: {  	s31 =	sshll.u32 s14, $0x4;
	s20 =	sadd.s32 s22, s20;
	s0 =	smul.u32 s0, s1  }
0x78: {  	s2 =	sand.u32 $0x70, s31;
	s1 =	sadd.s32 s30, s20  }
0x79: {  	s1 =	sadd.s32 s2, s1;
	s0 =	sand.u32 $0x3FFFFF00, s0  }
0x7a: {  	[hbm4b:s1+s10] =	stream.strided.scatter [tilespmem:s21], [sflag:$0x2], s0, s11, s10, $0x38;
	[tilespmem:$0x10000] =	vst v63  }
.LBB1_8:
0x7b: {  	_ =	sfence.sel $0x180000  }
0x7c: {  	s0 =	simm.s32 $0x1;
	[bflag:$0x0] =	sbarrier.arrive $0xFFFF  }
0x7d: {  	s30 =	simm.s32 $0x2;
	[sflag:s0] =	ssyncpa.u1 $0x1  }
0x7e: {  	[sflag:s30] =	ssyncpa.u1 $0x1  }
0x7f: {  	_ =	strace $0x9000004D  }
0x80: {  	s31 =	stileid.u32;
	[bflag:$0x2] =	sbarrier.arrive $0xFFFF  }
0x81: {  	p0 =	sne.s32 s31, $0x0;
	s0 =	rddreg [dreg:$0x2]  }
0x82: {  	s0 =	sadd.s32 @!p0 $0x100000, s0  }
0x83: {  	[sflag:s0] =	ssyncadd.tile.s32 @!p0 $0x1;
	_ =	shalt  }
.Lfunc_end1:
_tile_overlayer_lowered:
.L_overlay_start_2:
0x84: {  	(tag) =	ssettag $0x2  }
0x85: {  	s0 =	rddreg [dreg:$0x0];
	s2 =	stileid.u32  }
0x86: {  	s1 =	rddreg [dreg:$0x1];
	p0 =	sne.s32 s2, $0x0  }
0x87: {  	s3 =	rddreg [dreg:$0x2];
	[bflag:$0x3] =	sbarrier.arrive $0xFFFF;
	s2 =	simm.s32 @!p0 $0x1C01  }
0x88: {  	[timem:s3], [sflag:s2] =	dma.local @!p0 [hbm:s0], s1  }
0x89: {  	s0 =	simm.s32 @!p0 $0x1  }
0x8a: {  	_ =	swait.ge @!p0 [sflag:s0], s1  }
0x8b: {  	s1 =	ssub.s32 @!p0 $0x0, s1;
	[sflag:s0] =	ssyncset.done @!p0 $0x0  }
0x8c: {  	[sflag:s0] =	ssyncadd.s32 @!p0 s1  }
0x8d: {  	[bflag:$0x3] =	sbarrier.arrive $0xFFFF  }
0x8e: {  	_ =	shalt  }

</sc_bundles>
